<compile_context>
chip_gen: v7x
topology: tpu7x:2x2x1
jax: 0.10.2.dev20260603
libtpu: 0.0.44.dev20260713+nightly
codegen_flags: <defaults>
</compile_context>

<pallas_src>
import functools

import jax
import jax.numpy as jnp
import numpy as np
from jax import lax
from jax.experimental import pallas as pl
from jax.experimental.pallas import tpu as pltpu
from jax.experimental.pallas import tpu_sc as plsc

N = 10000
E = 320000
IN_CH = 128
HID = 128
OUT = 64

NC = 2
NS = 16
RPT = 632
NPAD = NS * RPT

C0 = 245760
C1 = E - C0


def _nch(edges, k):
  n = -(-edges // (NS * k))
  return n + (n % 2)


def _make_seg(D, K, with_cnt):
  NCH0 = _nch(C0, K)
  NCH1 = _nch(C1, K)
  mesh = plsc.VectorSubcoreMesh(core_axis_name="c", subcore_axis_name="s")
  out_type = [jax.ShapeDtypeStruct((NC, NPAD, D), jnp.float32)]
  scratch = [
      pltpu.VMEM((NCH0, K), jnp.int32),
      pltpu.VMEM((K,), jnp.int32),
      pltpu.VMEM((K,), jnp.int32),
      pltpu.VMEM((K, D), jnp.float32),
      pltpu.VMEM((K, D), jnp.float32),
      pltpu.VMEM_SHARED((NPAD, D), jnp.float32),
      pltpu.SemaphoreType.DMA,
      pltpu.SemaphoreType.DMA,
  ]
  if with_cnt:
    out_type.append(jax.ShapeDtypeStruct((NC, NS, RPT), jnp.float32))
    scratch += [
        pltpu.VMEM_SHARED((NPAD,), jnp.float32),
        pltpu.VMEM((640,), jnp.float32),
        pltpu.VMEM((K,), jnp.float32),
    ]

  def body(p_hbm, src0_hbm, dst0_hbm, src1_hbm, dst1_hbm, *rest):
    if with_cnt:
      (acc_out, cnt_out, src_v, dst0_v, dst1_v, rows0_v, rows1_v, acc_sh,
       sem0, sem1, cnt_sh, zrow_v, ones_v) = rest
    else:
      (acc_out, src_v, dst0_v, dst1_v, rows0_v, rows1_v, acc_sh,
       sem0, sem1) = rest
    sems = (sem0, sem1)
    rows = (rows0_v, rows1_v)
    dsts = (dst0_v, dst1_v)
    cid = lax.axis_index("c")
    sid = lax.axis_index("s")
    r0 = sid * RPT

    zv = jnp.zeros((16,), jnp.float32)

    def zb(i, carry):
      for l in range(D // 16):
        rows0_v[i, pl.ds(l * 16, 16)] = zv
      return carry
    lax.fori_loop(0, K, zb, 0)
    if with_cnt:
      def cb(i, carry):
        zrow_v[pl.ds(i * 16, 16)] = zv
        return carry
      lax.fori_loop(0, 640 // 16, cb, 0)
      def ob(i, carry):
        ones_v[pl.ds(i * 16, 16)] = zv + 1.0
        return carry
      lax.fori_loop(0, K // 16, ob, 0)
      pltpu.sync_copy(zrow_v.at[pl.ds(0, RPT)], cnt_sh.at[pl.ds(r0, RPT)])

    off = 0
    while off < RPT:
      seg = min(K, RPT - off)
      pltpu.sync_copy(rows0_v.at[pl.ds(0, seg)],
                      acc_sh.at[pl.ds(r0 + off, seg)])
      off += seg
    plsc.subcore_barrier()

    def run_edges(src_hbm, dst_hbm, nch):
      pltpu.sync_copy(src_hbm.at[sid], src_v.at[pl.ds(0, nch)])
      for b in range(2):
        pltpu.async_copy(p_hbm.at[src_v.at[b]], rows[b], sems[b])
        pltpu.async_copy(dst_hbm.at[sid, b], dsts[b], sems[b])

      def wait_pair(b):
        pltpu.make_async_copy(p_hbm.at[pl.ds(0, K)], rows[b], sems[b]).wait()
        pltpu.make_async_copy(dst_hbm.at[0, 0], dsts[b], sems[b]).wait()

      def eb(i, carry):
        for b in range(2):
          j = i * 2 + b
          wait_pair(b)
          pltpu.sync_copy(rows[b], acc_sh.at[dsts[b]], add=True)
          if with_cnt:
            pltpu.sync_copy(ones_v, cnt_sh.at[dsts[b]], add=True)
          jn = jnp.minimum(j + 2, nch - 1)
          pltpu.async_copy(p_hbm.at[src_v.at[jn]], rows[b], sems[b])
          pltpu.async_copy(dst_hbm.at[sid, jn], dsts[b], sems[b])
        return carry
      lax.fori_loop(0, nch // 2, eb, 0)
      for b in range(2):
        wait_pair(b)

    @pl.when(cid == 0)
    def _():
      run_edges(src0_hbm, dst0_hbm, NCH0)

    @pl.when(cid != 0)
    def _():
      run_edges(src1_hbm, dst1_hbm, NCH1)

    plsc.subcore_barrier()

    pltpu.sync_copy(acc_sh.at[pl.ds(r0, RPT)], acc_out.at[cid, pl.ds(r0, RPT)])
    if with_cnt:
      pltpu.sync_copy(cnt_sh.at[pl.ds(r0, RPT)], cnt_out.at[cid, sid])

  return pl.kernel(body, out_type=tuple(out_type), mesh=mesh,
                   scratch_types=tuple(scratch),
                   compiler_params=pltpu.CompilerParams(
                       use_tc_tiling_on_sc=False))


K1 = 128
K2 = 256
_seg_cnt = _make_seg(HID, K1, True)
_seg2 = _make_seg(OUT, K2, False)


def _mm1_body(x_ref, wl_ref, wr_ref, b_ref, p_ref, r_ref):
  x = x_ref[...]
  p_ref[...] = jnp.dot(x, wl_ref[...], preferred_element_type=jnp.float32)
  r_ref[...] = jnp.dot(x, wr_ref[...],
                       preferred_element_type=jnp.float32) + b_ref[...]


_mm1 = pl.pallas_call(
    _mm1_body,
    out_shape=(jax.ShapeDtypeStruct((N, HID), jnp.float32),
               jax.ShapeDtypeStruct((N, HID), jnp.float32)),
)


def _mid_body(acc_ref, cnt_ref, r1_ref, wl_ref, wr_ref, b_ref, p2_ref, r2_ref):
  agg = acc_ref[0, :N, :] + acc_ref[1, :N, :]
  cnt = jnp.sum(cnt_ref[:, :N], axis=0)[:, None]
  rc = 1.0 / jnp.maximum(cnt, 1.0)
  h = jnp.maximum(agg * rc + r1_ref[...], 0.0)
  p2_ref[...] = jnp.dot(h, wl_ref[...], preferred_element_type=jnp.float32)
  r2_ref[...] = jnp.dot(h, wr_ref[...],
                        preferred_element_type=jnp.float32) + b_ref[...]


_mid = pl.pallas_call(
    _mid_body,
    out_shape=(jax.ShapeDtypeStruct((N, OUT), jnp.float32),
               jax.ShapeDtypeStruct((N, OUT), jnp.float32)),
)


def _fin_body(acc_ref, cnt_ref, r2_ref, o_ref):
  agg = acc_ref[0, :N, :] + acc_ref[1, :N, :]
  cnt = jnp.sum(cnt_ref[:, :N], axis=0)[:, None]
  o = agg * (1.0 / jnp.maximum(cnt, 1.0)) + r2_ref[...]
  m = jnp.max(o, axis=-1, keepdims=True)
  o_ref[...] = (o - m) - jnp.log(jnp.sum(jnp.exp(o - m), axis=-1,
                                         keepdims=True))


_fin = pl.pallas_call(
    _fin_body,
    out_shape=jax.ShapeDtypeStruct((N, OUT), jnp.float32),
)


def _split(idx, k, spread_pad):
  n0 = _nch(C0, k)
  n1 = _nch(C1, k)
  p0 = NS * n0 * k - C0
  p1 = NS * n1 * k - C1

  def pad(v, cnt):
    if spread_pad:
      fill = N + (jnp.arange(cnt, dtype=jnp.int32) % (NPAD - N))
    else:
      fill = jnp.zeros((cnt,), jnp.int32)
    return jnp.concatenate([v, fill])

  a = pad(idx[:C0], p0).reshape(NS, n0, k)
  b = pad(idx[C0:], p1).reshape(NS, n1, k)
  return a, b


def kernel(x, edge_index, W1l, W1r, b1, W2l, W2r, b2):
  src = edge_index[0]
  dst = edge_index[1]
  s10, s11 = _split(src, K1, False)
  d10, d11 = _split(dst, K1, True)
  s20, s21 = _split(src, K2, False)
  d20, d21 = _split(dst, K2, True)
  p1, r1 = _mm1(x, W1l, W1r, b1.reshape(1, HID))
  acc1, cnt = _seg_cnt(p1, s10, d10, s11, d11)
  cnt = cnt.reshape(NC, NPAD)
  p2, r2 = _mid(acc1, cnt, r1, W2l, W2r, b2.reshape(1, OUT))
  acc2 = _seg2(p2, s20, d20, s21, d21)[0]
  return _fin(acc2, cnt, r2)

# --- scband reference (transcript-rebuilt; emitter-appended) ---
"""Pipeline reference for scband-graph-sage-32968168964350 (READ-ONLY COPY).

The authoritative reference and input builder live on the scoring server;
editing this copy changes nothing except your own understanding.
"""

import jax, jax.numpy as jnp
import numpy as np

N = 10000
E = 320000
IN_CH = 128
HID_CH = 128
OUT_CH = 64


def setup_inputs(seed: int = 0) -> dict:
    key = jax.random.key(seed)
    ks = jax.random.split(key, 8)
    x = jax.random.normal(ks[0], (N, IN_CH), dtype=jnp.float32)
    edge_index = jax.random.randint(ks[1], (2, E), 0, N, dtype=jnp.int32)
    s1 = 1.0 / np.sqrt(IN_CH)
    s2 = 1.0 / np.sqrt(HID_CH)
    W1l = jax.random.uniform(ks[2], (IN_CH, HID_CH), jnp.float32, -s1, s1)
    W1r = jax.random.uniform(ks[3], (IN_CH, HID_CH), jnp.float32, -s1, s1)
    b1 = jnp.zeros((HID_CH,), jnp.float32)
    W2l = jax.random.uniform(ks[4], (HID_CH, OUT_CH), jnp.float32, -s2, s2)
    W2r = jax.random.uniform(ks[5], (HID_CH, OUT_CH), jnp.float32, -s2, s2)
    b2 = jnp.zeros((OUT_CH,), jnp.float32)
    return {"x": x, "edge_index": edge_index, "W1l": W1l, "W1r": W1r, "b1": b1,
            "W2l": W2l, "W2r": W2r, "b2": b2}


def _sage_conv(h, src, dst, Wl, Wr, b):
    # PyG SAGEConv (mean aggregation): out = W_l * mean_{j in N(i)} h_j + W_r * h_i + b
    msg = h[src]
    agg = jax.ops.segment_sum(msg, dst, num_segments=N)
    cnt = jax.ops.segment_sum(jnp.ones((E,), jnp.float32), dst, num_segments=N)
    mean = agg / jnp.clip(cnt, 1.0)[:, None]
    return mean @ Wl + h @ Wr + b


def reference(x, edge_index, W1l, W1r, b1, W2l, W2r, b2):
    src = edge_index[0]
    dst = edge_index[1]
    h = _sage_conv(x, src, dst, W1l, W1r, b1)
    h = jax.nn.relu(h)
    # dropout p=0.0 -> identity
    out = _sage_conv(h, src, dst, W2l, W2r, b2)
    return jax.nn.log_softmax(out, axis=-1)

if __name__ == "__main__":
    import jax
    _d = setup_inputs()
    print(jax.jit(kernel)(*tuple(_d.values())))

</pallas_src>

<mosaic_0001>
#map = affine_map<(d0, d1) -> (0, 0)>
#map1 = affine_map<(d0, d1) -> (0, 0, 0)>
module attributes {stable_mosaic.version = 14 : i64} {
  func.func @body(%arg0: i32, %arg1: i32, %arg2: memref<10000x128xf32, #tpu.memory_space<hbm>>, %arg3: memref<16x120x128xi32, #tpu.memory_space<hbm>>, %arg4: memref<16x120x128xi32, #tpu.memory_space<hbm>>, %arg5: memref<16x38x128xi32, #tpu.memory_space<hbm>>, %arg6: memref<16x38x128xi32, #tpu.memory_space<hbm>>, %arg7: memref<2x10112x128xf32, #tpu.memory_space<hbm>>, %arg8: memref<2x16x632xf32, #tpu.memory_space<hbm>>, %arg9: memref<120x128xi32, #tpu.memory_space<vmem>>, %arg10: memref<128xi32, #tpu.memory_space<vmem>>, %arg11: memref<128xi32, #tpu.memory_space<vmem>>, %arg12: memref<128x128xf32, #tpu.memory_space<vmem>>, %arg13: memref<128x128xf32, #tpu.memory_space<vmem>>, %arg14: memref<10112x128xf32, #tpu.memory_space<vmem_shared>>, %arg15: memref<!tpu.dma_semaphore, #tpu.memory_space<semaphore_mem>>, %arg16: memref<!tpu.dma_semaphore, #tpu.memory_space<semaphore_mem>>, %arg17: memref<10112xf32, #tpu.memory_space<vmem_shared>>, %arg18: memref<640xf32, #tpu.memory_space<vmem>>, %arg19: memref<128xf32, #tpu.memory_space<vmem>>) attributes {dimension_semantics = [#tpu.dimension_semantics<core_parallel>, #tpu.dimension_semantics<subcore_parallel>], iteration_bounds = array<i64: 2, 16>, scalar_prefetch = 0 : i64, scratch_operands = 11 : i64, tpu.core_type = #tpu.core_type<sc_vector_subcore>, window_params = [{transform_indices = #map}, {transform_indices = #map1}, {transform_indices = #map1}, {transform_indices = #map1}, {transform_indices = #map1}, {transform_indices = #map1}, {transform_indices = #map1}]} {
    %mul3A = arith.constant 632 : i32
    %mul3A_0 = arith.muli %arg1, %mul3A : i32
    %broadcast_in_dim3A = arith.constant 0.000000e+00 : f32
    %broadcast_in_dim3A_1 = vector.broadcast %broadcast_in_dim3A : f32 to vector<16xf32>
    %scan3A = arith.constant 0 : i32
    %scan3A_2 = arith.constant 0 : i32
    %scan3A_3 = arith.constant 128 : i32
    %scan3A_4 = arith.addi %scan3A_2, %scan3A_3 : i32
    %scan3A_5 = arith.constant 1 : i32
    scf.for %scan3A_35 = %scan3A_2 to %scan3A_4 step %scan3A_5  : i32 {
      %swap3A = arith.index_cast %scan3A_35 : i32 to index
      %swap3A_36 = arith.constant 0 : index
      %swap3A_37 = tpu.vector_load %arg12[%swap3A, %swap3A_36] {strides = array<i32>} : memref<128x128xf32, #tpu.memory_space<vmem>>, vector<1x16xf32>,
      %swap3A_38 = vector.shape_cast %swap3A_37 : vector<1x16xf32> to vector<16xf32>
      %swap3A_39 = vector.shape_cast %broadcast_in_dim3A_1 : vector<16xf32> to vector<1x16xf32>
      tpu.vector_store %arg12[%swap3A, %swap3A_36], %swap3A_39 {strides = array<i32>} : memref<128x128xf32, #tpu.memory_space<vmem>>, vector<1x16xf32>,
      %swap3A_40 = arith.index_cast %scan3A_35 : i32 to index
      %swap3A_41 = arith.constant 16 : index
      %swap3A_42 = tpu.vector_load %arg12[%swap3A_40, %swap3A_41] {strides = array<i32>} : memref<128x128xf32, #tpu.memory_space<vmem>>, vector<1x16xf32>,
      %swap3A_43 = vector.shape_cast %swap3A_42 : vector<1x16xf32> to vector<16xf32>
      %swap3A_44 = vector.shape_cast %broadcast_in_dim3A_1 : vector<16xf32> to vector<1x16xf32>
      tpu.vector_store %arg12[%swap3A_40, %swap3A_41], %swap3A_44 {strides = array<i32>} : memref<128x128xf32, #tpu.memory_space<vmem>>, vector<1x16xf32>,
      %swap3A_45 = arith.index_cast %scan3A_35 : i32 to index
      %swap3A_46 = arith.constant 32 : index
      %swap3A_47 = tpu.vector_load %arg12[%swap3A_45, %swap3A_46] {strides = array<i32>} : memref<128x128xf32, #tpu.memory_space<vmem>>, vector<1x16xf32>,
      %swap3A_48 = vector.shape_cast %swap3A_47 : vector<1x16xf32> to vector<16xf32>
      %swap3A_49 = vector.shape_cast %broadcast_in_dim3A_1 : vector<16xf32> to vector<1x16xf32>
      tpu.vector_store %arg12[%swap3A_45, %swap3A_46], %swap3A_49 {strides = array<i32>} : memref<128x128xf32, #tpu.memory_space<vmem>>, vector<1x16xf32>,
      %swap3A_50 = arith.index_cast %scan3A_35 : i32 to index
      %swap3A_51 = arith.constant 48 : index
      %swap3A_52 = tpu.vector_load %arg12[%swap3A_50, %swap3A_51] {strides = array<i32>} : memref<128x128xf32, #tpu.memory_space<vmem>>, vector<1x16xf32>,
      %swap3A_53 = vector.shape_cast %swap3A_52 : vector<1x16xf32> to vector<16xf32>
      %swap3A_54 = vector.shape_cast %broadcast_in_dim3A_1 : vector<16xf32> to vector<1x16xf32>
      tpu.vector_store %arg12[%swap3A_50, %swap3A_51], %swap3A_54 {strides = array<i32>} : memref<128x128xf32, #tpu.memory_space<vmem>>, vector<1x16xf32>,
      %swap3A_55 = arith.index_cast %scan3A_35 : i32 to index
      %swap3A_56 = arith.constant 64 : index
      %swap3A_57 = tpu.vector_load %arg12[%swap3A_55, %swap3A_56] {strides = array<i32>} : memref<128x128xf32, #tpu.memory_space<vmem>>, vector<1x16xf32>,
      %swap3A_58 = vector.shape_cast %swap3A_57 : vector<1x16xf32> to vector<16xf32>
      %swap3A_59 = vector.shape_cast %broadcast_in_dim3A_1 : vector<16xf32> to vector<1x16xf32>
      tpu.vector_store %arg12[%swap3A_55, %swap3A_56], %swap3A_59 {strides = array<i32>} : memref<128x128xf32, #tpu.memory_space<vmem>>, vector<1x16xf32>,
      %swap3A_60 = arith.index_cast %scan3A_35 : i32 to index
      %swap3A_61 = arith.constant 80 : index
      %swap3A_62 = tpu.vector_load %arg12[%swap3A_60, %swap3A_61] {strides = array<i32>} : memref<128x128xf32, #tpu.memory_space<vmem>>, vector<1x16xf32>,
      %swap3A_63 = vector.shape_cast %swap3A_62 : vector<1x16xf32> to vector<16xf32>
      %swap3A_64 = vector.shape_cast %broadcast_in_dim3A_1 : vector<16xf32> to vector<1x16xf32>
      tpu.vector_store %arg12[%swap3A_60, %swap3A_61], %swap3A_64 {strides = array<i32>} : memref<128x128xf32, #tpu.memory_space<vmem>>, vector<1x16xf32>,
      %swap3A_65 = arith.index_cast %scan3A_35 : i32 to index
      %swap3A_66 = arith.constant 96 : index
      %swap3A_67 = tpu.vector_load %arg12[%swap3A_65, %swap3A_66] {strides = array<i32>} : memref<128x128xf32, #tpu.memory_space<vmem>>, vector<1x16xf32>,
      %swap3A_68 = vector.shape_cast %swap3A_67 : vector<1x16xf32> to vector<16xf32>
      %swap3A_69 = vector.shape_cast %broadcast_in_dim3A_1 : vector<16xf32> to vector<1x16xf32>
      tpu.vector_store %arg12[%swap3A_65, %swap3A_66], %swap3A_69 {strides = array<i32>} : memref<128x128xf32, #tpu.memory_space<vmem>>, vector<1x16xf32>,
      %swap3A_70 = arith.index_cast %scan3A_35 : i32 to index
      %swap3A_71 = arith.constant 112 : index
      %swap3A_72 = tpu.vector_load %arg12[%swap3A_70, %swap3A_71] {strides = array<i32>} : memref<128x128xf32, #tpu.memory_space<vmem>>, vector<1x16xf32>,
      %swap3A_73 = vector.shape_cast %swap3A_72 : vector<1x16xf32> to vector<16xf32>
      %swap3A_74 = vector.shape_cast %broadcast_in_dim3A_1 : vector<16xf32> to vector<1x16xf32>
      tpu.vector_store %arg12[%swap3A_70, %swap3A_71], %swap3A_74 {strides = array<i32>} : memref<128x128xf32, #tpu.memory_space<vmem>>, vector<1x16xf32>,
    }
    %scan3A_6 = arith.constant 128 : i32
    %scan3A_7 = arith.constant 0 : i32
    %scan3A_8 = arith.constant 0 : i32
    %scan3A_9 = arith.constant 40 : i32
    %scan3A_10 = arith.addi %scan3A_8, %scan3A_9 : i32
    %scan3A_11 = arith.constant 1 : i32
    scf.for %scan3A_35 = %scan3A_8 to %scan3A_10 step %scan3A_11  : i32 {
      %mul3A_36 = arith.constant 16 : i32
      %mul3A_37 = arith.muli %scan3A_35, %mul3A_36 : i32
      %swap3A = arith.index_cast %mul3A_37 : i32 to index
      %swap3A_38 = tpu.vector_load %arg18[%swap3A] {strides = array<i32>} : memref<640xf32, #tpu.memory_space<vmem>>, vector<16xf32>,
      %swap3A_39 = vector.shape_cast %swap3A_38 : vector<16xf32> to vector<16xf32>
      %swap3A_40 = vector.shape_cast %broadcast_in_dim3A_1 : vector<16xf32> to vector<16xf32>
      tpu.vector_store %arg18[%swap3A], %swap3A_40 {strides = array<i32>} : memref<640xf32, #tpu.memory_space<vmem>>, vector<16xf32>,
    }
    %scan3A_12 = arith.constant 40 : i32
    %scan3A_13 = arith.constant 0 : i32
    %scan3A_14 = arith.constant 0 : i32
    %scan3A_15 = arith.constant 8 : i32
    %scan3A_16 = arith.addi %scan3A_14, %scan3A_15 : i32
    %scan3A_17 = arith.constant 1 : i32
    scf.for %scan3A_35 = %scan3A_14 to %scan3A_16 step %scan3A_17  : i32 {
      %add3A_36 = arith.constant 1.000000e+00 : f32
      %add3A_37 = vector.broadcast %add3A_36 : f32 to vector<16xf32>
      %add3A_38 = arith.addf %broadcast_in_dim3A_1, %add3A_37 : vector<16xf32>
      %mul3A_39 = arith.constant 16 : i32
      %mul3A_40 = arith.muli %scan3A_35, %mul3A_39 : i32
      %swap3A = arith.index_cast %mul3A_40 : i32 to index
      %swap3A_41 = tpu.vector_load %arg19[%swap3A] {strides = array<i32>} : memref<128xf32, #tpu.memory_space<vmem>>, vector<16xf32>,
      %swap3A_42 = vector.shape_cast %swap3A_41 : vector<16xf32> to vector<16xf32>
      %swap3A_43 = vector.shape_cast %add3A_38 : vector<16xf32> to vector<16xf32>
      tpu.vector_store %arg19[%swap3A], %swap3A_43 {strides = array<i32>} : memref<128xf32, #tpu.memory_space<vmem>>, vector<16xf32>,
    }
    %scan3A_18 = arith.constant 8 : i32
    "tpu.region"() ({
      %run_scoped3A = tpu.sem_alloc : memref<!tpu.dma_semaphore, #tpu.memory_space<semaphore_mem>>
      %dma_start3A = arith.constant 0 : i32
      %dma_start3A_35 = tpu.memref_slice %arg18[%dma_start3A] : memref<640xf32, #tpu.memory_space<vmem>> -> memref<632xf32, #tpu.memory_space<vmem>>
      %dma_start3A_36 = tpu.memref_slice %arg17[%mul3A_0] : memref<10112xf32, #tpu.memory_space<vmem_shared>> -> memref<632xf32, #tpu.memory_space<vmem_shared>>
      %dma_start3A_37 = tpu.memref_slice %arg17[%mul3A_0] : memref<10112xf32, #tpu.memory_space<vmem_shared>> -> memref<632xf32, #tpu.memory_space<vmem_shared>>
      %dma_start3A_38 = arith.constant 0 : i32
      %dma_start3A_39 = tpu.memref_slice %arg18[%dma_start3A_38] : memref<640xf32, #tpu.memory_space<vmem>> -> memref<632xf32, #tpu.memory_space<vmem>>
      tpu.enqueue_dma source(%dma_start3A_39 : memref<632xf32, #tpu.memory_space<vmem>>) target(%dma_start3A_37 : memref<632xf32, #tpu.memory_space<vmem_shared>>) target_semaphore(%run_scoped3A : memref<!tpu.dma_semaphore, #tpu.memory_space<semaphore_mem>>)
      %dma_wait3A = arith.constant 0 : i32
      %dma_wait3A_40 = tpu.memref_slice %arg18[%dma_wait3A] : memref<640xf32, #tpu.memory_space<vmem>> -> memref<632xf32, #tpu.memory_space<vmem>>
      %dma_wait3A_41 = tpu.memref_slice %arg17[%mul3A_0] : memref<10112xf32, #tpu.memory_space<vmem_shared>> -> memref<632xf32, #tpu.memory_space<vmem_shared>>
      %dma_wait3A_42 = tpu.memref_slice %arg17[%mul3A_0] : memref<10112xf32, #tpu.memory_space<vmem_shared>> -> memref<632xf32, #tpu.memory_space<vmem_shared>>
      %dma_wait3A_43 = arith.constant 0 : i32
      %dma_wait3A_44 = tpu.memref_slice %arg18[%dma_wait3A_43] : memref<640xf32, #tpu.memory_space<vmem>> -> memref<632xf32, #tpu.memory_space<vmem>>
      tpu.wait_dma2 semaphore(%run_scoped3A : memref<!tpu.dma_semaphore, #tpu.memory_space<semaphore_mem>>) src(%dma_wait3A_44 : memref<632xf32, #tpu.memory_space<vmem>>) dst(%dma_wait3A_42 : memref<632xf32, #tpu.memory_space<vmem_shared>>)
      tpu.yield
    }) : () -> ()
    %add3A = arith.constant 0 : i32
    %add3A_19 = arith.addi %mul3A_0, %add3A : i32
    "tpu.region"() ({
      %run_scoped3A = tpu.sem_alloc : memref<!tpu.dma_semaphore, #tpu.memory_space<semaphore_mem>>
      %dma_start3A = arith.constant 0 : i32
      %dma_start3A_35 = arith.constant 0 : i32
      %dma_start3A_36 = tpu.memref_slice %arg12[%dma_start3A, %dma_start3A_35] : memref<128x128xf32, #tpu.memory_space<vmem>> -> memref<128x128xf32, #tpu.memory_space<vmem>>
      %dma_start3A_37 = arith.constant 0 : i32
      %dma_start3A_38 = tpu.memref_slice %arg14[%add3A_19, %dma_start3A_37] : memref<10112x128xf32, #tpu.memory_space<vmem_shared>> -> memref<128x128xf32, #tpu.memory_space<vmem_shared>>
      %dma_start3A_39 = arith.constant 0 : i32
      %dma_start3A_40 = tpu.memref_slice %arg14[%add3A_19, %dma_start3A_39] : memref<10112x128xf32, #tpu.memory_space<vmem_shared>> -> memref<128x128xf32, #tpu.memory_space<vmem_shared>>
      %dma_start3A_41 = arith.constant 0 : i32
      %dma_start3A_42 = arith.constant 0 : i32
      %dma_start3A_43 = tpu.memref_slice %arg12[%dma_start3A_41, %dma_start3A_42] : memref<128x128xf32, #tpu.memory_space<vmem>> -> memref<128x128xf32, #tpu.memory_space<vmem>>
      tpu.enqueue_dma source(%dma_start3A_43 : memref<128x128xf32, #tpu.memory_space<vmem>>) target(%dma_start3A_40 : memref<128x128xf32, #tpu.memory_space<vmem_shared>>) target_semaphore(%run_scoped3A : memref<!tpu.dma_semaphore, #tpu.memory_space<semaphore_mem>>)
      %dma_wait3A = arith.constant 0 : i32
      %dma_wait3A_44 = arith.constant 0 : i32
      %dma_wait3A_45 = tpu.memref_slice %arg12[%dma_wait3A, %dma_wait3A_44] : memref<128x128xf32, #tpu.memory_space<vmem>> -> memref<128x128xf32, #tpu.memory_space<vmem>>
      %dma_wait3A_46 = arith.constant 0 : i32
      %dma_wait3A_47 = tpu.memref_slice %arg14[%add3A_19, %dma_wait3A_46] : memref<10112x128xf32, #tpu.memory_space<vmem_shared>> -> memref<128x128xf32, #tpu.memory_space<vmem_shared>>
      %dma_wait3A_48 = arith.constant 0 : i32
      %dma_wait3A_49 = tpu.memref_slice %arg14[%add3A_19, %dma_wait3A_48] : memref<10112x128xf32, #tpu.memory_space<vmem_shared>> -> memref<128x128xf32, #tpu.memory_space<vmem_shared>>
      %dma_wait3A_50 = arith.constant 0 : i32
      %dma_wait3A_51 = arith.constant 0 : i32
      %dma_wait3A_52 = tpu.memref_slice %arg12[%dma_wait3A_50, %dma_wait3A_51] : memref<128x128xf32, #tpu.memory_space<vmem>> -> memref<128x128xf32, #tpu.memory_space<vmem>>
      tpu.wait_dma2 semaphore(%run_scoped3A : memref<!tpu.dma_semaphore, #tpu.memory_space<semaphore_mem>>) src(%dma_wait3A_52 : memref<128x128xf32, #tpu.memory_space<vmem>>) dst(%dma_wait3A_49 : memref<128x128xf32, #tpu.memory_space<vmem_shared>>)
      tpu.yield
    }) : () -> ()
    %add3A_20 = arith.constant 128 : i32
    %add3A_21 = arith.addi %mul3A_0, %add3A_20 : i32
    "tpu.region"() ({
      %run_scoped3A = tpu.sem_alloc : memref<!tpu.dma_semaphore, #tpu.memory_space<semaphore_mem>>
      %dma_start3A = arith.constant 0 : i32
      %dma_start3A_35 = arith.constant 0 : i32
      %dma_start3A_36 = tpu.memref_slice %arg12[%dma_start3A, %dma_start3A_35] : memref<128x128xf32, #tpu.memory_space<vmem>> -> memref<128x128xf32, #tpu.memory_space<vmem>>
      %dma_start3A_37 = arith.constant 0 : i32
      %dma_start3A_38 = tpu.memref_slice %arg14[%add3A_21, %dma_start3A_37] : memref<10112x128xf32, #tpu.memory_space<vmem_shared>> -> memref<128x128xf32, #tpu.memory_space<vmem_shared>>
      %dma_start3A_39 = arith.constant 0 : i32
      %dma_start3A_40 = tpu.memref_slice %arg14[%add3A_21, %dma_start3A_39] : memref<10112x128xf32, #tpu.memory_space<vmem_shared>> -> memref<128x128xf32, #tpu.memory_space<vmem_shared>>
      %dma_start3A_41 = arith.constant 0 : i32
      %dma_start3A_42 = arith.constant 0 : i32
      %dma_start3A_43 = tpu.memref_slice %arg12[%dma_start3A_41, %dma_start3A_42] : memref<128x128xf32, #tpu.memory_space<vmem>> -> memref<128x128xf32, #tpu.memory_space<vmem>>
      tpu.enqueue_dma source(%dma_start3A_43 : memref<128x128xf32, #tpu.memory_space<vmem>>) target(%dma_start3A_40 : memref<128x128xf32, #tpu.memory_space<vmem_shared>>) target_semaphore(%run_scoped3A : memref<!tpu.dma_semaphore, #tpu.memory_space<semaphore_mem>>)
      %dma_wait3A = arith.constant 0 : i32
      %dma_wait3A_44 = arith.constant 0 : i32
      %dma_wait3A_45 = tpu.memref_slice %arg12[%dma_wait3A, %dma_wait3A_44] : memref<128x128xf32, #tpu.memory_space<vmem>> -> memref<128x128xf32, #tpu.memory_space<vmem>>
      %dma_wait3A_46 = arith.constant 0 : i32
      %dma_wait3A_47 = tpu.memref_slice %arg14[%add3A_21, %dma_wait3A_46] : memref<10112x128xf32, #tpu.memory_space<vmem_shared>> -> memref<128x128xf32, #tpu.memory_space<vmem_shared>>
      %dma_wait3A_48 = arith.constant 0 : i32
      %dma_wait3A_49 = tpu.memref_slice %arg14[%add3A_21, %dma_wait3A_48] : memref<10112x128xf32, #tpu.memory_space<vmem_shared>> -> memref<128x128xf32, #tpu.memory_space<vmem_shared>>
      %dma_wait3A_50 = arith.constant 0 : i32
      %dma_wait3A_51 = arith.constant 0 : i32
      %dma_wait3A_52 = tpu.memref_slice %arg12[%dma_wait3A_50, %dma_wait3A_51] : memref<128x128xf32, #tpu.memory_space<vmem>> -> memref<128x128xf32, #tpu.memory_space<vmem>>
      tpu.wait_dma2 semaphore(%run_scoped3A : memref<!tpu.dma_semaphore, #tpu.memory_space<semaphore_mem>>) src(%dma_wait3A_52 : memref<128x128xf32, #tpu.memory_space<vmem>>) dst(%dma_wait3A_49 : memref<128x128xf32, #tpu.memory_space<vmem_shared>>)
      tpu.yield
    }) : () -> ()
    %add3A_22 = arith.constant 256 : i32
    %add3A_23 = arith.addi %mul3A_0, %add3A_22 : i32
    "tpu.region"() ({
      %run_scoped3A = tpu.sem_alloc : memref<!tpu.dma_semaphore, #tpu.memory_space<semaphore_mem>>
      %dma_start3A = arith.constant 0 : i32
      %dma_start3A_35 = arith.constant 0 : i32
      %dma_start3A_36 = tpu.memref_slice %arg12[%dma_start3A, %dma_start3A_35] : memref<128x128xf32, #tpu.memory_space<vmem>> -> memref<128x128xf32, #tpu.memory_space<vmem>>
      %dma_start3A_37 = arith.constant 0 : i32
      %dma_start3A_38 = tpu.memref_slice %arg14[%add3A_23, %dma_start3A_37] : memref<10112x128xf32, #tpu.memory_space<vmem_shared>> -> memref<128x128xf32, #tpu.memory_space<vmem_shared>>
      %dma_start3A_39 = arith.constant 0 : i32
      %dma_start3A_40 = tpu.memref_slice %arg14[%add3A_23, %dma_start3A_39] : memref<10112x128xf32, #tpu.memory_space<vmem_shared>> -> memref<128x128xf32, #tpu.memory_space<vmem_shared>>
      %dma_start3A_41 = arith.constant 0 : i32
      %dma_start3A_42 = arith.constant 0 : i32
      %dma_start3A_43 = tpu.memref_slice %arg12[%dma_start3A_41, %dma_start3A_42] : memref<128x128xf32, #tpu.memory_space<vmem>> -> memref<128x128xf32, #tpu.memory_space<vmem>>
      tpu.enqueue_dma source(%dma_start3A_43 : memref<128x128xf32, #tpu.memory_space<vmem>>) target(%dma_start3A_40 : memref<128x128xf32, #tpu.memory_space<vmem_shared>>) target_semaphore(%run_scoped3A : memref<!tpu.dma_semaphore, #tpu.memory_space<semaphore_mem>>)
      %dma_wait3A = arith.constant 0 : i32
      %dma_wait3A_44 = arith.constant 0 : i32
      %dma_wait3A_45 = tpu.memref_slice %arg12[%dma_wait3A, %dma_wait3A_44] : memref<128x128xf32, #tpu.memory_space<vmem>> -> memref<128x128xf32, #tpu.memory_space<vmem>>
      %dma_wait3A_46 = arith.constant 0 : i32
      %dma_wait3A_47 = tpu.memref_slice %arg14[%add3A_23, %dma_wait3A_46] : memref<10112x128xf32, #tpu.memory_space<vmem_shared>> -> memref<128x128xf32, #tpu.memory_space<vmem_shared>>
      %dma_wait3A_48 = arith.constant 0 : i32
      %dma_wait3A_49 = tpu.memref_slice %arg14[%add3A_23, %dma_wait3A_48] : memref<10112x128xf32, #tpu.memory_space<vmem_shared>> -> memref<128x128xf32, #tpu.memory_space<vmem_shared>>
      %dma_wait3A_50 = arith.constant 0 : i32
      %dma_wait3A_51 = arith.constant 0 : i32
      %dma_wait3A_52 = tpu.memref_slice %arg12[%dma_wait3A_50, %dma_wait3A_51] : memref<128x128xf32, #tpu.memory_space<vmem>> -> memref<128x128xf32, #tpu.memory_space<vmem>>
      tpu.wait_dma2 semaphore(%run_scoped3A : memref<!tpu.dma_semaphore, #tpu.memory_space<semaphore_mem>>) src(%dma_wait3A_52 : memref<128x128xf32, #tpu.memory_space<vmem>>) dst(%dma_wait3A_49 : memref<128x128xf32, #tpu.memory_space<vmem_shared>>)
      tpu.yield
    }) : () -> ()
    %add3A_24 = arith.constant 384 : i32
    %add3A_25 = arith.addi %mul3A_0, %add3A_24 : i32
    "tpu.region"() ({
      %run_scoped3A = tpu.sem_alloc : memref<!tpu.dma_semaphore, #tpu.memory_space<semaphore_mem>>
      %dma_start3A = arith.constant 0 : i32
      %dma_start3A_35 = arith.constant 0 : i32
      %dma_start3A_36 = tpu.memref_slice %arg12[%dma_start3A, %dma_start3A_35] : memref<128x128xf32, #tpu.memory_space<vmem>> -> memref<128x128xf32, #tpu.memory_space<vmem>>
      %dma_start3A_37 = arith.constant 0 : i32
      %dma_start3A_38 = tpu.memref_slice %arg14[%add3A_25, %dma_start3A_37] : memref<10112x128xf32, #tpu.memory_space<vmem_shared>> -> memref<128x128xf32, #tpu.memory_space<vmem_shared>>
      %dma_start3A_39 = arith.constant 0 : i32
      %dma_start3A_40 = tpu.memref_slice %arg14[%add3A_25, %dma_start3A_39] : memref<10112x128xf32, #tpu.memory_space<vmem_shared>> -> memref<128x128xf32, #tpu.memory_space<vmem_shared>>
      %dma_start3A_41 = arith.constant 0 : i32
      %dma_start3A_42 = arith.constant 0 : i32
      %dma_start3A_43 = tpu.memref_slice %arg12[%dma_start3A_41, %dma_start3A_42] : memref<128x128xf32, #tpu.memory_space<vmem>> -> memref<128x128xf32, #tpu.memory_space<vmem>>
      tpu.enqueue_dma source(%dma_start3A_43 : memref<128x128xf32, #tpu.memory_space<vmem>>) target(%dma_start3A_40 : memref<128x128xf32, #tpu.memory_space<vmem_shared>>) target_semaphore(%run_scoped3A : memref<!tpu.dma_semaphore, #tpu.memory_space<semaphore_mem>>)
      %dma_wait3A = arith.constant 0 : i32
      %dma_wait3A_44 = arith.constant 0 : i32
      %dma_wait3A_45 = tpu.memref_slice %arg12[%dma_wait3A, %dma_wait3A_44] : memref<128x128xf32, #tpu.memory_space<vmem>> -> memref<128x128xf32, #tpu.memory_space<vmem>>
      %dma_wait3A_46 = arith.constant 0 : i32
      %dma_wait3A_47 = tpu.memref_slice %arg14[%add3A_25, %dma_wait3A_46] : memref<10112x128xf32, #tpu.memory_space<vmem_shared>> -> memref<128x128xf32, #tpu.memory_space<vmem_shared>>
      %dma_wait3A_48 = arith.constant 0 : i32
      %dma_wait3A_49 = tpu.memref_slice %arg14[%add3A_25, %dma_wait3A_48] : memref<10112x128xf32, #tpu.memory_space<vmem_shared>> -> memref<128x128xf32, #tpu.memory_space<vmem_shared>>
      %dma_wait3A_50 = arith.constant 0 : i32
      %dma_wait3A_51 = arith.constant 0 : i32
      %dma_wait3A_52 = tpu.memref_slice %arg12[%dma_wait3A_50, %dma_wait3A_51] : memref<128x128xf32, #tpu.memory_space<vmem>> -> memref<128x128xf32, #tpu.memory_space<vmem>>
      tpu.wait_dma2 semaphore(%run_scoped3A : memref<!tpu.dma_semaphore, #tpu.memory_space<semaphore_mem>>) src(%dma_wait3A_52 : memref<128x128xf32, #tpu.memory_space<vmem>>) dst(%dma_wait3A_49 : memref<128x128xf32, #tpu.memory_space<vmem_shared>>)
      tpu.yield
    }) : () -> ()
    %add3A_26 = arith.constant 512 : i32
    %add3A_27 = arith.addi %mul3A_0, %add3A_26 : i32
    "tpu.region"() ({
      %run_scoped3A = tpu.sem_alloc : memref<!tpu.dma_semaphore, #tpu.memory_space<semaphore_mem>>
      %dma_start3A = arith.constant 0 : i32
      %dma_start3A_35 = arith.constant 0 : i32
      %dma_start3A_36 = tpu.memref_slice %arg12[%dma_start3A, %dma_start3A_35] : memref<128x128xf32, #tpu.memory_space<vmem>> -> memref<120x128xf32, #tpu.memory_space<vmem>>
      %dma_start3A_37 = arith.constant 0 : i32
      %dma_start3A_38 = tpu.memref_slice %arg14[%add3A_27, %dma_start3A_37] : memref<10112x128xf32, #tpu.memory_space<vmem_shared>> -> memref<120x128xf32, #tpu.memory_space<vmem_shared>>
      %dma_start3A_39 = arith.constant 0 : i32
      %dma_start3A_40 = tpu.memref_slice %arg14[%add3A_27, %dma_start3A_39] : memref<10112x128xf32, #tpu.memory_space<vmem_shared>> -> memref<120x128xf32, #tpu.memory_space<vmem_shared>>
      %dma_start3A_41 = arith.constant 0 : i32
      %dma_start3A_42 = arith.constant 0 : i32
      %dma_start3A_43 = tpu.memref_slice %arg12[%dma_start3A_41, %dma_start3A_42] : memref<128x128xf32, #tpu.memory_space<vmem>> -> memref<120x128xf32, #tpu.memory_space<vmem>>
      tpu.enqueue_dma source(%dma_start3A_43 : memref<120x128xf32, #tpu.memory_space<vmem>>) target(%dma_start3A_40 : memref<120x128xf32, #tpu.memory_space<vmem_shared>>) target_semaphore(%run_scoped3A : memref<!tpu.dma_semaphore, #tpu.memory_space<semaphore_mem>>)
      %dma_wait3A = arith.constant 0 : i32
      %dma_wait3A_44 = arith.constant 0 : i32
      %dma_wait3A_45 = tpu.memref_slice %arg12[%dma_wait3A, %dma_wait3A_44] : memref<128x128xf32, #tpu.memory_space<vmem>> -> memref<120x128xf32, #tpu.memory_space<vmem>>
      %dma_wait3A_46 = arith.constant 0 : i32
      %dma_wait3A_47 = tpu.memref_slice %arg14[%add3A_27, %dma_wait3A_46] : memref<10112x128xf32, #tpu.memory_space<vmem_shared>> -> memref<120x128xf32, #tpu.memory_space<vmem_shared>>
      %dma_wait3A_48 = arith.constant 0 : i32
      %dma_wait3A_49 = tpu.memref_slice %arg14[%add3A_27, %dma_wait3A_48] : memref<10112x128xf32, #tpu.memory_space<vmem_shared>> -> memref<120x128xf32, #tpu.memory_space<vmem_shared>>
      %dma_wait3A_50 = arith.constant 0 : i32
      %dma_wait3A_51 = arith.constant 0 : i32
      %dma_wait3A_52 = tpu.memref_slice %arg12[%dma_wait3A_50, %dma_wait3A_51] : memref<128x128xf32, #tpu.memory_space<vmem>> -> memref<120x128xf32, #tpu.memory_space<vmem>>
      tpu.wait_dma2 semaphore(%run_scoped3A : memref<!tpu.dma_semaphore, #tpu.memory_space<semaphore_mem>>) src(%dma_wait3A_52 : memref<120x128xf32, #tpu.memory_space<vmem>>) dst(%dma_wait3A_49 : memref<120x128xf32, #tpu.memory_space<vmem_shared>>)
      tpu.yield
    }) : () -> ()
    %barrier3A = arith.constant 0 : index
    tpu.barrier barrier_id(%barrier3A)
    %eq3A = arith.constant 0 : i32
    %eq3A_28 = arith.cmpi eq, %arg0, %eq3A : i32
    %convert_element_type3A = arith.extui %eq3A_28 : i1 to i32
    %cond3A = arith.constant 0 : i32
    %cond3A_29 = arith.cmpi ne, %convert_element_type3A, %cond3A : i32
    scf.if %cond3A_29 {
      "tpu.region"() ({
        %run_scoped3A = tpu.sem_alloc : memref<!tpu.dma_semaphore, #tpu.memory_space<semaphore_mem>>
        %dma_start3A_95 = arith.constant 0 : i32
        %dma_start3A_96 = arith.constant 0 : i32
        %dma_start3A_97 = tpu.memref_slice %arg9[%dma_start3A_95, %dma_start3A_96] : memref<120x128xi32, #tpu.memory_space<vmem>> -> memref<120x128xi32, #tpu.memory_space<vmem>>
        %dma_start3A_98 = arith.constant 0 : i32
        %dma_start3A_99 = arith.constant 0 : i32
        %dma_start3A_100 = tpu.memref_slice %arg3[%arg1, %dma_start3A_98, %dma_start3A_99] : memref<16x120x128xi32, #tpu.memory_space<hbm>> -> memref<1x120x128xi32, #tpu.memory_space<hbm>>
        %dma_start3A_101 = tpu.memref_squeeze %dma_start3A_100 : memref<1x120x128xi32, #tpu.memory_space<hbm>> -> memref<120x128xi32, #tpu.memory_space<hbm>>
        %dma_start3A_102 = arith.constant 0 : i32
        %dma_start3A_103 = arith.constant 0 : i32
        %dma_start3A_104 = tpu.memref_slice %arg9[%dma_start3A_102, %dma_start3A_103] : memref<120x128xi32, #tpu.memory_space<vmem>> -> memref<120x128xi32, #tpu.memory_space<vmem>>
        %dma_start3A_105 = arith.constant 0 : i32
        %dma_start3A_106 = arith.constant 0 : i32
        %dma_start3A_107 = tpu.memref_slice %arg3[%arg1, %dma_start3A_105, %dma_start3A_106] : memref<16x120x128xi32, #tpu.memory_space<hbm>> -> memref<1x120x128xi32, #tpu.memory_space<hbm>>
        %dma_start3A_108 = tpu.memref_squeeze %dma_start3A_107 : memref<1x120x128xi32, #tpu.memory_space<hbm>> -> memref<120x128xi32, #tpu.memory_space<hbm>>
        tpu.enqueue_dma source(%dma_start3A_108 : memref<120x128xi32, #tpu.memory_space<hbm>>) target(%dma_start3A_104 : memref<120x128xi32, #tpu.memory_space<vmem>>) target_semaphore(%run_scoped3A : memref<!tpu.dma_semaphore, #tpu.memory_space<semaphore_mem>>)
        %dma_wait3A_109 = arith.constant 0 : i32
        %dma_wait3A_110 = arith.constant 0 : i32
        %dma_wait3A_111 = tpu.memref_slice %arg9[%dma_wait3A_109, %dma_wait3A_110] : memref<120x128xi32, #tpu.memory_space<vmem>> -> memref<120x128xi32, #tpu.memory_space<vmem>>
        %dma_wait3A_112 = arith.constant 0 : i32
        %dma_wait3A_113 = arith.constant 0 : i32
        %dma_wait3A_114 = tpu.memref_slice %arg3[%arg1, %dma_wait3A_112, %dma_wait3A_113] : memref<16x120x128xi32, #tpu.memory_space<hbm>> -> memref<1x120x128xi32, #tpu.memory_space<hbm>>
        %dma_wait3A_115 = tpu.memref_squeeze %dma_wait3A_114 : memref<1x120x128xi32, #tpu.memory_space<hbm>> -> memref<120x128xi32, #tpu.memory_space<hbm>>
        %dma_wait3A_116 = arith.constant 0 : i32
        %dma_wait3A_117 = arith.constant 0 : i32
        %dma_wait3A_118 = tpu.memref_slice %arg9[%dma_wait3A_116, %dma_wait3A_117] : memref<120x128xi32, #tpu.memory_space<vmem>> -> memref<120x128xi32, #tpu.memory_space<vmem>>
        %dma_wait3A_119 = arith.constant 0 : i32
        %dma_wait3A_120 = arith.constant 0 : i32
        %dma_wait3A_121 = tpu.memref_slice %arg3[%arg1, %dma_wait3A_119, %dma_wait3A_120] : memref<16x120x128xi32, #tpu.memory_space<hbm>> -> memref<1x120x128xi32, #tpu.memory_space<hbm>>
        %dma_wait3A_122 = tpu.memref_squeeze %dma_wait3A_121 : memref<1x120x128xi32, #tpu.memory_space<hbm>> -> memref<120x128xi32, #tpu.memory_space<hbm>>
        tpu.wait_dma2 semaphore(%run_scoped3A : memref<!tpu.dma_semaphore, #tpu.memory_space<semaphore_mem>>) src(%dma_wait3A_122 : memref<120x128xi32, #tpu.memory_space<hbm>>) dst(%dma_wait3A_118 : memref<120x128xi32, #tpu.memory_space<vmem>>)
        tpu.yield
      }) : () -> ()
      %dma_start3A = arith.constant 0 : i32
      %dma_start3A_35 = arith.constant 0 : i32
      %dma_start3A_36 = tpu.memref_slice %arg9[%dma_start3A, %dma_start3A_35] : memref<120x128xi32, #tpu.memory_space<vmem>> -> memref<1x128xi32, #tpu.memory_space<vmem>>
      %dma_start3A_37 = tpu.memref_squeeze %dma_start3A_36 : memref<1x128xi32, #tpu.memory_space<vmem>> -> memref<128xi32, #tpu.memory_space<vmem>>
      %dma_start3A_38 = arith.constant 0 : i32
      %dma_start3A_39 = arith.constant 0 : i32
      %dma_start3A_40 = tpu.memref_slice %arg2[%dma_start3A_38, %dma_start3A_39] : memref<10000x128xf32, #tpu.memory_space<hbm>> -> memref<10000x128xf32, #tpu.memory_space<hbm>>
      tpu.enqueue_indirect_dma source(%dma_start3A_40 : memref<10000x128xf32, #tpu.memory_space<hbm>>) target(%arg12 : memref<128x128xf32, #tpu.memory_space<vmem>>) offsets(%dma_start3A_37 : memref<128xi32, #tpu.memory_space<vmem>>) semaphore(%arg15 : memref<!tpu.dma_semaphore, #tpu.memory_space<semaphore_mem>>)
      %dma_start3A_41 = arith.constant 0 : i32
      %dma_start3A_42 = arith.constant 0 : i32
      %dma_start3A_43 = tpu.memref_slice %arg4[%arg1, %dma_start3A_41, %dma_start3A_42] : memref<16x120x128xi32, #tpu.memory_space<hbm>> -> memref<1x1x128xi32, #tpu.memory_space<hbm>>
      %dma_start3A_44 = tpu.memref_squeeze %dma_start3A_43 : memref<1x1x128xi32, #tpu.memory_space<hbm>> -> memref<128xi32, #tpu.memory_space<hbm>>
      %dma_start3A_45 = arith.constant 0 : i32
      %dma_start3A_46 = tpu.memref_slice %arg4[%arg1, %dma_start3A_41, %dma_start3A_45] : memref<16x120x128xi32, #tpu.memory_space<hbm>> -> memref<1x1x128xi32, #tpu.memory_space<hbm>>
      %dma_start3A_47 = tpu.memref_squeeze %dma_start3A_46 : memref<1x1x128xi32, #tpu.memory_space<hbm>> -> memref<128xi32, #tpu.memory_space<hbm>>
      tpu.enqueue_dma source(%dma_start3A_47 : memref<128xi32, #tpu.memory_space<hbm>>) target(%arg10 : memref<128xi32, #tpu.memory_space<vmem>>) target_semaphore(%arg15 : memref<!tpu.dma_semaphore, #tpu.memory_space<semaphore_mem>>)
      %dma_start3A_48 = arith.constant 1 : i32
      %dma_start3A_49 = arith.constant 0 : i32
      %dma_start3A_50 = tpu.memref_slice %arg9[%dma_start3A_48, %dma_start3A_49] : memref<120x128xi32, #tpu.memory_space<vmem>> -> memref<1x128xi32, #tpu.memory_space<vmem>>
      %dma_start3A_51 = tpu.memref_squeeze %dma_start3A_50 : memref<1x128xi32, #tpu.memory_space<vmem>> -> memref<128xi32, #tpu.memory_space<vmem>>
      %dma_start3A_52 = arith.constant 0 : i32
      %dma_start3A_53 = arith.constant 0 : i32
      %dma_start3A_54 = tpu.memref_slice %arg2[%dma_start3A_52, %dma_start3A_53] : memref<10000x128xf32, #tpu.memory_space<hbm>> -> memref<10000x128xf32, #tpu.memory_space<hbm>>
      tpu.enqueue_indirect_dma source(%dma_start3A_54 : memref<10000x128xf32, #tpu.memory_space<hbm>>) target(%arg13 : memref<128x128xf32, #tpu.memory_space<vmem>>) offsets(%dma_start3A_51 : memref<128xi32, #tpu.memory_space<vmem>>) semaphore(%arg16 : memref<!tpu.dma_semaphore, #tpu.memory_space<semaphore_mem>>)
      %dma_start3A_55 = arith.constant 1 : i32
      %dma_start3A_56 = arith.constant 0 : i32
      %dma_start3A_57 = tpu.memref_slice %arg4[%arg1, %dma_start3A_55, %dma_start3A_56] : memref<16x120x128xi32, #tpu.memory_space<hbm>> -> memref<1x1x128xi32, #tpu.memory_space<hbm>>
      %dma_start3A_58 = tpu.memref_squeeze %dma_start3A_57 : memref<1x1x128xi32, #tpu.memory_space<hbm>> -> memref<128xi32, #tpu.memory_space<hbm>>
      %dma_start3A_59 = arith.constant 0 : i32
      %dma_start3A_60 = tpu.memref_slice %arg4[%arg1, %dma_start3A_55, %dma_start3A_59] : memref<16x120x128xi32, #tpu.memory_space<hbm>> -> memref<1x1x128xi32, #tpu.memory_space<hbm>>
      %dma_start3A_61 = tpu.memref_squeeze %dma_start3A_60 : memref<1x1x128xi32, #tpu.memory_space<hbm>> -> memref<128xi32, #tpu.memory_space<hbm>>
      tpu.enqueue_dma source(%dma_start3A_61 : memref<128xi32, #tpu.memory_space<hbm>>) target(%arg11 : memref<128xi32, #tpu.memory_space<vmem>>) target_semaphore(%arg16 : memref<!tpu.dma_semaphore, #tpu.memory_space<semaphore_mem>>)
      %scan3A_62 = arith.constant 0 : i32
      %scan3A_63 = arith.constant 0 : i32
      %scan3A_64 = arith.constant 60 : i32
      %scan3A_65 = arith.addi %scan3A_63, %scan3A_64 : i32
      %scan3A_66 = arith.constant 1 : i32
      scf.for %scan3A_95 = %scan3A_63 to %scan3A_65 step %scan3A_66  : i32 {
        %mul3A_96 = arith.constant 2 : i32
        %mul3A_97 = arith.muli %scan3A_95, %mul3A_96 : i32
        %add3A_98 = arith.constant 0 : i32
        %add3A_99 = arith.addi %mul3A_97, %add3A_98 : i32
        %dma_wait3A_100 = arith.constant 0 : i32
        %dma_wait3A_101 = arith.constant 0 : i32
        %dma_wait3A_102 = tpu.memref_slice %arg2[%dma_wait3A_100, %dma_wait3A_101] : memref<10000x128xf32, #tpu.memory_space<hbm>> -> memref<128x128xf32, #tpu.memory_space<hbm>>
        %dma_wait3A_103 = arith.constant 0 : i32
        %dma_wait3A_104 = arith.constant 0 : i32
        %dma_wait3A_105 = tpu.memref_slice %arg2[%dma_wait3A_103, %dma_wait3A_104] : memref<10000x128xf32, #tpu.memory_space<hbm>> -> memref<128x128xf32, #tpu.memory_space<hbm>>
        tpu.wait_dma2 semaphore(%arg15 : memref<!tpu.dma_semaphore, #tpu.memory_space<semaphore_mem>>) src(%dma_wait3A_105 : memref<128x128xf32, #tpu.memory_space<hbm>>) dst(%arg12 : memref<128x128xf32, #tpu.memory_space<vmem>>)
        %dma_wait3A_106 = arith.constant 0 : i32
        %dma_wait3A_107 = arith.constant 0 : i32
        %dma_wait3A_108 = arith.constant 0 : i32
        %dma_wait3A_109 = tpu.memref_slice %arg4[%dma_wait3A_106, %dma_wait3A_107, %dma_wait3A_108] : memref<16x120x128xi32, #tpu.memory_space<hbm>> -> memref<1x1x128xi32, #tpu.memory_space<hbm>>
        %dma_wait3A_110 = tpu.memref_squeeze %dma_wait3A_109 : memref<1x1x128xi32, #tpu.memory_space<hbm>> -> memref<128xi32, #tpu.memory_space<hbm>>
        %dma_wait3A_111 = arith.constant 0 : i32
        %dma_wait3A_112 = tpu.memref_slice %arg4[%dma_wait3A_106, %dma_wait3A_107, %dma_wait3A_111] : memref<16x120x128xi32, #tpu.memory_space<hbm>> -> memref<1x1x128xi32, #tpu.memory_space<hbm>>
        %dma_wait3A_113 = tpu.memref_squeeze %dma_wait3A_112 : memref<1x1x128xi32, #tpu.memory_space<hbm>> -> memref<128xi32, #tpu.memory_space<hbm>>
        tpu.wait_dma2 semaphore(%arg15 : memref<!tpu.dma_semaphore, #tpu.memory_space<semaphore_mem>>) src(%dma_wait3A_113 : memref<128xi32, #tpu.memory_space<hbm>>) dst(%arg10 : memref<128xi32, #tpu.memory_space<vmem>>)
        "tpu.region"() ({
          %run_scoped3A = tpu.sem_alloc : memref<!tpu.dma_semaphore, #tpu.memory_space<semaphore_mem>>
          %dma_start3A_163 = arith.constant 0 : i32
          %dma_start3A_164 = arith.constant 0 : i32
          %dma_start3A_165 = tpu.memref_slice %arg14[%dma_start3A_163, %dma_start3A_164] : memref<10112x128xf32, #tpu.memory_space<vmem_shared>> -> memref<10112x128xf32, #tpu.memory_space<vmem_shared>>
          tpu.enqueue_indirect_dma source(%arg12 : memref<128x128xf32, #tpu.memory_space<vmem>>) target(%dma_start3A_165 : memref<10112x128xf32, #tpu.memory_space<vmem_shared>>) offsets(%arg10 : memref<128xi32, #tpu.memory_space<vmem>>) semaphore(%run_scoped3A : memref<!tpu.dma_semaphore, #tpu.memory_space<semaphore_mem>>) {add = true}
          %dma_wait3A_166 = arith.constant 0 : i32
          %dma_wait3A_167 = arith.constant 0 : i32
          %dma_wait3A_168 = tpu.memref_slice %arg14[%dma_wait3A_166, %dma_wait3A_167] : memref<10112x128xf32, #tpu.memory_space<vmem_shared>> -> memref<10112x128xf32, #tpu.memory_space<vmem_shared>>
          tpu.wait_indirect_dma semaphore(%run_scoped3A : memref<!tpu.dma_semaphore, #tpu.memory_space<semaphore_mem>>) src(%arg12 : memref<128x128xf32, #tpu.memory_space<vmem>>) dst(%dma_wait3A_168 : memref<10112x128xf32, #tpu.memory_space<vmem_shared>>)
          tpu.yield
        }) : () -> ()
        "tpu.region"() ({
          %run_scoped3A = tpu.sem_alloc : memref<!tpu.dma_semaphore, #tpu.memory_space<semaphore_mem>>
          %dma_start3A_163 = arith.constant 0 : i32
          %dma_start3A_164 = tpu.memref_slice %arg17[%dma_start3A_163] : memref<10112xf32, #tpu.memory_space<vmem_shared>> -> memref<10112xf32, #tpu.memory_space<vmem_shared>>
          tpu.enqueue_indirect_dma source(%arg19 : memref<128xf32, #tpu.memory_space<vmem>>) target(%dma_start3A_164 : memref<10112xf32, #tpu.memory_space<vmem_shared>>) offsets(%arg10 : memref<128xi32, #tpu.memory_space<vmem>>) semaphore(%run_scoped3A : memref<!tpu.dma_semaphore, #tpu.memory_space<semaphore_mem>>) {add = true}
          %dma_wait3A_165 = arith.constant 0 : i32
          %dma_wait3A_166 = tpu.memref_slice %arg17[%dma_wait3A_165] : memref<10112xf32, #tpu.memory_space<vmem_shared>> -> memref<10112xf32, #tpu.memory_space<vmem_shared>>
          tpu.wait_indirect_dma semaphore(%run_scoped3A : memref<!tpu.dma_semaphore, #tpu.memory_space<semaphore_mem>>) src(%arg19 : memref<128xf32, #tpu.memory_space<vmem>>) dst(%dma_wait3A_166 : memref<10112xf32, #tpu.memory_space<vmem_shared>>)
          tpu.yield
        }) : () -> ()
        %add3A_114 = arith.constant 2 : i32
        %add3A_115 = arith.addi %add3A_99, %add3A_114 : i32
        %min3A = arith.constant 119 : i32
        %min3A_116 = arith.minsi %add3A_115, %min3A : i32
        %dma_start3A_117 = arith.constant 0 : i32
        %dma_start3A_118 = tpu.memref_slice %arg9[%min3A_116, %dma_start3A_117] : memref<120x128xi32, #tpu.memory_space<vmem>> -> memref<1x128xi32, #tpu.memory_space<vmem>>
        %dma_start3A_119 = tpu.memref_squeeze %dma_start3A_118 : memref<1x128xi32, #tpu.memory_space<vmem>> -> memref<128xi32, #tpu.memory_space<vmem>>
        %dma_start3A_120 = arith.constant 0 : i32
        %dma_start3A_121 = arith.constant 0 : i32
        %dma_start3A_122 = tpu.memref_slice %arg2[%dma_start3A_120, %dma_start3A_121] : memref<10000x128xf32, #tpu.memory_space<hbm>> -> memref<10000x128xf32, #tpu.memory_space<hbm>>
        tpu.enqueue_indirect_dma source(%dma_start3A_122 : memref<10000x128xf32, #tpu.memory_space<hbm>>) target(%arg12 : memref<128x128xf32, #tpu.memory_space<vmem>>) offsets(%dma_start3A_119 : memref<128xi32, #tpu.memory_space<vmem>>) semaphore(%arg15 : memref<!tpu.dma_semaphore, #tpu.memory_space<semaphore_mem>>)
        %dma_start3A_123 = arith.constant 0 : i32
        %dma_start3A_124 = tpu.memref_slice %arg4[%arg1, %min3A_116, %dma_start3A_123] : memref<16x120x128xi32, #tpu.memory_space<hbm>> -> memref<1x1x128xi32, #tpu.memory_space<hbm>>
        %dma_start3A_125 = tpu.memref_squeeze %dma_start3A_124 : memref<1x1x128xi32, #tpu.memory_space<hbm>> -> memref<128xi32, #tpu.memory_space<hbm>>
        %dma_start3A_126 = arith.constant 0 : i32
        %dma_start3A_127 = tpu.memref_slice %arg4[%arg1, %min3A_116, %dma_start3A_126] : memref<16x120x128xi32, #tpu.memory_space<hbm>> -> memref<1x1x128xi32, #tpu.memory_space<hbm>>
        %dma_start3A_128 = tpu.memref_squeeze %dma_start3A_127 : memref<1x1x128xi32, #tpu.memory_space<hbm>> -> memref<128xi32, #tpu.memory_space<hbm>>
        tpu.enqueue_dma source(%dma_start3A_128 : memref<128xi32, #tpu.memory_space<hbm>>) target(%arg10 : memref<128xi32, #tpu.memory_space<vmem>>) target_semaphore(%arg15 : memref<!tpu.dma_semaphore, #tpu.memory_space<semaphore_mem>>)
        %mul3A_129 = arith.constant 2 : i32
        %mul3A_130 = arith.muli %scan3A_95, %mul3A_129 : i32
        %add3A_131 = arith.constant 1 : i32
        %add3A_132 = arith.addi %mul3A_130, %add3A_131 : i32
        %dma_wait3A_133 = arith.constant 0 : i32
        %dma_wait3A_134 = arith.constant 0 : i32
        %dma_wait3A_135 = tpu.memref_slice %arg2[%dma_wait3A_133, %dma_wait3A_134] : memref<10000x128xf32, #tpu.memory_space<hbm>> -> memref<128x128xf32, #tpu.memory_space<hbm>>
        %dma_wait3A_136 = arith.constant 0 : i32
        %dma_wait3A_137 = arith.constant 0 : i32
        %dma_wait3A_138 = tpu.memref_slice %arg2[%dma_wait3A_136, %dma_wait3A_137] : memref<10000x128xf32, #tpu.memory_space<hbm>> -> memref<128x128xf32, #tpu.memory_space<hbm>>
        tpu.wait_dma2 semaphore(%arg16 : memref<!tpu.dma_semaphore, #tpu.memory_space<semaphore_mem>>) src(%dma_wait3A_138 : memref<128x128xf32, #tpu.memory_space<hbm>>) dst(%arg13 : memref<128x128xf32, #tpu.memory_space<vmem>>)
        %dma_wait3A_139 = arith.constant 0 : i32
        %dma_wait3A_140 = arith.constant 0 : i32
        %dma_wait3A_141 = arith.constant 0 : i32
        %dma_wait3A_142 = tpu.memref_slice %arg4[%dma_wait3A_139, %dma_wait3A_140, %dma_wait3A_141] : memref<16x120x128xi32, #tpu.memory_space<hbm>> -> memref<1x1x128xi32, #tpu.memory_space<hbm>>
        %dma_wait3A_143 = tpu.memref_squeeze %dma_wait3A_142 : memref<1x1x128xi32, #tpu.memory_space<hbm>> -> memref<128xi32, #tpu.memory_space<hbm>>
        %dma_wait3A_144 = arith.constant 0 : i32
        %dma_wait3A_145 = tpu.memref_slice %arg4[%dma_wait3A_139, %dma_wait3A_140, %dma_wait3A_144] : memref<16x120x128xi32, #tpu.memory_space<hbm>> -> memref<1x1x128xi32, #tpu.memory_space<hbm>>
        %dma_wait3A_146 = tpu.memref_squeeze %dma_wait3A_145 : memref<1x1x128xi32, #tpu.memory_space<hbm>> -> memref<128xi32, #tpu.memory_space<hbm>>
        tpu.wait_dma2 semaphore(%arg16 : memref<!tpu.dma_semaphore, #tpu.memory_space<semaphore_mem>>) src(%dma_wait3A_146 : memref<128xi32, #tpu.memory_space<hbm>>) dst(%arg11 : memref<128xi32, #tpu.memory_space<vmem>>)
        "tpu.region"() ({
          %run_scoped3A = tpu.sem_alloc : memref<!tpu.dma_semaphore, #tpu.memory_space<semaphore_mem>>
          %dma_start3A_163 = arith.constant 0 : i32
          %dma_start3A_164 = arith.constant 0 : i32
          %dma_start3A_165 = tpu.memref_slice %arg14[%dma_start3A_163, %dma_start3A_164] : memref<10112x128xf32, #tpu.memory_space<vmem_shared>> -> memref<10112x128xf32, #tpu.memory_space<vmem_shared>>
          tpu.enqueue_indirect_dma source(%arg13 : memref<128x128xf32, #tpu.memory_space<vmem>>) target(%dma_start3A_165 : memref<10112x128xf32, #tpu.memory_space<vmem_shared>>) offsets(%arg11 : memref<128xi32, #tpu.memory_space<vmem>>) semaphore(%run_scoped3A : memref<!tpu.dma_semaphore, #tpu.memory_space<semaphore_mem>>) {add = true}
          %dma_wait3A_166 = arith.constant 0 : i32
          %dma_wait3A_167 = arith.constant 0 : i32
          %dma_wait3A_168 = tpu.memref_slice %arg14[%dma_wait3A_166, %dma_wait3A_167] : memref<10112x128xf32, #tpu.memory_space<vmem_shared>> -> memref<10112x128xf32, #tpu.memory_space<vmem_shared>>
          tpu.wait_indirect_dma semaphore(%run_scoped3A : memref<!tpu.dma_semaphore, #tpu.memory_space<semaphore_mem>>) src(%arg13 : memref<128x128xf32, #tpu.memory_space<vmem>>) dst(%dma_wait3A_168 : memref<10112x128xf32, #tpu.memory_space<vmem_shared>>)
          tpu.yield
        }) : () -> ()
        "tpu.region"() ({
          %run_scoped3A = tpu.sem_alloc : memref<!tpu.dma_semaphore, #tpu.memory_space<semaphore_mem>>
          %dma_start3A_163 = arith.constant 0 : i32
          %dma_start3A_164 = tpu.memref_slice %arg17[%dma_start3A_163] : memref<10112xf32, #tpu.memory_space<vmem_shared>> -> memref<10112xf32, #tpu.memory_space<vmem_shared>>
          tpu.enqueue_indirect_dma source(%arg19 : memref<128xf32, #tpu.memory_space<vmem>>) target(%dma_start3A_164 : memref<10112xf32, #tpu.memory_space<vmem_shared>>) offsets(%arg11 : memref<128xi32, #tpu.memory_space<vmem>>) semaphore(%run_scoped3A : memref<!tpu.dma_semaphore, #tpu.memory_space<semaphore_mem>>) {add = true}
          %dma_wait3A_165 = arith.constant 0 : i32
          %dma_wait3A_166 = tpu.memref_slice %arg17[%dma_wait3A_165] : memref<10112xf32, #tpu.memory_space<vmem_shared>> -> memref<10112xf32, #tpu.memory_space<vmem_shared>>
          tpu.wait_indirect_dma semaphore(%run_scoped3A : memref<!tpu.dma_semaphore, #tpu.memory_space<semaphore_mem>>) src(%arg19 : memref<128xf32, #tpu.memory_space<vmem>>) dst(%dma_wait3A_166 : memref<10112xf32, #tpu.memory_space<vmem_shared>>)
          tpu.yield
        }) : () -> ()
        %add3A_147 = arith.constant 2 : i32
        %add3A_148 = arith.addi %add3A_132, %add3A_147 : i32
        %min3A_149 = arith.constant 119 : i32
        %min3A_150 = arith.minsi %add3A_148, %min3A_149 : i32
        %dma_start3A_151 = arith.constant 0 : i32
        %dma_start3A_152 = tpu.memref_slice %arg9[%min3A_150, %dma_start3A_151] : memref<120x128xi32, #tpu.memory_space<vmem>> -> memref<1x128xi32, #tpu.memory_space<vmem>>
        %dma_start3A_153 = tpu.memref_squeeze %dma_start3A_152 : memref<1x128xi32, #tpu.memory_space<vmem>> -> memref<128xi32, #tpu.memory_space<vmem>>
        %dma_start3A_154 = arith.constant 0 : i32
        %dma_start3A_155 = arith.constant 0 : i32
        %dma_start3A_156 = tpu.memref_slice %arg2[%dma_start3A_154, %dma_start3A_155] : memref<10000x128xf32, #tpu.memory_space<hbm>> -> memref<10000x128xf32, #tpu.memory_space<hbm>>
        tpu.enqueue_indirect_dma source(%dma_start3A_156 : memref<10000x128xf32, #tpu.memory_space<hbm>>) target(%arg13 : memref<128x128xf32, #tpu.memory_space<vmem>>) offsets(%dma_start3A_153 : memref<128xi32, #tpu.memory_space<vmem>>) semaphore(%arg16 : memref<!tpu.dma_semaphore, #tpu.memory_space<semaphore_mem>>)
        %dma_start3A_157 = arith.constant 0 : i32
        %dma_start3A_158 = tpu.memref_slice %arg4[%arg1, %min3A_150, %dma_start3A_157] : memref<16x120x128xi32, #tpu.memory_space<hbm>> -> memref<1x1x128xi32, #tpu.memory_space<hbm>>
        %dma_start3A_159 = tpu.memref_squeeze %dma_start3A_158 : memref<1x1x128xi32, #tpu.memory_space<hbm>> -> memref<128xi32, #tpu.memory_space<hbm>>
        %dma_start3A_160 = arith.constant 0 : i32
        %dma_start3A_161 = tpu.memref_slice %arg4[%arg1, %min3A_150, %dma_start3A_160] : memref<16x120x128xi32, #tpu.memory_space<hbm>> -> memref<1x1x128xi32, #tpu.memory_space<hbm>>
        %dma_start3A_162 = tpu.memref_squeeze %dma_start3A_161 : memref<1x1x128xi32, #tpu.memory_space<hbm>> -> memref<128xi32, #tpu.memory_space<hbm>>
        tpu.enqueue_dma source(%dma_start3A_162 : memref<128xi32, #tpu.memory_space<hbm>>) target(%arg11 : memref<128xi32, #tpu.memory_space<vmem>>) target_semaphore(%arg16 : memref<!tpu.dma_semaphore, #tpu.memory_space<semaphore_mem>>)
      }
      %scan3A_67 = arith.constant 60 : i32
      %dma_wait3A = arith.constant 0 : i32
      %dma_wait3A_68 = arith.constant 0 : i32
      %dma_wait3A_69 = tpu.memref_slice %arg2[%dma_wait3A, %dma_wait3A_68] : memref<10000x128xf32, #tpu.memory_space<hbm>> -> memref<128x128xf32, #tpu.memory_space<hbm>>
      %dma_wait3A_70 = arith.constant 0 : i32
      %dma_wait3A_71 = arith.constant 0 : i32
      %dma_wait3A_72 = tpu.memref_slice %arg2[%dma_wait3A_70, %dma_wait3A_71] : memref<10000x128xf32, #tpu.memory_space<hbm>> -> memref<128x128xf32, #tpu.memory_space<hbm>>
      tpu.wait_dma2 semaphore(%arg15 : memref<!tpu.dma_semaphore, #tpu.memory_space<semaphore_mem>>) src(%dma_wait3A_72 : memref<128x128xf32, #tpu.memory_space<hbm>>) dst(%arg12 : memref<128x128xf32, #tpu.memory_space<vmem>>)
      %dma_wait3A_73 = arith.constant 0 : i32
      %dma_wait3A_74 = arith.constant 0 : i32
      %dma_wait3A_75 = arith.constant 0 : i32
      %dma_wait3A_76 = tpu.memref_slice %arg4[%dma_wait3A_73, %dma_wait3A_74, %dma_wait3A_75] : memref<16x120x128xi32, #tpu.memory_space<hbm>> -> memref<1x1x128xi32, #tpu.memory_space<hbm>>
      %dma_wait3A_77 = tpu.memref_squeeze %dma_wait3A_76 : memref<1x1x128xi32, #tpu.memory_space<hbm>> -> memref<128xi32, #tpu.memory_space<hbm>>
      %dma_wait3A_78 = arith.constant 0 : i32
      %dma_wait3A_79 = tpu.memref_slice %arg4[%dma_wait3A_73, %dma_wait3A_74, %dma_wait3A_78] : memref<16x120x128xi32, #tpu.memory_space<hbm>> -> memref<1x1x128xi32, #tpu.memory_space<hbm>>
      %dma_wait3A_80 = tpu.memref_squeeze %dma_wait3A_79 : memref<1x1x128xi32, #tpu.memory_space<hbm>> -> memref<128xi32, #tpu.memory_space<hbm>>
      tpu.wait_dma2 semaphore(%arg15 : memref<!tpu.dma_semaphore, #tpu.memory_space<semaphore_mem>>) src(%dma_wait3A_80 : memref<128xi32, #tpu.memory_space<hbm>>) dst(%arg10 : memref<128xi32, #tpu.memory_space<vmem>>)
      %dma_wait3A_81 = arith.constant 0 : i32
      %dma_wait3A_82 = arith.constant 0 : i32
      %dma_wait3A_83 = tpu.memref_slice %arg2[%dma_wait3A_81, %dma_wait3A_82] : memref<10000x128xf32, #tpu.memory_space<hbm>> -> memref<128x128xf32, #tpu.memory_space<hbm>>
      %dma_wait3A_84 = arith.constant 0 : i32
      %dma_wait3A_85 = arith.constant 0 : i32
      %dma_wait3A_86 = tpu.memref_slice %arg2[%dma_wait3A_84, %dma_wait3A_85] : memref<10000x128xf32, #tpu.memory_space<hbm>> -> memref<128x128xf32, #tpu.memory_space<hbm>>
      tpu.wait_dma2 semaphore(%arg16 : memref<!tpu.dma_semaphore, #tpu.memory_space<semaphore_mem>>) src(%dma_wait3A_86 : memref<128x128xf32, #tpu.memory_space<hbm>>) dst(%arg13 : memref<128x128xf32, #tpu.memory_space<vmem>>)
      %dma_wait3A_87 = arith.constant 0 : i32
      %dma_wait3A_88 = arith.constant 0 : i32
      %dma_wait3A_89 = arith.constant 0 : i32
      %dma_wait3A_90 = tpu.memref_slice %arg4[%dma_wait3A_87, %dma_wait3A_88, %dma_wait3A_89] : memref<16x120x128xi32, #tpu.memory_space<hbm>> -> memref<1x1x128xi32, #tpu.memory_space<hbm>>
      %dma_wait3A_91 = tpu.memref_squeeze %dma_wait3A_90 : memref<1x1x128xi32, #tpu.memory_space<hbm>> -> memref<128xi32, #tpu.memory_space<hbm>>
      %dma_wait3A_92 = arith.constant 0 : i32
      %dma_wait3A_93 = tpu.memref_slice %arg4[%dma_wait3A_87, %dma_wait3A_88, %dma_wait3A_92] : memref<16x120x128xi32, #tpu.memory_space<hbm>> -> memref<1x1x128xi32, #tpu.memory_space<hbm>>
      %dma_wait3A_94 = tpu.memref_squeeze %dma_wait3A_93 : memref<1x1x128xi32, #tpu.memory_space<hbm>> -> memref<128xi32, #tpu.memory_space<hbm>>
      tpu.wait_dma2 semaphore(%arg16 : memref<!tpu.dma_semaphore, #tpu.memory_space<semaphore_mem>>) src(%dma_wait3A_94 : memref<128xi32, #tpu.memory_space<hbm>>) dst(%arg11 : memref<128xi32, #tpu.memory_space<vmem>>)
    } else {
    }
    %ne3A = arith.constant 0 : i32
    %ne3A_30 = arith.cmpi ne, %arg0, %ne3A : i32
    %convert_element_type3A_31 = arith.extui %ne3A_30 : i1 to i32
    %cond3A_32 = arith.constant 0 : i32
    %cond3A_33 = arith.cmpi ne, %convert_element_type3A_31, %cond3A_32 : i32
    scf.if %cond3A_33 {
      "tpu.region"() ({
        %run_scoped3A = tpu.sem_alloc : memref<!tpu.dma_semaphore, #tpu.memory_space<semaphore_mem>>
        %dma_start3A_95 = arith.constant 0 : i32
        %dma_start3A_96 = arith.constant 0 : i32
        %dma_start3A_97 = tpu.memref_slice %arg9[%dma_start3A_95, %dma_start3A_96] : memref<120x128xi32, #tpu.memory_space<vmem>> -> memref<38x128xi32, #tpu.memory_space<vmem>>
        %dma_start3A_98 = arith.constant 0 : i32
        %dma_start3A_99 = arith.constant 0 : i32
        %dma_start3A_100 = tpu.memref_slice %arg5[%arg1, %dma_start3A_98, %dma_start3A_99] : memref<16x38x128xi32, #tpu.memory_space<hbm>> -> memref<1x38x128xi32, #tpu.memory_space<hbm>>
        %dma_start3A_101 = tpu.memref_squeeze %dma_start3A_100 : memref<1x38x128xi32, #tpu.memory_space<hbm>> -> memref<38x128xi32, #tpu.memory_space<hbm>>
        %dma_start3A_102 = arith.constant 0 : i32
        %dma_start3A_103 = arith.constant 0 : i32
        %dma_start3A_104 = tpu.memref_slice %arg9[%dma_start3A_102, %dma_start3A_103] : memref<120x128xi32, #tpu.memory_space<vmem>> -> memref<38x128xi32, #tpu.memory_space<vmem>>
        %dma_start3A_105 = arith.constant 0 : i32
        %dma_start3A_106 = arith.constant 0 : i32
        %dma_start3A_107 = tpu.memref_slice %arg5[%arg1, %dma_start3A_105, %dma_start3A_106] : memref<16x38x128xi32, #tpu.memory_space<hbm>> -> memref<1x38x128xi32, #tpu.memory_space<hbm>>
        %dma_start3A_108 = tpu.memref_squeeze %dma_start3A_107 : memref<1x38x128xi32, #tpu.memory_space<hbm>> -> memref<38x128xi32, #tpu.memory_space<hbm>>
        tpu.enqueue_dma source(%dma_start3A_108 : memref<38x128xi32, #tpu.memory_space<hbm>>) target(%dma_start3A_104 : memref<38x128xi32, #tpu.memory_space<vmem>>) target_semaphore(%run_scoped3A : memref<!tpu.dma_semaphore, #tpu.memory_space<semaphore_mem>>)
        %dma_wait3A_109 = arith.constant 0 : i32
        %dma_wait3A_110 = arith.constant 0 : i32
        %dma_wait3A_111 = tpu.memref_slice %arg9[%dma_wait3A_109, %dma_wait3A_110] : memref<120x128xi32, #tpu.memory_space<vmem>> -> memref<38x128xi32, #tpu.memory_space<vmem>>
        %dma_wait3A_112 = arith.constant 0 : i32
        %dma_wait3A_113 = arith.constant 0 : i32
        %dma_wait3A_114 = tpu.memref_slice %arg5[%arg1, %dma_wait3A_112, %dma_wait3A_113] : memref<16x38x128xi32, #tpu.memory_space<hbm>> -> memref<1x38x128xi32, #tpu.memory_space<hbm>>
        %dma_wait3A_115 = tpu.memref_squeeze %dma_wait3A_114 : memref<1x38x128xi32, #tpu.memory_space<hbm>> -> memref<38x128xi32, #tpu.memory_space<hbm>>
        %dma_wait3A_116 = arith.constant 0 : i32
        %dma_wait3A_117 = arith.constant 0 : i32
        %dma_wait3A_118 = tpu.memref_slice %arg9[%dma_wait3A_116, %dma_wait3A_117] : memref<120x128xi32, #tpu.memory_space<vmem>> -> memref<38x128xi32, #tpu.memory_space<vmem>>
        %dma_wait3A_119 = arith.constant 0 : i32
        %dma_wait3A_120 = arith.constant 0 : i32
        %dma_wait3A_121 = tpu.memref_slice %arg5[%arg1, %dma_wait3A_119, %dma_wait3A_120] : memref<16x38x128xi32, #tpu.memory_space<hbm>> -> memref<1x38x128xi32, #tpu.memory_space<hbm>>
        %dma_wait3A_122 = tpu.memref_squeeze %dma_wait3A_121 : memref<1x38x128xi32, #tpu.memory_space<hbm>> -> memref<38x128xi32, #tpu.memory_space<hbm>>
        tpu.wait_dma2 semaphore(%run_scoped3A : memref<!tpu.dma_semaphore, #tpu.memory_space<semaphore_mem>>) src(%dma_wait3A_122 : memref<38x128xi32, #tpu.memory_space<hbm>>) dst(%dma_wait3A_118 : memref<38x128xi32, #tpu.memory_space<vmem>>)
        tpu.yield
      }) : () -> ()
      %dma_start3A = arith.constant 0 : i32
      %dma_start3A_35 = arith.constant 0 : i32
      %dma_start3A_36 = tpu.memref_slice %arg9[%dma_start3A, %dma_start3A_35] : memref<120x128xi32, #tpu.memory_space<vmem>> -> memref<1x128xi32, #tpu.memory_space<vmem>>
      %dma_start3A_37 = tpu.memref_squeeze %dma_start3A_36 : memref<1x128xi32, #tpu.memory_space<vmem>> -> memref<128xi32, #tpu.memory_space<vmem>>
      %dma_start3A_38 = arith.constant 0 : i32
      %dma_start3A_39 = arith.constant 0 : i32
      %dma_start3A_40 = tpu.memref_slice %arg2[%dma_start3A_38, %dma_start3A_39] : memref<10000x128xf32, #tpu.memory_space<hbm>> -> memref<10000x128xf32, #tpu.memory_space<hbm>>
      tpu.enqueue_indirect_dma source(%dma_start3A_40 : memref<10000x128xf32, #tpu.memory_space<hbm>>) target(%arg12 : memref<128x128xf32, #tpu.memory_space<vmem>>) offsets(%dma_start3A_37 : memref<128xi32, #tpu.memory_space<vmem>>) semaphore(%arg15 : memref<!tpu.dma_semaphore, #tpu.memory_space<semaphore_mem>>)
      %dma_start3A_41 = arith.constant 0 : i32
      %dma_start3A_42 = arith.constant 0 : i32
      %dma_start3A_43 = tpu.memref_slice %arg6[%arg1, %dma_start3A_41, %dma_start3A_42] : memref<16x38x128xi32, #tpu.memory_space<hbm>> -> memref<1x1x128xi32, #tpu.memory_space<hbm>>
      %dma_start3A_44 = tpu.memref_squeeze %dma_start3A_43 : memref<1x1x128xi32, #tpu.memory_space<hbm>> -> memref<128xi32, #tpu.memory_space<hbm>>
      %dma_start3A_45 = arith.constant 0 : i32
      %dma_start3A_46 = tpu.memref_slice %arg6[%arg1, %dma_start3A_41, %dma_start3A_45] : memref<16x38x128xi32, #tpu.memory_space<hbm>> -> memref<1x1x128xi32, #tpu.memory_space<hbm>>
      %dma_start3A_47 = tpu.memref_squeeze %dma_start3A_46 : memref<1x1x128xi32, #tpu.memory_space<hbm>> -> memref<128xi32, #tpu.memory_space<hbm>>
      tpu.enqueue_dma source(%dma_start3A_47 : memref<128xi32, #tpu.memory_space<hbm>>) target(%arg10 : memref<128xi32, #tpu.memory_space<vmem>>) target_semaphore(%arg15 : memref<!tpu.dma_semaphore, #tpu.memory_space<semaphore_mem>>)
      %dma_start3A_48 = arith.constant 1 : i32
      %dma_start3A_49 = arith.constant 0 : i32
      %dma_start3A_50 = tpu.memref_slice %arg9[%dma_start3A_48, %dma_start3A_49] : memref<120x128xi32, #tpu.memory_space<vmem>> -> memref<1x128xi32, #tpu.memory_space<vmem>>
      %dma_start3A_51 = tpu.memref_squeeze %dma_start3A_50 : memref<1x128xi32, #tpu.memory_space<vmem>> -> memref<128xi32, #tpu.memory_space<vmem>>
      %dma_start3A_52 = arith.constant 0 : i32
      %dma_start3A_53 = arith.constant 0 : i32
      %dma_start3A_54 = tpu.memref_slice %arg2[%dma_start3A_52, %dma_start3A_53] : memref<10000x128xf32, #tpu.memory_space<hbm>> -> memref<10000x128xf32, #tpu.memory_space<hbm>>
      tpu.enqueue_indirect_dma source(%dma_start3A_54 : memref<10000x128xf32, #tpu.memory_space<hbm>>) target(%arg13 : memref<128x128xf32, #tpu.memory_space<vmem>>) offsets(%dma_start3A_51 : memref<128xi32, #tpu.memory_space<vmem>>) semaphore(%arg16 : memref<!tpu.dma_semaphore, #tpu.memory_space<semaphore_mem>>)
      %dma_start3A_55 = arith.constant 1 : i32
      %dma_start3A_56 = arith.constant 0 : i32
      %dma_start3A_57 = tpu.memref_slice %arg6[%arg1, %dma_start3A_55, %dma_start3A_56] : memref<16x38x128xi32, #tpu.memory_space<hbm>> -> memref<1x1x128xi32, #tpu.memory_space<hbm>>
      %dma_start3A_58 = tpu.memref_squeeze %dma_start3A_57 : memref<1x1x128xi32, #tpu.memory_space<hbm>> -> memref<128xi32, #tpu.memory_space<hbm>>
      %dma_start3A_59 = arith.constant 0 : i32
      %dma_start3A_60 = tpu.memref_slice %arg6[%arg1, %dma_start3A_55, %dma_start3A_59] : memref<16x38x128xi32, #tpu.memory_space<hbm>> -> memref<1x1x128xi32, #tpu.memory_space<hbm>>
      %dma_start3A_61 = tpu.memref_squeeze %dma_start3A_60 : memref<1x1x128xi32, #tpu.memory_space<hbm>> -> memref<128xi32, #tpu.memory_space<hbm>>
      tpu.enqueue_dma source(%dma_start3A_61 : memref<128xi32, #tpu.memory_space<hbm>>) target(%arg11 : memref<128xi32, #tpu.memory_space<vmem>>) target_semaphore(%arg16 : memref<!tpu.dma_semaphore, #tpu.memory_space<semaphore_mem>>)
      %scan3A_62 = arith.constant 0 : i32
      %scan3A_63 = arith.constant 0 : i32
      %scan3A_64 = arith.constant 19 : i32
      %scan3A_65 = arith.addi %scan3A_63, %scan3A_64 : i32
      %scan3A_66 = arith.constant 1 : i32
      scf.for %scan3A_95 = %scan3A_63 to %scan3A_65 step %scan3A_66  : i32 {
        %mul3A_96 = arith.constant 2 : i32
        %mul3A_97 = arith.muli %scan3A_95, %mul3A_96 : i32
        %add3A_98 = arith.constant 0 : i32
        %add3A_99 = arith.addi %mul3A_97, %add3A_98 : i32
        %dma_wait3A_100 = arith.constant 0 : i32
        %dma_wait3A_101 = arith.constant 0 : i32
        %dma_wait3A_102 = tpu.memref_slice %arg2[%dma_wait3A_100, %dma_wait3A_101] : memref<10000x128xf32, #tpu.memory_space<hbm>> -> memref<128x128xf32, #tpu.memory_space<hbm>>
        %dma_wait3A_103 = arith.constant 0 : i32
        %dma_wait3A_104 = arith.constant 0 : i32
        %dma_wait3A_105 = tpu.memref_slice %arg2[%dma_wait3A_103, %dma_wait3A_104] : memref<10000x128xf32, #tpu.memory_space<hbm>> -> memref<128x128xf32, #tpu.memory_space<hbm>>
        tpu.wait_dma2 semaphore(%arg15 : memref<!tpu.dma_semaphore, #tpu.memory_space<semaphore_mem>>) src(%dma_wait3A_105 : memref<128x128xf32, #tpu.memory_space<hbm>>) dst(%arg12 : memref<128x128xf32, #tpu.memory_space<vmem>>)
        %dma_wait3A_106 = arith.constant 0 : i32
        %dma_wait3A_107 = arith.constant 0 : i32
        %dma_wait3A_108 = arith.constant 0 : i32
        %dma_wait3A_109 = tpu.memref_slice %arg6[%dma_wait3A_106, %dma_wait3A_107, %dma_wait3A_108] : memref<16x38x128xi32, #tpu.memory_space<hbm>> -> memref<1x1x128xi32, #tpu.memory_space<hbm>>
        %dma_wait3A_110 = tpu.memref_squeeze %dma_wait3A_109 : memref<1x1x128xi32, #tpu.memory_space<hbm>> -> memref<128xi32, #tpu.memory_space<hbm>>
        %dma_wait3A_111 = arith.constant 0 : i32
        %dma_wait3A_112 = tpu.memref_slice %arg6[%dma_wait3A_106, %dma_wait3A_107, %dma_wait3A_111] : memref<16x38x128xi32, #tpu.memory_space<hbm>> -> memref<1x1x128xi32, #tpu.memory_space<hbm>>
        %dma_wait3A_113 = tpu.memref_squeeze %dma_wait3A_112 : memref<1x1x128xi32, #tpu.memory_space<hbm>> -> memref<128xi32, #tpu.memory_space<hbm>>
        tpu.wait_dma2 semaphore(%arg15 : memref<!tpu.dma_semaphore, #tpu.memory_space<semaphore_mem>>) src(%dma_wait3A_113 : memref<128xi32, #tpu.memory_space<hbm>>) dst(%arg10 : memref<128xi32, #tpu.memory_space<vmem>>)
        "tpu.region"() ({
          %run_scoped3A = tpu.sem_alloc : memref<!tpu.dma_semaphore, #tpu.memory_space<semaphore_mem>>
          %dma_start3A_163 = arith.constant 0 : i32
          %dma_start3A_164 = arith.constant 0 : i32
          %dma_start3A_165 = tpu.memref_slice %arg14[%dma_start3A_163, %dma_start3A_164] : memref<10112x128xf32, #tpu.memory_space<vmem_shared>> -> memref<10112x128xf32, #tpu.memory_space<vmem_shared>>
          tpu.enqueue_indirect_dma source(%arg12 : memref<128x128xf32, #tpu.memory_space<vmem>>) target(%dma_start3A_165 : memref<10112x128xf32, #tpu.memory_space<vmem_shared>>) offsets(%arg10 : memref<128xi32, #tpu.memory_space<vmem>>) semaphore(%run_scoped3A : memref<!tpu.dma_semaphore, #tpu.memory_space<semaphore_mem>>) {add = true}
          %dma_wait3A_166 = arith.constant 0 : i32
          %dma_wait3A_167 = arith.constant 0 : i32
          %dma_wait3A_168 = tpu.memref_slice %arg14[%dma_wait3A_166, %dma_wait3A_167] : memref<10112x128xf32, #tpu.memory_space<vmem_shared>> -> memref<10112x128xf32, #tpu.memory_space<vmem_shared>>
          tpu.wait_indirect_dma semaphore(%run_scoped3A : memref<!tpu.dma_semaphore, #tpu.memory_space<semaphore_mem>>) src(%arg12 : memref<128x128xf32, #tpu.memory_space<vmem>>) dst(%dma_wait3A_168 : memref<10112x128xf32, #tpu.memory_space<vmem_shared>>)
          tpu.yield
        }) : () -> ()
        "tpu.region"() ({
          %run_scoped3A = tpu.sem_alloc : memref<!tpu.dma_semaphore, #tpu.memory_space<semaphore_mem>>
          %dma_start3A_163 = arith.constant 0 : i32
          %dma_start3A_164 = tpu.memref_slice %arg17[%dma_start3A_163] : memref<10112xf32, #tpu.memory_space<vmem_shared>> -> memref<10112xf32, #tpu.memory_space<vmem_shared>>
          tpu.enqueue_indirect_dma source(%arg19 : memref<128xf32, #tpu.memory_space<vmem>>) target(%dma_start3A_164 : memref<10112xf32, #tpu.memory_space<vmem_shared>>) offsets(%arg10 : memref<128xi32, #tpu.memory_space<vmem>>) semaphore(%run_scoped3A : memref<!tpu.dma_semaphore, #tpu.memory_space<semaphore_mem>>) {add = true}
          %dma_wait3A_165 = arith.constant 0 : i32
          %dma_wait3A_166 = tpu.memref_slice %arg17[%dma_wait3A_165] : memref<10112xf32, #tpu.memory_space<vmem_shared>> -> memref<10112xf32, #tpu.memory_space<vmem_shared>>
          tpu.wait_indirect_dma semaphore(%run_scoped3A : memref<!tpu.dma_semaphore, #tpu.memory_space<semaphore_mem>>) src(%arg19 : memref<128xf32, #tpu.memory_space<vmem>>) dst(%dma_wait3A_166 : memref<10112xf32, #tpu.memory_space<vmem_shared>>)
          tpu.yield
        }) : () -> ()
        %add3A_114 = arith.constant 2 : i32
        %add3A_115 = arith.addi %add3A_99, %add3A_114 : i32
        %min3A = arith.constant 37 : i32
        %min3A_116 = arith.minsi %add3A_115, %min3A : i32
        %dma_start3A_117 = arith.constant 0 : i32
        %dma_start3A_118 = tpu.memref_slice %arg9[%min3A_116, %dma_start3A_117] : memref<120x128xi32, #tpu.memory_space<vmem>> -> memref<1x128xi32, #tpu.memory_space<vmem>>
        %dma_start3A_119 = tpu.memref_squeeze %dma_start3A_118 : memref<1x128xi32, #tpu.memory_space<vmem>> -> memref<128xi32, #tpu.memory_space<vmem>>
        %dma_start3A_120 = arith.constant 0 : i32
        %dma_start3A_121 = arith.constant 0 : i32
        %dma_start3A_122 = tpu.memref_slice %arg2[%dma_start3A_120, %dma_start3A_121] : memref<10000x128xf32, #tpu.memory_space<hbm>> -> memref<10000x128xf32, #tpu.memory_space<hbm>>
        tpu.enqueue_indirect_dma source(%dma_start3A_122 : memref<10000x128xf32, #tpu.memory_space<hbm>>) target(%arg12 : memref<128x128xf32, #tpu.memory_space<vmem>>) offsets(%dma_start3A_119 : memref<128xi32, #tpu.memory_space<vmem>>) semaphore(%arg15 : memref<!tpu.dma_semaphore, #tpu.memory_space<semaphore_mem>>)
        %dma_start3A_123 = arith.constant 0 : i32
        %dma_start3A_124 = tpu.memref_slice %arg6[%arg1, %min3A_116, %dma_start3A_123] : memref<16x38x128xi32, #tpu.memory_space<hbm>> -> memref<1x1x128xi32, #tpu.memory_space<hbm>>
        %dma_start3A_125 = tpu.memref_squeeze %dma_start3A_124 : memref<1x1x128xi32, #tpu.memory_space<hbm>> -> memref<128xi32, #tpu.memory_space<hbm>>
        %dma_start3A_126 = arith.constant 0 : i32
        %dma_start3A_127 = tpu.memref_slice %arg6[%arg1, %min3A_116, %dma_start3A_126] : memref<16x38x128xi32, #tpu.memory_space<hbm>> -> memref<1x1x128xi32, #tpu.memory_space<hbm>>
        %dma_start3A_128 = tpu.memref_squeeze %dma_start3A_127 : memref<1x1x128xi32, #tpu.memory_space<hbm>> -> memref<128xi32, #tpu.memory_space<hbm>>
        tpu.enqueue_dma source(%dma_start3A_128 : memref<128xi32, #tpu.memory_space<hbm>>) target(%arg10 : memref<128xi32, #tpu.memory_space<vmem>>) target_semaphore(%arg15 : memref<!tpu.dma_semaphore, #tpu.memory_space<semaphore_mem>>)
        %mul3A_129 = arith.constant 2 : i32
        %mul3A_130 = arith.muli %scan3A_95, %mul3A_129 : i32
        %add3A_131 = arith.constant 1 : i32
        %add3A_132 = arith.addi %mul3A_130, %add3A_131 : i32
        %dma_wait3A_133 = arith.constant 0 : i32
        %dma_wait3A_134 = arith.constant 0 : i32
        %dma_wait3A_135 = tpu.memref_slice %arg2[%dma_wait3A_133, %dma_wait3A_134] : memref<10000x128xf32, #tpu.memory_space<hbm>> -> memref<128x128xf32, #tpu.memory_space<hbm>>
        %dma_wait3A_136 = arith.constant 0 : i32
        %dma_wait3A_137 = arith.constant 0 : i32
        %dma_wait3A_138 = tpu.memref_slice %arg2[%dma_wait3A_136, %dma_wait3A_137] : memref<10000x128xf32, #tpu.memory_space<hbm>> -> memref<128x128xf32, #tpu.memory_space<hbm>>
        tpu.wait_dma2 semaphore(%arg16 : memref<!tpu.dma_semaphore, #tpu.memory_space<semaphore_mem>>) src(%dma_wait3A_138 : memref<128x128xf32, #tpu.memory_space<hbm>>) dst(%arg13 : memref<128x128xf32, #tpu.memory_space<vmem>>)
        %dma_wait3A_139 = arith.constant 0 : i32
        %dma_wait3A_140 = arith.constant 0 : i32
        %dma_wait3A_141 = arith.constant 0 : i32
        %dma_wait3A_142 = tpu.memref_slice %arg6[%dma_wait3A_139, %dma_wait3A_140, %dma_wait3A_141] : memref<16x38x128xi32, #tpu.memory_space<hbm>> -> memref<1x1x128xi32, #tpu.memory_space<hbm>>
        %dma_wait3A_143 = tpu.memref_squeeze %dma_wait3A_142 : memref<1x1x128xi32, #tpu.memory_space<hbm>> -> memref<128xi32, #tpu.memory_space<hbm>>
        %dma_wait3A_144 = arith.constant 0 : i32
        %dma_wait3A_145 = tpu.memref_slice %arg6[%dma_wait3A_139, %dma_wait3A_140, %dma_wait3A_144] : memref<16x38x128xi32, #tpu.memory_space<hbm>> -> memref<1x1x128xi32, #tpu.memory_space<hbm>>
        %dma_wait3A_146 = tpu.memref_squeeze %dma_wait3A_145 : memref<1x1x128xi32, #tpu.memory_space<hbm>> -> memref<128xi32, #tpu.memory_space<hbm>>
        tpu.wait_dma2 semaphore(%arg16 : memref<!tpu.dma_semaphore, #tpu.memory_space<semaphore_mem>>) src(%dma_wait3A_146 : memref<128xi32, #tpu.memory_space<hbm>>) dst(%arg11 : memref<128xi32, #tpu.memory_space<vmem>>)
        "tpu.region"() ({
          %run_scoped3A = tpu.sem_alloc : memref<!tpu.dma_semaphore, #tpu.memory_space<semaphore_mem>>
          %dma_start3A_163 = arith.constant 0 : i32
          %dma_start3A_164 = arith.constant 0 : i32
          %dma_start3A_165 = tpu.memref_slice %arg14[%dma_start3A_163, %dma_start3A_164] : memref<10112x128xf32, #tpu.memory_space<vmem_shared>> -> memref<10112x128xf32, #tpu.memory_space<vmem_shared>>
          tpu.enqueue_indirect_dma source(%arg13 : memref<128x128xf32, #tpu.memory_space<vmem>>) target(%dma_start3A_165 : memref<10112x128xf32, #tpu.memory_space<vmem_shared>>) offsets(%arg11 : memref<128xi32, #tpu.memory_space<vmem>>) semaphore(%run_scoped3A : memref<!tpu.dma_semaphore, #tpu.memory_space<semaphore_mem>>) {add = true}
          %dma_wait3A_166 = arith.constant 0 : i32
          %dma_wait3A_167 = arith.constant 0 : i32
          %dma_wait3A_168 = tpu.memref_slice %arg14[%dma_wait3A_166, %dma_wait3A_167] : memref<10112x128xf32, #tpu.memory_space<vmem_shared>> -> memref<10112x128xf32, #tpu.memory_space<vmem_shared>>
          tpu.wait_indirect_dma semaphore(%run_scoped3A : memref<!tpu.dma_semaphore, #tpu.memory_space<semaphore_mem>>) src(%arg13 : memref<128x128xf32, #tpu.memory_space<vmem>>) dst(%dma_wait3A_168 : memref<10112x128xf32, #tpu.memory_space<vmem_shared>>)
          tpu.yield
        }) : () -> ()
        "tpu.region"() ({
          %run_scoped3A = tpu.sem_alloc : memref<!tpu.dma_semaphore, #tpu.memory_space<semaphore_mem>>
          %dma_start3A_163 = arith.constant 0 : i32
          %dma_start3A_164 = tpu.memref_slice %arg17[%dma_start3A_163] : memref<10112xf32, #tpu.memory_space<vmem_shared>> -> memref<10112xf32, #tpu.memory_space<vmem_shared>>
          tpu.enqueue_indirect_dma source(%arg19 : memref<128xf32, #tpu.memory_space<vmem>>) target(%dma_start3A_164 : memref<10112xf32, #tpu.memory_space<vmem_shared>>) offsets(%arg11 : memref<128xi32, #tpu.memory_space<vmem>>) semaphore(%run_scoped3A : memref<!tpu.dma_semaphore, #tpu.memory_space<semaphore_mem>>) {add = true}
          %dma_wait3A_165 = arith.constant 0 : i32
          %dma_wait3A_166 = tpu.memref_slice %arg17[%dma_wait3A_165] : memref<10112xf32, #tpu.memory_space<vmem_shared>> -> memref<10112xf32, #tpu.memory_space<vmem_shared>>
          tpu.wait_indirect_dma semaphore(%run_scoped3A : memref<!tpu.dma_semaphore, #tpu.memory_space<semaphore_mem>>) src(%arg19 : memref<128xf32, #tpu.memory_space<vmem>>) dst(%dma_wait3A_166 : memref<10112xf32, #tpu.memory_space<vmem_shared>>)
          tpu.yield
        }) : () -> ()
        %add3A_147 = arith.constant 2 : i32
        %add3A_148 = arith.addi %add3A_132, %add3A_147 : i32
        %min3A_149 = arith.constant 37 : i32
        %min3A_150 = arith.minsi %add3A_148, %min3A_149 : i32
        %dma_start3A_151 = arith.constant 0 : i32
        %dma_start3A_152 = tpu.memref_slice %arg9[%min3A_150, %dma_start3A_151] : memref<120x128xi32, #tpu.memory_space<vmem>> -> memref<1x128xi32, #tpu.memory_space<vmem>>
        %dma_start3A_153 = tpu.memref_squeeze %dma_start3A_152 : memref<1x128xi32, #tpu.memory_space<vmem>> -> memref<128xi32, #tpu.memory_space<vmem>>
        %dma_start3A_154 = arith.constant 0 : i32
        %dma_start3A_155 = arith.constant 0 : i32
        %dma_start3A_156 = tpu.memref_slice %arg2[%dma_start3A_154, %dma_start3A_155] : memref<10000x128xf32, #tpu.memory_space<hbm>> -> memref<10000x128xf32, #tpu.memory_space<hbm>>
        tpu.enqueue_indirect_dma source(%dma_start3A_156 : memref<10000x128xf32, #tpu.memory_space<hbm>>) target(%arg13 : memref<128x128xf32, #tpu.memory_space<vmem>>) offsets(%dma_start3A_153 : memref<128xi32, #tpu.memory_space<vmem>>) semaphore(%arg16 : memref<!tpu.dma_semaphore, #tpu.memory_space<semaphore_mem>>)
        %dma_start3A_157 = arith.constant 0 : i32
        %dma_start3A_158 = tpu.memref_slice %arg6[%arg1, %min3A_150, %dma_start3A_157] : memref<16x38x128xi32, #tpu.memory_space<hbm>> -> memref<1x1x128xi32, #tpu.memory_space<hbm>>
        %dma_start3A_159 = tpu.memref_squeeze %dma_start3A_158 : memref<1x1x128xi32, #tpu.memory_space<hbm>> -> memref<128xi32, #tpu.memory_space<hbm>>
        %dma_start3A_160 = arith.constant 0 : i32
        %dma_start3A_161 = tpu.memref_slice %arg6[%arg1, %min3A_150, %dma_start3A_160] : memref<16x38x128xi32, #tpu.memory_space<hbm>> -> memref<1x1x128xi32, #tpu.memory_space<hbm>>
        %dma_start3A_162 = tpu.memref_squeeze %dma_start3A_161 : memref<1x1x128xi32, #tpu.memory_space<hbm>> -> memref<128xi32, #tpu.memory_space<hbm>>
        tpu.enqueue_dma source(%dma_start3A_162 : memref<128xi32, #tpu.memory_space<hbm>>) target(%arg11 : memref<128xi32, #tpu.memory_space<vmem>>) target_semaphore(%arg16 : memref<!tpu.dma_semaphore, #tpu.memory_space<semaphore_mem>>)
      }
      %scan3A_67 = arith.constant 19 : i32
      %dma_wait3A = arith.constant 0 : i32
      %dma_wait3A_68 = arith.constant 0 : i32
      %dma_wait3A_69 = tpu.memref_slice %arg2[%dma_wait3A, %dma_wait3A_68] : memref<10000x128xf32, #tpu.memory_space<hbm>> -> memref<128x128xf32, #tpu.memory_space<hbm>>
      %dma_wait3A_70 = arith.constant 0 : i32
      %dma_wait3A_71 = arith.constant 0 : i32
      %dma_wait3A_72 = tpu.memref_slice %arg2[%dma_wait3A_70, %dma_wait3A_71] : memref<10000x128xf32, #tpu.memory_space<hbm>> -> memref<128x128xf32, #tpu.memory_space<hbm>>
      tpu.wait_dma2 semaphore(%arg15 : memref<!tpu.dma_semaphore, #tpu.memory_space<semaphore_mem>>) src(%dma_wait3A_72 : memref<128x128xf32, #tpu.memory_space<hbm>>) dst(%arg12 : memref<128x128xf32, #tpu.memory_space<vmem>>)
      %dma_wait3A_73 = arith.constant 0 : i32
      %dma_wait3A_74 = arith.constant 0 : i32
      %dma_wait3A_75 = arith.constant 0 : i32
      %dma_wait3A_76 = tpu.memref_slice %arg6[%dma_wait3A_73, %dma_wait3A_74, %dma_wait3A_75] : memref<16x38x128xi32, #tpu.memory_space<hbm>> -> memref<1x1x128xi32, #tpu.memory_space<hbm>>
      %dma_wait3A_77 = tpu.memref_squeeze %dma_wait3A_76 : memref<1x1x128xi32, #tpu.memory_space<hbm>> -> memref<128xi32, #tpu.memory_space<hbm>>
      %dma_wait3A_78 = arith.constant 0 : i32
      %dma_wait3A_79 = tpu.memref_slice %arg6[%dma_wait3A_73, %dma_wait3A_74, %dma_wait3A_78] : memref<16x38x128xi32, #tpu.memory_space<hbm>> -> memref<1x1x128xi32, #tpu.memory_space<hbm>>
      %dma_wait3A_80 = tpu.memref_squeeze %dma_wait3A_79 : memref<1x1x128xi32, #tpu.memory_space<hbm>> -> memref<128xi32, #tpu.memory_space<hbm>>
      tpu.wait_dma2 semaphore(%arg15 : memref<!tpu.dma_semaphore, #tpu.memory_space<semaphore_mem>>) src(%dma_wait3A_80 : memref<128xi32, #tpu.memory_space<hbm>>) dst(%arg10 : memref<128xi32, #tpu.memory_space<vmem>>)
      %dma_wait3A_81 = arith.constant 0 : i32
      %dma_wait3A_82 = arith.constant 0 : i32
      %dma_wait3A_83 = tpu.memref_slice %arg2[%dma_wait3A_81, %dma_wait3A_82] : memref<10000x128xf32, #tpu.memory_space<hbm>> -> memref<128x128xf32, #tpu.memory_space<hbm>>
      %dma_wait3A_84 = arith.constant 0 : i32
      %dma_wait3A_85 = arith.constant 0 : i32
      %dma_wait3A_86 = tpu.memref_slice %arg2[%dma_wait3A_84, %dma_wait3A_85] : memref<10000x128xf32, #tpu.memory_space<hbm>> -> memref<128x128xf32, #tpu.memory_space<hbm>>
      tpu.wait_dma2 semaphore(%arg16 : memref<!tpu.dma_semaphore, #tpu.memory_space<semaphore_mem>>) src(%dma_wait3A_86 : memref<128x128xf32, #tpu.memory_space<hbm>>) dst(%arg13 : memref<128x128xf32, #tpu.memory_space<vmem>>)
      %dma_wait3A_87 = arith.constant 0 : i32
      %dma_wait3A_88 = arith.constant 0 : i32
      %dma_wait3A_89 = arith.constant 0 : i32
      %dma_wait3A_90 = tpu.memref_slice %arg6[%dma_wait3A_87, %dma_wait3A_88, %dma_wait3A_89] : memref<16x38x128xi32, #tpu.memory_space<hbm>> -> memref<1x1x128xi32, #tpu.memory_space<hbm>>
      %dma_wait3A_91 = tpu.memref_squeeze %dma_wait3A_90 : memref<1x1x128xi32, #tpu.memory_space<hbm>> -> memref<128xi32, #tpu.memory_space<hbm>>
      %dma_wait3A_92 = arith.constant 0 : i32
      %dma_wait3A_93 = tpu.memref_slice %arg6[%dma_wait3A_87, %dma_wait3A_88, %dma_wait3A_92] : memref<16x38x128xi32, #tpu.memory_space<hbm>> -> memref<1x1x128xi32, #tpu.memory_space<hbm>>
      %dma_wait3A_94 = tpu.memref_squeeze %dma_wait3A_93 : memref<1x1x128xi32, #tpu.memory_space<hbm>> -> memref<128xi32, #tpu.memory_space<hbm>>
      tpu.wait_dma2 semaphore(%arg16 : memref<!tpu.dma_semaphore, #tpu.memory_space<semaphore_mem>>) src(%dma_wait3A_94 : memref<128xi32, #tpu.memory_space<hbm>>) dst(%arg11 : memref<128xi32, #tpu.memory_space<vmem>>)
    } else {
    }
    %barrier3A_34 = arith.constant 0 : index
    tpu.barrier barrier_id(%barrier3A_34)
    "tpu.region"() ({
      %run_scoped3A = tpu.sem_alloc : memref<!tpu.dma_semaphore, #tpu.memory_space<semaphore_mem>>
      %dma_start3A = arith.constant 0 : i32
      %dma_start3A_35 = tpu.memref_slice %arg7[%arg0, %mul3A_0, %dma_start3A] : memref<2x10112x128xf32, #tpu.memory_space<hbm>> -> memref<1x632x128xf32, #tpu.memory_space<hbm>>
      %dma_start3A_36 = tpu.memref_squeeze %dma_start3A_35 : memref<1x632x128xf32, #tpu.memory_space<hbm>> -> memref<632x128xf32, #tpu.memory_space<hbm>>
      %dma_start3A_37 = arith.constant 0 : i32
      %dma_start3A_38 = tpu.memref_slice %arg14[%mul3A_0, %dma_start3A_37] : memref<10112x128xf32, #tpu.memory_space<vmem_shared>> -> memref<632x128xf32, #tpu.memory_space<vmem_shared>>
      tpu.enqueue_dma source(%dma_start3A_38 : memref<632x128xf32, #tpu.memory_space<vmem_shared>>) target(%dma_start3A_36 : memref<632x128xf32, #tpu.memory_space<hbm>>) target_semaphore(%run_scoped3A : memref<!tpu.dma_semaphore, #tpu.memory_space<semaphore_mem>>)
      %dma_wait3A = arith.constant 0 : i32
      %dma_wait3A_39 = tpu.memref_slice %arg7[%arg0, %mul3A_0, %dma_wait3A] : memref<2x10112x128xf32, #tpu.memory_space<hbm>> -> memref<1x632x128xf32, #tpu.memory_space<hbm>>
      %dma_wait3A_40 = tpu.memref_squeeze %dma_wait3A_39 : memref<1x632x128xf32, #tpu.memory_space<hbm>> -> memref<632x128xf32, #tpu.memory_space<hbm>>
      %dma_wait3A_41 = arith.constant 0 : i32
      %dma_wait3A_42 = tpu.memref_slice %arg14[%mul3A_0, %dma_wait3A_41] : memref<10112x128xf32, #tpu.memory_space<vmem_shared>> -> memref<632x128xf32, #tpu.memory_space<vmem_shared>>
      tpu.wait_dma2 semaphore(%run_scoped3A : memref<!tpu.dma_semaphore, #tpu.memory_space<semaphore_mem>>) src(%dma_wait3A_42 : memref<632x128xf32, #tpu.memory_space<vmem_shared>>) dst(%dma_wait3A_40 : memref<632x128xf32, #tpu.memory_space<hbm>>)
      tpu.yield
    }) : () -> ()
    "tpu.region"() ({
      %run_scoped3A = tpu.sem_alloc : memref<!tpu.dma_semaphore, #tpu.memory_space<semaphore_mem>>
      %dma_start3A = arith.constant 0 : i32
      %dma_start3A_35 = tpu.memref_slice %arg8[%arg0, %arg1, %dma_start3A] : memref<2x16x632xf32, #tpu.memory_space<hbm>> -> memref<1x1x632xf32, #tpu.memory_space<hbm>>
      %dma_start3A_36 = tpu.memref_squeeze %dma_start3A_35 : memref<1x1x632xf32, #tpu.memory_space<hbm>> -> memref<632xf32, #tpu.memory_space<hbm>>
      %dma_start3A_37 = tpu.memref_slice %arg17[%mul3A_0] : memref<10112xf32, #tpu.memory_space<vmem_shared>> -> memref<632xf32, #tpu.memory_space<vmem_shared>>
      tpu.enqueue_dma source(%dma_start3A_37 : memref<632xf32, #tpu.memory_space<vmem_shared>>) target(%dma_start3A_36 : memref<632xf32, #tpu.memory_space<hbm>>) target_semaphore(%run_scoped3A : memref<!tpu.dma_semaphore, #tpu.memory_space<semaphore_mem>>)
      %dma_wait3A = arith.constant 0 : i32
      %dma_wait3A_38 = tpu.memref_slice %arg8[%arg0, %arg1, %dma_wait3A] : memref<2x16x632xf32, #tpu.memory_space<hbm>> -> memref<1x1x632xf32, #tpu.memory_space<hbm>>
      %dma_wait3A_39 = tpu.memref_squeeze %dma_wait3A_38 : memref<1x1x632xf32, #tpu.memory_space<hbm>> -> memref<632xf32, #tpu.memory_space<hbm>>
      %dma_wait3A_40 = tpu.memref_slice %arg17[%mul3A_0] : memref<10112xf32, #tpu.memory_space<vmem_shared>> -> memref<632xf32, #tpu.memory_space<vmem_shared>>
      tpu.wait_dma2 semaphore(%run_scoped3A : memref<!tpu.dma_semaphore, #tpu.memory_space<semaphore_mem>>) src(%dma_wait3A_40 : memref<632xf32, #tpu.memory_space<vmem_shared>>) dst(%dma_wait3A_39 : memref<632xf32, #tpu.memory_space<hbm>>)
      tpu.yield
    }) : () -> ()
    return
  }
}

#map = affine_map<(d0, d1) -> (0, 0)>
#map1 = affine_map<(d0, d1) -> (0, 0, 0)>
module attributes {stable_mosaic.version = 14 : i64} {
  func.func @body(%arg0: i32, %arg1: i32, %arg2: memref<10000x64xf32, #tpu.memory_space<hbm>>, %arg3: memref<16x60x256xi32, #tpu.memory_space<hbm>>, %arg4: memref<16x60x256xi32, #tpu.memory_space<hbm>>, %arg5: memref<16x20x256xi32, #tpu.memory_space<hbm>>, %arg6: memref<16x20x256xi32, #tpu.memory_space<hbm>>, %arg7: memref<2x10112x64xf32, #tpu.memory_space<hbm>>, %arg8: memref<60x256xi32, #tpu.memory_space<vmem>>, %arg9: memref<256xi32, #tpu.memory_space<vmem>>, %arg10: memref<256xi32, #tpu.memory_space<vmem>>, %arg11: memref<256x64xf32, #tpu.memory_space<vmem>>, %arg12: memref<256x64xf32, #tpu.memory_space<vmem>>, %arg13: memref<10112x64xf32, #tpu.memory_space<vmem_shared>>, %arg14: memref<!tpu.dma_semaphore, #tpu.memory_space<semaphore_mem>>, %arg15: memref<!tpu.dma_semaphore, #tpu.memory_space<semaphore_mem>>) attributes {dimension_semantics = [#tpu.dimension_semantics<core_parallel>, #tpu.dimension_semantics<subcore_parallel>], iteration_bounds = array<i64: 2, 16>, scalar_prefetch = 0 : i64, scratch_operands = 8 : i64, tpu.core_type = #tpu.core_type<sc_vector_subcore>, window_params = [{transform_indices = #map}, {transform_indices = #map1}, {transform_indices = #map1}, {transform_indices = #map1}, {transform_indices = #map1}, {transform_indices = #map1}]} {
    %mul3A = arith.constant 632 : i32
    %mul3A_0 = arith.muli %arg1, %mul3A : i32
    %broadcast_in_dim3A = arith.constant 0.000000e+00 : f32
    %broadcast_in_dim3A_1 = vector.broadcast %broadcast_in_dim3A : f32 to vector<16xf32>
    %scan3A = arith.constant 0 : i32
    %scan3A_2 = arith.constant 0 : i32
    %scan3A_3 = arith.constant 256 : i32
    %scan3A_4 = arith.addi %scan3A_2, %scan3A_3 : i32
    %scan3A_5 = arith.constant 1 : i32
    scf.for %scan3A_19 = %scan3A_2 to %scan3A_4 step %scan3A_5  : i32 {
      %swap3A = arith.index_cast %scan3A_19 : i32 to index
      %swap3A_20 = arith.constant 0 : index
      %swap3A_21 = tpu.vector_load %arg11[%swap3A, %swap3A_20] {strides = array<i32>} : memref<256x64xf32, #tpu.memory_space<vmem>>, vector<1x16xf32>,
      %swap3A_22 = vector.shape_cast %swap3A_21 : vector<1x16xf32> to vector<16xf32>
      %swap3A_23 = vector.shape_cast %broadcast_in_dim3A_1 : vector<16xf32> to vector<1x16xf32>
      tpu.vector_store %arg11[%swap3A, %swap3A_20], %swap3A_23 {strides = array<i32>} : memref<256x64xf32, #tpu.memory_space<vmem>>, vector<1x16xf32>,
      %swap3A_24 = arith.index_cast %scan3A_19 : i32 to index
      %swap3A_25 = arith.constant 16 : index
      %swap3A_26 = tpu.vector_load %arg11[%swap3A_24, %swap3A_25] {strides = array<i32>} : memref<256x64xf32, #tpu.memory_space<vmem>>, vector<1x16xf32>,
      %swap3A_27 = vector.shape_cast %swap3A_26 : vector<1x16xf32> to vector<16xf32>
      %swap3A_28 = vector.shape_cast %broadcast_in_dim3A_1 : vector<16xf32> to vector<1x16xf32>
      tpu.vector_store %arg11[%swap3A_24, %swap3A_25], %swap3A_28 {strides = array<i32>} : memref<256x64xf32, #tpu.memory_space<vmem>>, vector<1x16xf32>,
      %swap3A_29 = arith.index_cast %scan3A_19 : i32 to index
      %swap3A_30 = arith.constant 32 : index
      %swap3A_31 = tpu.vector_load %arg11[%swap3A_29, %swap3A_30] {strides = array<i32>} : memref<256x64xf32, #tpu.memory_space<vmem>>, vector<1x16xf32>,
      %swap3A_32 = vector.shape_cast %swap3A_31 : vector<1x16xf32> to vector<16xf32>
      %swap3A_33 = vector.shape_cast %broadcast_in_dim3A_1 : vector<16xf32> to vector<1x16xf32>
      tpu.vector_store %arg11[%swap3A_29, %swap3A_30], %swap3A_33 {strides = array<i32>} : memref<256x64xf32, #tpu.memory_space<vmem>>, vector<1x16xf32>,
      %swap3A_34 = arith.index_cast %scan3A_19 : i32 to index
      %swap3A_35 = arith.constant 48 : index
      %swap3A_36 = tpu.vector_load %arg11[%swap3A_34, %swap3A_35] {strides = array<i32>} : memref<256x64xf32, #tpu.memory_space<vmem>>, vector<1x16xf32>,
      %swap3A_37 = vector.shape_cast %swap3A_36 : vector<1x16xf32> to vector<16xf32>
      %swap3A_38 = vector.shape_cast %broadcast_in_dim3A_1 : vector<16xf32> to vector<1x16xf32>
      tpu.vector_store %arg11[%swap3A_34, %swap3A_35], %swap3A_38 {strides = array<i32>} : memref<256x64xf32, #tpu.memory_space<vmem>>, vector<1x16xf32>,
    }
    %scan3A_6 = arith.constant 256 : i32
    %add3A = arith.constant 0 : i32
    %add3A_7 = arith.addi %mul3A_0, %add3A : i32
    "tpu.region"() ({
      %run_scoped3A = tpu.sem_alloc : memref<!tpu.dma_semaphore, #tpu.memory_space<semaphore_mem>>
      %dma_start3A = arith.constant 0 : i32
      %dma_start3A_19 = arith.constant 0 : i32
      %dma_start3A_20 = tpu.memref_slice %arg11[%dma_start3A, %dma_start3A_19] : memref<256x64xf32, #tpu.memory_space<vmem>> -> memref<256x64xf32, #tpu.memory_space<vmem>>
      %dma_start3A_21 = arith.constant 0 : i32
      %dma_start3A_22 = tpu.memref_slice %arg13[%add3A_7, %dma_start3A_21] : memref<10112x64xf32, #tpu.memory_space<vmem_shared>> -> memref<256x64xf32, #tpu.memory_space<vmem_shared>>
      %dma_start3A_23 = arith.constant 0 : i32
      %dma_start3A_24 = tpu.memref_slice %arg13[%add3A_7, %dma_start3A_23] : memref<10112x64xf32, #tpu.memory_space<vmem_shared>> -> memref<256x64xf32, #tpu.memory_space<vmem_shared>>
      %dma_start3A_25 = arith.constant 0 : i32
      %dma_start3A_26 = arith.constant 0 : i32
      %dma_start3A_27 = tpu.memref_slice %arg11[%dma_start3A_25, %dma_start3A_26] : memref<256x64xf32, #tpu.memory_space<vmem>> -> memref<256x64xf32, #tpu.memory_space<vmem>>
      tpu.enqueue_dma source(%dma_start3A_27 : memref<256x64xf32, #tpu.memory_space<vmem>>) target(%dma_start3A_24 : memref<256x64xf32, #tpu.memory_space<vmem_shared>>) target_semaphore(%run_scoped3A : memref<!tpu.dma_semaphore, #tpu.memory_space<semaphore_mem>>)
      %dma_wait3A = arith.constant 0 : i32
      %dma_wait3A_28 = arith.constant 0 : i32
      %dma_wait3A_29 = tpu.memref_slice %arg11[%dma_wait3A, %dma_wait3A_28] : memref<256x64xf32, #tpu.memory_space<vmem>> -> memref<256x64xf32, #tpu.memory_space<vmem>>
      %dma_wait3A_30 = arith.constant 0 : i32
      %dma_wait3A_31 = tpu.memref_slice %arg13[%add3A_7, %dma_wait3A_30] : memref<10112x64xf32, #tpu.memory_space<vmem_shared>> -> memref<256x64xf32, #tpu.memory_space<vmem_shared>>
      %dma_wait3A_32 = arith.constant 0 : i32
      %dma_wait3A_33 = tpu.memref_slice %arg13[%add3A_7, %dma_wait3A_32] : memref<10112x64xf32, #tpu.memory_space<vmem_shared>> -> memref<256x64xf32, #tpu.memory_space<vmem_shared>>
      %dma_wait3A_34 = arith.constant 0 : i32
      %dma_wait3A_35 = arith.constant 0 : i32
      %dma_wait3A_36 = tpu.memref_slice %arg11[%dma_wait3A_34, %dma_wait3A_35] : memref<256x64xf32, #tpu.memory_space<vmem>> -> memref<256x64xf32, #tpu.memory_space<vmem>>
      tpu.wait_dma2 semaphore(%run_scoped3A : memref<!tpu.dma_semaphore, #tpu.memory_space<semaphore_mem>>) src(%dma_wait3A_36 : memref<256x64xf32, #tpu.memory_space<vmem>>) dst(%dma_wait3A_33 : memref<256x64xf32, #tpu.memory_space<vmem_shared>>)
      tpu.yield
    }) : () -> ()
    %add3A_8 = arith.constant 256 : i32
    %add3A_9 = arith.addi %mul3A_0, %add3A_8 : i32
    "tpu.region"() ({
      %run_scoped3A = tpu.sem_alloc : memref<!tpu.dma_semaphore, #tpu.memory_space<semaphore_mem>>
      %dma_start3A = arith.constant 0 : i32
      %dma_start3A_19 = arith.constant 0 : i32
      %dma_start3A_20 = tpu.memref_slice %arg11[%dma_start3A, %dma_start3A_19] : memref<256x64xf32, #tpu.memory_space<vmem>> -> memref<256x64xf32, #tpu.memory_space<vmem>>
      %dma_start3A_21 = arith.constant 0 : i32
      %dma_start3A_22 = tpu.memref_slice %arg13[%add3A_9, %dma_start3A_21] : memref<10112x64xf32, #tpu.memory_space<vmem_shared>> -> memref<256x64xf32, #tpu.memory_space<vmem_shared>>
      %dma_start3A_23 = arith.constant 0 : i32
      %dma_start3A_24 = tpu.memref_slice %arg13[%add3A_9, %dma_start3A_23] : memref<10112x64xf32, #tpu.memory_space<vmem_shared>> -> memref<256x64xf32, #tpu.memory_space<vmem_shared>>
      %dma_start3A_25 = arith.constant 0 : i32
      %dma_start3A_26 = arith.constant 0 : i32
      %dma_start3A_27 = tpu.memref_slice %arg11[%dma_start3A_25, %dma_start3A_26] : memref<256x64xf32, #tpu.memory_space<vmem>> -> memref<256x64xf32, #tpu.memory_space<vmem>>
      tpu.enqueue_dma source(%dma_start3A_27 : memref<256x64xf32, #tpu.memory_space<vmem>>) target(%dma_start3A_24 : memref<256x64xf32, #tpu.memory_space<vmem_shared>>) target_semaphore(%run_scoped3A : memref<!tpu.dma_semaphore, #tpu.memory_space<semaphore_mem>>)
      %dma_wait3A = arith.constant 0 : i32
      %dma_wait3A_28 = arith.constant 0 : i32
      %dma_wait3A_29 = tpu.memref_slice %arg11[%dma_wait3A, %dma_wait3A_28] : memref<256x64xf32, #tpu.memory_space<vmem>> -> memref<256x64xf32, #tpu.memory_space<vmem>>
      %dma_wait3A_30 = arith.constant 0 : i32
      %dma_wait3A_31 = tpu.memref_slice %arg13[%add3A_9, %dma_wait3A_30] : memref<10112x64xf32, #tpu.memory_space<vmem_shared>> -> memref<256x64xf32, #tpu.memory_space<vmem_shared>>
      %dma_wait3A_32 = arith.constant 0 : i32
      %dma_wait3A_33 = tpu.memref_slice %arg13[%add3A_9, %dma_wait3A_32] : memref<10112x64xf32, #tpu.memory_space<vmem_shared>> -> memref<256x64xf32, #tpu.memory_space<vmem_shared>>
      %dma_wait3A_34 = arith.constant 0 : i32
      %dma_wait3A_35 = arith.constant 0 : i32
      %dma_wait3A_36 = tpu.memref_slice %arg11[%dma_wait3A_34, %dma_wait3A_35] : memref<256x64xf32, #tpu.memory_space<vmem>> -> memref<256x64xf32, #tpu.memory_space<vmem>>
      tpu.wait_dma2 semaphore(%run_scoped3A : memref<!tpu.dma_semaphore, #tpu.memory_space<semaphore_mem>>) src(%dma_wait3A_36 : memref<256x64xf32, #tpu.memory_space<vmem>>) dst(%dma_wait3A_33 : memref<256x64xf32, #tpu.memory_space<vmem_shared>>)
      tpu.yield
    }) : () -> ()
    %add3A_10 = arith.constant 512 : i32
    %add3A_11 = arith.addi %mul3A_0, %add3A_10 : i32
    "tpu.region"() ({
      %run_scoped3A = tpu.sem_alloc : memref<!tpu.dma_semaphore, #tpu.memory_space<semaphore_mem>>
      %dma_start3A = arith.constant 0 : i32
      %dma_start3A_19 = arith.constant 0 : i32
      %dma_start3A_20 = tpu.memref_slice %arg11[%dma_start3A, %dma_start3A_19] : memref<256x64xf32, #tpu.memory_space<vmem>> -> memref<120x64xf32, #tpu.memory_space<vmem>>
      %dma_start3A_21 = arith.constant 0 : i32
      %dma_start3A_22 = tpu.memref_slice %arg13[%add3A_11, %dma_start3A_21] : memref<10112x64xf32, #tpu.memory_space<vmem_shared>> -> memref<120x64xf32, #tpu.memory_space<vmem_shared>>
      %dma_start3A_23 = arith.constant 0 : i32
      %dma_start3A_24 = tpu.memref_slice %arg13[%add3A_11, %dma_start3A_23] : memref<10112x64xf32, #tpu.memory_space<vmem_shared>> -> memref<120x64xf32, #tpu.memory_space<vmem_shared>>
      %dma_start3A_25 = arith.constant 0 : i32
      %dma_start3A_26 = arith.constant 0 : i32
      %dma_start3A_27 = tpu.memref_slice %arg11[%dma_start3A_25, %dma_start3A_26] : memref<256x64xf32, #tpu.memory_space<vmem>> -> memref<120x64xf32, #tpu.memory_space<vmem>>
      tpu.enqueue_dma source(%dma_start3A_27 : memref<120x64xf32, #tpu.memory_space<vmem>>) target(%dma_start3A_24 : memref<120x64xf32, #tpu.memory_space<vmem_shared>>) target_semaphore(%run_scoped3A : memref<!tpu.dma_semaphore, #tpu.memory_space<semaphore_mem>>)
      %dma_wait3A = arith.constant 0 : i32
      %dma_wait3A_28 = arith.constant 0 : i32
      %dma_wait3A_29 = tpu.memref_slice %arg11[%dma_wait3A, %dma_wait3A_28] : memref<256x64xf32, #tpu.memory_space<vmem>> -> memref<120x64xf32, #tpu.memory_space<vmem>>
      %dma_wait3A_30 = arith.constant 0 : i32
      %dma_wait3A_31 = tpu.memref_slice %arg13[%add3A_11, %dma_wait3A_30] : memref<10112x64xf32, #tpu.memory_space<vmem_shared>> -> memref<120x64xf32, #tpu.memory_space<vmem_shared>>
      %dma_wait3A_32 = arith.constant 0 : i32
      %dma_wait3A_33 = tpu.memref_slice %arg13[%add3A_11, %dma_wait3A_32] : memref<10112x64xf32, #tpu.memory_space<vmem_shared>> -> memref<120x64xf32, #tpu.memory_space<vmem_shared>>
      %dma_wait3A_34 = arith.constant 0 : i32
      %dma_wait3A_35 = arith.constant 0 : i32
      %dma_wait3A_36 = tpu.memref_slice %arg11[%dma_wait3A_34, %dma_wait3A_35] : memref<256x64xf32, #tpu.memory_space<vmem>> -> memref<120x64xf32, #tpu.memory_space<vmem>>
      tpu.wait_dma2 semaphore(%run_scoped3A : memref<!tpu.dma_semaphore, #tpu.memory_space<semaphore_mem>>) src(%dma_wait3A_36 : memref<120x64xf32, #tpu.memory_space<vmem>>) dst(%dma_wait3A_33 : memref<120x64xf32, #tpu.memory_space<vmem_shared>>)
      tpu.yield
    }) : () -> ()
    %barrier3A = arith.constant 0 : index
    tpu.barrier barrier_id(%barrier3A)
    %eq3A = arith.constant 0 : i32
    %eq3A_12 = arith.cmpi eq, %arg0, %eq3A : i32
    %convert_element_type3A = arith.extui %eq3A_12 : i1 to i32
    %cond3A = arith.constant 0 : i32
    %cond3A_13 = arith.cmpi ne, %convert_element_type3A, %cond3A : i32
    scf.if %cond3A_13 {
      "tpu.region"() ({
        %run_scoped3A = tpu.sem_alloc : memref<!tpu.dma_semaphore, #tpu.memory_space<semaphore_mem>>
        %dma_start3A_79 = arith.constant 0 : i32
        %dma_start3A_80 = arith.constant 0 : i32
        %dma_start3A_81 = tpu.memref_slice %arg8[%dma_start3A_79, %dma_start3A_80] : memref<60x256xi32, #tpu.memory_space<vmem>> -> memref<60x256xi32, #tpu.memory_space<vmem>>
        %dma_start3A_82 = arith.constant 0 : i32
        %dma_start3A_83 = arith.constant 0 : i32
        %dma_start3A_84 = tpu.memref_slice %arg3[%arg1, %dma_start3A_82, %dma_start3A_83] : memref<16x60x256xi32, #tpu.memory_space<hbm>> -> memref<1x60x256xi32, #tpu.memory_space<hbm>>
        %dma_start3A_85 = tpu.memref_squeeze %dma_start3A_84 : memref<1x60x256xi32, #tpu.memory_space<hbm>> -> memref<60x256xi32, #tpu.memory_space<hbm>>
        %dma_start3A_86 = arith.constant 0 : i32
        %dma_start3A_87 = arith.constant 0 : i32
        %dma_start3A_88 = tpu.memref_slice %arg8[%dma_start3A_86, %dma_start3A_87] : memref<60x256xi32, #tpu.memory_space<vmem>> -> memref<60x256xi32, #tpu.memory_space<vmem>>
        %dma_start3A_89 = arith.constant 0 : i32
        %dma_start3A_90 = arith.constant 0 : i32
        %dma_start3A_91 = tpu.memref_slice %arg3[%arg1, %dma_start3A_89, %dma_start3A_90] : memref<16x60x256xi32, #tpu.memory_space<hbm>> -> memref<1x60x256xi32, #tpu.memory_space<hbm>>
        %dma_start3A_92 = tpu.memref_squeeze %dma_start3A_91 : memref<1x60x256xi32, #tpu.memory_space<hbm>> -> memref<60x256xi32, #tpu.memory_space<hbm>>
        tpu.enqueue_dma source(%dma_start3A_92 : memref<60x256xi32, #tpu.memory_space<hbm>>) target(%dma_start3A_88 : memref<60x256xi32, #tpu.memory_space<vmem>>) target_semaphore(%run_scoped3A : memref<!tpu.dma_semaphore, #tpu.memory_space<semaphore_mem>>)
        %dma_wait3A_93 = arith.constant 0 : i32
        %dma_wait3A_94 = arith.constant 0 : i32
        %dma_wait3A_95 = tpu.memref_slice %arg8[%dma_wait3A_93, %dma_wait3A_94] : memref<60x256xi32, #tpu.memory_space<vmem>> -> memref<60x256xi32, #tpu.memory_space<vmem>>
        %dma_wait3A_96 = arith.constant 0 : i32
        %dma_wait3A_97 = arith.constant 0 : i32
        %dma_wait3A_98 = tpu.memref_slice %arg3[%arg1, %dma_wait3A_96, %dma_wait3A_97] : memref<16x60x256xi32, #tpu.memory_space<hbm>> -> memref<1x60x256xi32, #tpu.memory_space<hbm>>
        %dma_wait3A_99 = tpu.memref_squeeze %dma_wait3A_98 : memref<1x60x256xi32, #tpu.memory_space<hbm>> -> memref<60x256xi32, #tpu.memory_space<hbm>>
        %dma_wait3A_100 = arith.constant 0 : i32
        %dma_wait3A_101 = arith.constant 0 : i32
        %dma_wait3A_102 = tpu.memref_slice %arg8[%dma_wait3A_100, %dma_wait3A_101] : memref<60x256xi32, #tpu.memory_space<vmem>> -> memref<60x256xi32, #tpu.memory_space<vmem>>
        %dma_wait3A_103 = arith.constant 0 : i32
        %dma_wait3A_104 = arith.constant 0 : i32
        %dma_wait3A_105 = tpu.memref_slice %arg3[%arg1, %dma_wait3A_103, %dma_wait3A_104] : memref<16x60x256xi32, #tpu.memory_space<hbm>> -> memref<1x60x256xi32, #tpu.memory_space<hbm>>
        %dma_wait3A_106 = tpu.memref_squeeze %dma_wait3A_105 : memref<1x60x256xi32, #tpu.memory_space<hbm>> -> memref<60x256xi32, #tpu.memory_space<hbm>>
        tpu.wait_dma2 semaphore(%run_scoped3A : memref<!tpu.dma_semaphore, #tpu.memory_space<semaphore_mem>>) src(%dma_wait3A_106 : memref<60x256xi32, #tpu.memory_space<hbm>>) dst(%dma_wait3A_102 : memref<60x256xi32, #tpu.memory_space<vmem>>)
        tpu.yield
      }) : () -> ()
      %dma_start3A = arith.constant 0 : i32
      %dma_start3A_19 = arith.constant 0 : i32
      %dma_start3A_20 = tpu.memref_slice %arg8[%dma_start3A, %dma_start3A_19] : memref<60x256xi32, #tpu.memory_space<vmem>> -> memref<1x256xi32, #tpu.memory_space<vmem>>
      %dma_start3A_21 = tpu.memref_squeeze %dma_start3A_20 : memref<1x256xi32, #tpu.memory_space<vmem>> -> memref<256xi32, #tpu.memory_space<vmem>>
      %dma_start3A_22 = arith.constant 0 : i32
      %dma_start3A_23 = arith.constant 0 : i32
      %dma_start3A_24 = tpu.memref_slice %arg2[%dma_start3A_22, %dma_start3A_23] : memref<10000x64xf32, #tpu.memory_space<hbm>> -> memref<10000x64xf32, #tpu.memory_space<hbm>>
      tpu.enqueue_indirect_dma source(%dma_start3A_24 : memref<10000x64xf32, #tpu.memory_space<hbm>>) target(%arg11 : memref<256x64xf32, #tpu.memory_space<vmem>>) offsets(%dma_start3A_21 : memref<256xi32, #tpu.memory_space<vmem>>) semaphore(%arg14 : memref<!tpu.dma_semaphore, #tpu.memory_space<semaphore_mem>>)
      %dma_start3A_25 = arith.constant 0 : i32
      %dma_start3A_26 = arith.constant 0 : i32
      %dma_start3A_27 = tpu.memref_slice %arg4[%arg1, %dma_start3A_25, %dma_start3A_26] : memref<16x60x256xi32, #tpu.memory_space<hbm>> -> memref<1x1x256xi32, #tpu.memory_space<hbm>>
      %dma_start3A_28 = tpu.memref_squeeze %dma_start3A_27 : memref<1x1x256xi32, #tpu.memory_space<hbm>> -> memref<256xi32, #tpu.memory_space<hbm>>
      %dma_start3A_29 = arith.constant 0 : i32
      %dma_start3A_30 = tpu.memref_slice %arg4[%arg1, %dma_start3A_25, %dma_start3A_29] : memref<16x60x256xi32, #tpu.memory_space<hbm>> -> memref<1x1x256xi32, #tpu.memory_space<hbm>>
      %dma_start3A_31 = tpu.memref_squeeze %dma_start3A_30 : memref<1x1x256xi32, #tpu.memory_space<hbm>> -> memref<256xi32, #tpu.memory_space<hbm>>
      tpu.enqueue_dma source(%dma_start3A_31 : memref<256xi32, #tpu.memory_space<hbm>>) target(%arg9 : memref<256xi32, #tpu.memory_space<vmem>>) target_semaphore(%arg14 : memref<!tpu.dma_semaphore, #tpu.memory_space<semaphore_mem>>)
      %dma_start3A_32 = arith.constant 1 : i32
      %dma_start3A_33 = arith.constant 0 : i32
      %dma_start3A_34 = tpu.memref_slice %arg8[%dma_start3A_32, %dma_start3A_33] : memref<60x256xi32, #tpu.memory_space<vmem>> -> memref<1x256xi32, #tpu.memory_space<vmem>>
      %dma_start3A_35 = tpu.memref_squeeze %dma_start3A_34 : memref<1x256xi32, #tpu.memory_space<vmem>> -> memref<256xi32, #tpu.memory_space<vmem>>
      %dma_start3A_36 = arith.constant 0 : i32
      %dma_start3A_37 = arith.constant 0 : i32
      %dma_start3A_38 = tpu.memref_slice %arg2[%dma_start3A_36, %dma_start3A_37] : memref<10000x64xf32, #tpu.memory_space<hbm>> -> memref<10000x64xf32, #tpu.memory_space<hbm>>
      tpu.enqueue_indirect_dma source(%dma_start3A_38 : memref<10000x64xf32, #tpu.memory_space<hbm>>) target(%arg12 : memref<256x64xf32, #tpu.memory_space<vmem>>) offsets(%dma_start3A_35 : memref<256xi32, #tpu.memory_space<vmem>>) semaphore(%arg15 : memref<!tpu.dma_semaphore, #tpu.memory_space<semaphore_mem>>)
      %dma_start3A_39 = arith.constant 1 : i32
      %dma_start3A_40 = arith.constant 0 : i32
      %dma_start3A_41 = tpu.memref_slice %arg4[%arg1, %dma_start3A_39, %dma_start3A_40] : memref<16x60x256xi32, #tpu.memory_space<hbm>> -> memref<1x1x256xi32, #tpu.memory_space<hbm>>
      %dma_start3A_42 = tpu.memref_squeeze %dma_start3A_41 : memref<1x1x256xi32, #tpu.memory_space<hbm>> -> memref<256xi32, #tpu.memory_space<hbm>>
      %dma_start3A_43 = arith.constant 0 : i32
      %dma_start3A_44 = tpu.memref_slice %arg4[%arg1, %dma_start3A_39, %dma_start3A_43] : memref<16x60x256xi32, #tpu.memory_space<hbm>> -> memref<1x1x256xi32, #tpu.memory_space<hbm>>
      %dma_start3A_45 = tpu.memref_squeeze %dma_start3A_44 : memref<1x1x256xi32, #tpu.memory_space<hbm>> -> memref<256xi32, #tpu.memory_space<hbm>>
      tpu.enqueue_dma source(%dma_start3A_45 : memref<256xi32, #tpu.memory_space<hbm>>) target(%arg10 : memref<256xi32, #tpu.memory_space<vmem>>) target_semaphore(%arg15 : memref<!tpu.dma_semaphore, #tpu.memory_space<semaphore_mem>>)
      %scan3A_46 = arith.constant 0 : i32
      %scan3A_47 = arith.constant 0 : i32
      %scan3A_48 = arith.constant 30 : i32
      %scan3A_49 = arith.addi %scan3A_47, %scan3A_48 : i32
      %scan3A_50 = arith.constant 1 : i32
      scf.for %scan3A_79 = %scan3A_47 to %scan3A_49 step %scan3A_50  : i32 {
        %mul3A_80 = arith.constant 2 : i32
        %mul3A_81 = arith.muli %scan3A_79, %mul3A_80 : i32
        %add3A_82 = arith.constant 0 : i32
        %add3A_83 = arith.addi %mul3A_81, %add3A_82 : i32
        %dma_wait3A_84 = arith.constant 0 : i32
        %dma_wait3A_85 = arith.constant 0 : i32
        %dma_wait3A_86 = tpu.memref_slice %arg2[%dma_wait3A_84, %dma_wait3A_85] : memref<10000x64xf32, #tpu.memory_space<hbm>> -> memref<256x64xf32, #tpu.memory_space<hbm>>
        %dma_wait3A_87 = arith.constant 0 : i32
        %dma_wait3A_88 = arith.constant 0 : i32
        %dma_wait3A_89 = tpu.memref_slice %arg2[%dma_wait3A_87, %dma_wait3A_88] : memref<10000x64xf32, #tpu.memory_space<hbm>> -> memref<256x64xf32, #tpu.memory_space<hbm>>
        tpu.wait_dma2 semaphore(%arg14 : memref<!tpu.dma_semaphore, #tpu.memory_space<semaphore_mem>>) src(%dma_wait3A_89 : memref<256x64xf32, #tpu.memory_space<hbm>>) dst(%arg11 : memref<256x64xf32, #tpu.memory_space<vmem>>)
        %dma_wait3A_90 = arith.constant 0 : i32
        %dma_wait3A_91 = arith.constant 0 : i32
        %dma_wait3A_92 = arith.constant 0 : i32
        %dma_wait3A_93 = tpu.memref_slice %arg4[%dma_wait3A_90, %dma_wait3A_91, %dma_wait3A_92] : memref<16x60x256xi32, #tpu.memory_space<hbm>> -> memref<1x1x256xi32, #tpu.memory_space<hbm>>
        %dma_wait3A_94 = tpu.memref_squeeze %dma_wait3A_93 : memref<1x1x256xi32, #tpu.memory_space<hbm>> -> memref<256xi32, #tpu.memory_space<hbm>>
        %dma_wait3A_95 = arith.constant 0 : i32
        %dma_wait3A_96 = tpu.memref_slice %arg4[%dma_wait3A_90, %dma_wait3A_91, %dma_wait3A_95] : memref<16x60x256xi32, #tpu.memory_space<hbm>> -> memref<1x1x256xi32, #tpu.memory_space<hbm>>
        %dma_wait3A_97 = tpu.memref_squeeze %dma_wait3A_96 : memref<1x1x256xi32, #tpu.memory_space<hbm>> -> memref<256xi32, #tpu.memory_space<hbm>>
        tpu.wait_dma2 semaphore(%arg14 : memref<!tpu.dma_semaphore, #tpu.memory_space<semaphore_mem>>) src(%dma_wait3A_97 : memref<256xi32, #tpu.memory_space<hbm>>) dst(%arg9 : memref<256xi32, #tpu.memory_space<vmem>>)
        "tpu.region"() ({
          %run_scoped3A = tpu.sem_alloc : memref<!tpu.dma_semaphore, #tpu.memory_space<semaphore_mem>>
          %dma_start3A_147 = arith.constant 0 : i32
          %dma_start3A_148 = arith.constant 0 : i32
          %dma_start3A_149 = tpu.memref_slice %arg13[%dma_start3A_147, %dma_start3A_148] : memref<10112x64xf32, #tpu.memory_space<vmem_shared>> -> memref<10112x64xf32, #tpu.memory_space<vmem_shared>>
          tpu.enqueue_indirect_dma source(%arg11 : memref<256x64xf32, #tpu.memory_space<vmem>>) target(%dma_start3A_149 : memref<10112x64xf32, #tpu.memory_space<vmem_shared>>) offsets(%arg9 : memref<256xi32, #tpu.memory_space<vmem>>) semaphore(%run_scoped3A : memref<!tpu.dma_semaphore, #tpu.memory_space<semaphore_mem>>) {add = true}
          %dma_wait3A_150 = arith.constant 0 : i32
          %dma_wait3A_151 = arith.constant 0 : i32
          %dma_wait3A_152 = tpu.memref_slice %arg13[%dma_wait3A_150, %dma_wait3A_151] : memref<10112x64xf32, #tpu.memory_space<vmem_shared>> -> memref<10112x64xf32, #tpu.memory_space<vmem_shared>>
          tpu.wait_indirect_dma semaphore(%run_scoped3A : memref<!tpu.dma_semaphore, #tpu.memory_space<semaphore_mem>>) src(%arg11 : memref<256x64xf32, #tpu.memory_space<vmem>>) dst(%dma_wait3A_152 : memref<10112x64xf32, #tpu.memory_space<vmem_shared>>)
          tpu.yield
        }) : () -> ()
        %add3A_98 = arith.constant 2 : i32
        %add3A_99 = arith.addi %add3A_83, %add3A_98 : i32
        %min3A = arith.constant 59 : i32
        %min3A_100 = arith.minsi %add3A_99, %min3A : i32
        %dma_start3A_101 = arith.constant 0 : i32
        %dma_start3A_102 = tpu.memref_slice %arg8[%min3A_100, %dma_start3A_101] : memref<60x256xi32, #tpu.memory_space<vmem>> -> memref<1x256xi32, #tpu.memory_space<vmem>>
        %dma_start3A_103 = tpu.memref_squeeze %dma_start3A_102 : memref<1x256xi32, #tpu.memory_space<vmem>> -> memref<256xi32, #tpu.memory_space<vmem>>
        %dma_start3A_104 = arith.constant 0 : i32
        %dma_start3A_105 = arith.constant 0 : i32
        %dma_start3A_106 = tpu.memref_slice %arg2[%dma_start3A_104, %dma_start3A_105] : memref<10000x64xf32, #tpu.memory_space<hbm>> -> memref<10000x64xf32, #tpu.memory_space<hbm>>
        tpu.enqueue_indirect_dma source(%dma_start3A_106 : memref<10000x64xf32, #tpu.memory_space<hbm>>) target(%arg11 : memref<256x64xf32, #tpu.memory_space<vmem>>) offsets(%dma_start3A_103 : memref<256xi32, #tpu.memory_space<vmem>>) semaphore(%arg14 : memref<!tpu.dma_semaphore, #tpu.memory_space<semaphore_mem>>)
        %dma_start3A_107 = arith.constant 0 : i32
        %dma_start3A_108 = tpu.memref_slice %arg4[%arg1, %min3A_100, %dma_start3A_107] : memref<16x60x256xi32, #tpu.memory_space<hbm>> -> memref<1x1x256xi32, #tpu.memory_space<hbm>>
        %dma_start3A_109 = tpu.memref_squeeze %dma_start3A_108 : memref<1x1x256xi32, #tpu.memory_space<hbm>> -> memref<256xi32, #tpu.memory_space<hbm>>
        %dma_start3A_110 = arith.constant 0 : i32
        %dma_start3A_111 = tpu.memref_slice %arg4[%arg1, %min3A_100, %dma_start3A_110] : memref<16x60x256xi32, #tpu.memory_space<hbm>> -> memref<1x1x256xi32, #tpu.memory_space<hbm>>
        %dma_start3A_112 = tpu.memref_squeeze %dma_start3A_111 : memref<1x1x256xi32, #tpu.memory_space<hbm>> -> memref<256xi32, #tpu.memory_space<hbm>>
        tpu.enqueue_dma source(%dma_start3A_112 : memref<256xi32, #tpu.memory_space<hbm>>) target(%arg9 : memref<256xi32, #tpu.memory_space<vmem>>) target_semaphore(%arg14 : memref<!tpu.dma_semaphore, #tpu.memory_space<semaphore_mem>>)
        %mul3A_113 = arith.constant 2 : i32
        %mul3A_114 = arith.muli %scan3A_79, %mul3A_113 : i32
        %add3A_115 = arith.constant 1 : i32
        %add3A_116 = arith.addi %mul3A_114, %add3A_115 : i32
        %dma_wait3A_117 = arith.constant 0 : i32
        %dma_wait3A_118 = arith.constant 0 : i32
        %dma_wait3A_119 = tpu.memref_slice %arg2[%dma_wait3A_117, %dma_wait3A_118] : memref<10000x64xf32, #tpu.memory_space<hbm>> -> memref<256x64xf32, #tpu.memory_space<hbm>>
        %dma_wait3A_120 = arith.constant 0 : i32
        %dma_wait3A_121 = arith.constant 0 : i32
        %dma_wait3A_122 = tpu.memref_slice %arg2[%dma_wait3A_120, %dma_wait3A_121] : memref<10000x64xf32, #tpu.memory_space<hbm>> -> memref<256x64xf32, #tpu.memory_space<hbm>>
        tpu.wait_dma2 semaphore(%arg15 : memref<!tpu.dma_semaphore, #tpu.memory_space<semaphore_mem>>) src(%dma_wait3A_122 : memref<256x64xf32, #tpu.memory_space<hbm>>) dst(%arg12 : memref<256x64xf32, #tpu.memory_space<vmem>>)
        %dma_wait3A_123 = arith.constant 0 : i32
        %dma_wait3A_124 = arith.constant 0 : i32
        %dma_wait3A_125 = arith.constant 0 : i32
        %dma_wait3A_126 = tpu.memref_slice %arg4[%dma_wait3A_123, %dma_wait3A_124, %dma_wait3A_125] : memref<16x60x256xi32, #tpu.memory_space<hbm>> -> memref<1x1x256xi32, #tpu.memory_space<hbm>>
        %dma_wait3A_127 = tpu.memref_squeeze %dma_wait3A_126 : memref<1x1x256xi32, #tpu.memory_space<hbm>> -> memref<256xi32, #tpu.memory_space<hbm>>
        %dma_wait3A_128 = arith.constant 0 : i32
        %dma_wait3A_129 = tpu.memref_slice %arg4[%dma_wait3A_123, %dma_wait3A_124, %dma_wait3A_128] : memref<16x60x256xi32, #tpu.memory_space<hbm>> -> memref<1x1x256xi32, #tpu.memory_space<hbm>>
        %dma_wait3A_130 = tpu.memref_squeeze %dma_wait3A_129 : memref<1x1x256xi32, #tpu.memory_space<hbm>> -> memref<256xi32, #tpu.memory_space<hbm>>
        tpu.wait_dma2 semaphore(%arg15 : memref<!tpu.dma_semaphore, #tpu.memory_space<semaphore_mem>>) src(%dma_wait3A_130 : memref<256xi32, #tpu.memory_space<hbm>>) dst(%arg10 : memref<256xi32, #tpu.memory_space<vmem>>)
        "tpu.region"() ({
          %run_scoped3A = tpu.sem_alloc : memref<!tpu.dma_semaphore, #tpu.memory_space<semaphore_mem>>
          %dma_start3A_147 = arith.constant 0 : i32
          %dma_start3A_148 = arith.constant 0 : i32
          %dma_start3A_149 = tpu.memref_slice %arg13[%dma_start3A_147, %dma_start3A_148] : memref<10112x64xf32, #tpu.memory_space<vmem_shared>> -> memref<10112x64xf32, #tpu.memory_space<vmem_shared>>
          tpu.enqueue_indirect_dma source(%arg12 : memref<256x64xf32, #tpu.memory_space<vmem>>) target(%dma_start3A_149 : memref<10112x64xf32, #tpu.memory_space<vmem_shared>>) offsets(%arg10 : memref<256xi32, #tpu.memory_space<vmem>>) semaphore(%run_scoped3A : memref<!tpu.dma_semaphore, #tpu.memory_space<semaphore_mem>>) {add = true}
          %dma_wait3A_150 = arith.constant 0 : i32
          %dma_wait3A_151 = arith.constant 0 : i32
          %dma_wait3A_152 = tpu.memref_slice %arg13[%dma_wait3A_150, %dma_wait3A_151] : memref<10112x64xf32, #tpu.memory_space<vmem_shared>> -> memref<10112x64xf32, #tpu.memory_space<vmem_shared>>
          tpu.wait_indirect_dma semaphore(%run_scoped3A : memref<!tpu.dma_semaphore, #tpu.memory_space<semaphore_mem>>) src(%arg12 : memref<256x64xf32, #tpu.memory_space<vmem>>) dst(%dma_wait3A_152 : memref<10112x64xf32, #tpu.memory_space<vmem_shared>>)
          tpu.yield
        }) : () -> ()
        %add3A_131 = arith.constant 2 : i32
        %add3A_132 = arith.addi %add3A_116, %add3A_131 : i32
        %min3A_133 = arith.constant 59 : i32
        %min3A_134 = arith.minsi %add3A_132, %min3A_133 : i32
        %dma_start3A_135 = arith.constant 0 : i32
        %dma_start3A_136 = tpu.memref_slice %arg8[%min3A_134, %dma_start3A_135] : memref<60x256xi32, #tpu.memory_space<vmem>> -> memref<1x256xi32, #tpu.memory_space<vmem>>
        %dma_start3A_137 = tpu.memref_squeeze %dma_start3A_136 : memref<1x256xi32, #tpu.memory_space<vmem>> -> memref<256xi32, #tpu.memory_space<vmem>>
        %dma_start3A_138 = arith.constant 0 : i32
        %dma_start3A_139 = arith.constant 0 : i32
        %dma_start3A_140 = tpu.memref_slice %arg2[%dma_start3A_138, %dma_start3A_139] : memref<10000x64xf32, #tpu.memory_space<hbm>> -> memref<10000x64xf32, #tpu.memory_space<hbm>>
        tpu.enqueue_indirect_dma source(%dma_start3A_140 : memref<10000x64xf32, #tpu.memory_space<hbm>>) target(%arg12 : memref<256x64xf32, #tpu.memory_space<vmem>>) offsets(%dma_start3A_137 : memref<256xi32, #tpu.memory_space<vmem>>) semaphore(%arg15 : memref<!tpu.dma_semaphore, #tpu.memory_space<semaphore_mem>>)
        %dma_start3A_141 = arith.constant 0 : i32
        %dma_start3A_142 = tpu.memref_slice %arg4[%arg1, %min3A_134, %dma_start3A_141] : memref<16x60x256xi32, #tpu.memory_space<hbm>> -> memref<1x1x256xi32, #tpu.memory_space<hbm>>
        %dma_start3A_143 = tpu.memref_squeeze %dma_start3A_142 : memref<1x1x256xi32, #tpu.memory_space<hbm>> -> memref<256xi32, #tpu.memory_space<hbm>>
        %dma_start3A_144 = arith.constant 0 : i32
        %dma_start3A_145 = tpu.memref_slice %arg4[%arg1, %min3A_134, %dma_start3A_144] : memref<16x60x256xi32, #tpu.memory_space<hbm>> -> memref<1x1x256xi32, #tpu.memory_space<hbm>>
        %dma_start3A_146 = tpu.memref_squeeze %dma_start3A_145 : memref<1x1x256xi32, #tpu.memory_space<hbm>> -> memref<256xi32, #tpu.memory_space<hbm>>
        tpu.enqueue_dma source(%dma_start3A_146 : memref<256xi32, #tpu.memory_space<hbm>>) target(%arg10 : memref<256xi32, #tpu.memory_space<vmem>>) target_semaphore(%arg15 : memref<!tpu.dma_semaphore, #tpu.memory_space<semaphore_mem>>)
      }
      %scan3A_51 = arith.constant 30 : i32
      %dma_wait3A = arith.constant 0 : i32
      %dma_wait3A_52 = arith.constant 0 : i32
      %dma_wait3A_53 = tpu.memref_slice %arg2[%dma_wait3A, %dma_wait3A_52] : memref<10000x64xf32, #tpu.memory_space<hbm>> -> memref<256x64xf32, #tpu.memory_space<hbm>>
      %dma_wait3A_54 = arith.constant 0 : i32
      %dma_wait3A_55 = arith.constant 0 : i32
      %dma_wait3A_56 = tpu.memref_slice %arg2[%dma_wait3A_54, %dma_wait3A_55] : memref<10000x64xf32, #tpu.memory_space<hbm>> -> memref<256x64xf32, #tpu.memory_space<hbm>>
      tpu.wait_dma2 semaphore(%arg14 : memref<!tpu.dma_semaphore, #tpu.memory_space<semaphore_mem>>) src(%dma_wait3A_56 : memref<256x64xf32, #tpu.memory_space<hbm>>) dst(%arg11 : memref<256x64xf32, #tpu.memory_space<vmem>>)
      %dma_wait3A_57 = arith.constant 0 : i32
      %dma_wait3A_58 = arith.constant 0 : i32
      %dma_wait3A_59 = arith.constant 0 : i32
      %dma_wait3A_60 = tpu.memref_slice %arg4[%dma_wait3A_57, %dma_wait3A_58, %dma_wait3A_59] : memref<16x60x256xi32, #tpu.memory_space<hbm>> -> memref<1x1x256xi32, #tpu.memory_space<hbm>>
      %dma_wait3A_61 = tpu.memref_squeeze %dma_wait3A_60 : memref<1x1x256xi32, #tpu.memory_space<hbm>> -> memref<256xi32, #tpu.memory_space<hbm>>
      %dma_wait3A_62 = arith.constant 0 : i32
      %dma_wait3A_63 = tpu.memref_slice %arg4[%dma_wait3A_57, %dma_wait3A_58, %dma_wait3A_62] : memref<16x60x256xi32, #tpu.memory_space<hbm>> -> memref<1x1x256xi32, #tpu.memory_space<hbm>>
      %dma_wait3A_64 = tpu.memref_squeeze %dma_wait3A_63 : memref<1x1x256xi32, #tpu.memory_space<hbm>> -> memref<256xi32, #tpu.memory_space<hbm>>
      tpu.wait_dma2 semaphore(%arg14 : memref<!tpu.dma_semaphore, #tpu.memory_space<semaphore_mem>>) src(%dma_wait3A_64 : memref<256xi32, #tpu.memory_space<hbm>>) dst(%arg9 : memref<256xi32, #tpu.memory_space<vmem>>)
      %dma_wait3A_65 = arith.constant 0 : i32
      %dma_wait3A_66 = arith.constant 0 : i32
      %dma_wait3A_67 = tpu.memref_slice %arg2[%dma_wait3A_65, %dma_wait3A_66] : memref<10000x64xf32, #tpu.memory_space<hbm>> -> memref<256x64xf32, #tpu.memory_space<hbm>>
      %dma_wait3A_68 = arith.constant 0 : i32
      %dma_wait3A_69 = arith.constant 0 : i32
      %dma_wait3A_70 = tpu.memref_slice %arg2[%dma_wait3A_68, %dma_wait3A_69] : memref<10000x64xf32, #tpu.memory_space<hbm>> -> memref<256x64xf32, #tpu.memory_space<hbm>>
      tpu.wait_dma2 semaphore(%arg15 : memref<!tpu.dma_semaphore, #tpu.memory_space<semaphore_mem>>) src(%dma_wait3A_70 : memref<256x64xf32, #tpu.memory_space<hbm>>) dst(%arg12 : memref<256x64xf32, #tpu.memory_space<vmem>>)
      %dma_wait3A_71 = arith.constant 0 : i32
      %dma_wait3A_72 = arith.constant 0 : i32
      %dma_wait3A_73 = arith.constant 0 : i32
      %dma_wait3A_74 = tpu.memref_slice %arg4[%dma_wait3A_71, %dma_wait3A_72, %dma_wait3A_73] : memref<16x60x256xi32, #tpu.memory_space<hbm>> -> memref<1x1x256xi32, #tpu.memory_space<hbm>>
      %dma_wait3A_75 = tpu.memref_squeeze %dma_wait3A_74 : memref<1x1x256xi32, #tpu.memory_space<hbm>> -> memref<256xi32, #tpu.memory_space<hbm>>
      %dma_wait3A_76 = arith.constant 0 : i32
      %dma_wait3A_77 = tpu.memref_slice %arg4[%dma_wait3A_71, %dma_wait3A_72, %dma_wait3A_76] : memref<16x60x256xi32, #tpu.memory_space<hbm>> -> memref<1x1x256xi32, #tpu.memory_space<hbm>>
      %dma_wait3A_78 = tpu.memref_squeeze %dma_wait3A_77 : memref<1x1x256xi32, #tpu.memory_space<hbm>> -> memref<256xi32, #tpu.memory_space<hbm>>
      tpu.wait_dma2 semaphore(%arg15 : memref<!tpu.dma_semaphore, #tpu.memory_space<semaphore_mem>>) src(%dma_wait3A_78 : memref<256xi32, #tpu.memory_space<hbm>>) dst(%arg10 : memref<256xi32, #tpu.memory_space<vmem>>)
    } else {
    }
    %ne3A = arith.constant 0 : i32
    %ne3A_14 = arith.cmpi ne, %arg0, %ne3A : i32
    %convert_element_type3A_15 = arith.extui %ne3A_14 : i1 to i32
    %cond3A_16 = arith.constant 0 : i32
    %cond3A_17 = arith.cmpi ne, %convert_element_type3A_15, %cond3A_16 : i32
    scf.if %cond3A_17 {
      "tpu.region"() ({
        %run_scoped3A = tpu.sem_alloc : memref<!tpu.dma_semaphore, #tpu.memory_space<semaphore_mem>>
        %dma_start3A_79 = arith.constant 0 : i32
        %dma_start3A_80 = arith.constant 0 : i32
        %dma_start3A_81 = tpu.memref_slice %arg8[%dma_start3A_79, %dma_start3A_80] : memref<60x256xi32, #tpu.memory_space<vmem>> -> memref<20x256xi32, #tpu.memory_space<vmem>>
        %dma_start3A_82 = arith.constant 0 : i32
        %dma_start3A_83 = arith.constant 0 : i32
        %dma_start3A_84 = tpu.memref_slice %arg5[%arg1, %dma_start3A_82, %dma_start3A_83] : memref<16x20x256xi32, #tpu.memory_space<hbm>> -> memref<1x20x256xi32, #tpu.memory_space<hbm>>
        %dma_start3A_85 = tpu.memref_squeeze %dma_start3A_84 : memref<1x20x256xi32, #tpu.memory_space<hbm>> -> memref<20x256xi32, #tpu.memory_space<hbm>>
        %dma_start3A_86 = arith.constant 0 : i32
        %dma_start3A_87 = arith.constant 0 : i32
        %dma_start3A_88 = tpu.memref_slice %arg8[%dma_start3A_86, %dma_start3A_87] : memref<60x256xi32, #tpu.memory_space<vmem>> -> memref<20x256xi32, #tpu.memory_space<vmem>>
        %dma_start3A_89 = arith.constant 0 : i32
        %dma_start3A_90 = arith.constant 0 : i32
        %dma_start3A_91 = tpu.memref_slice %arg5[%arg1, %dma_start3A_89, %dma_start3A_90] : memref<16x20x256xi32, #tpu.memory_space<hbm>> -> memref<1x20x256xi32, #tpu.memory_space<hbm>>
        %dma_start3A_92 = tpu.memref_squeeze %dma_start3A_91 : memref<1x20x256xi32, #tpu.memory_space<hbm>> -> memref<20x256xi32, #tpu.memory_space<hbm>>
        tpu.enqueue_dma source(%dma_start3A_92 : memref<20x256xi32, #tpu.memory_space<hbm>>) target(%dma_start3A_88 : memref<20x256xi32, #tpu.memory_space<vmem>>) target_semaphore(%run_scoped3A : memref<!tpu.dma_semaphore, #tpu.memory_space<semaphore_mem>>)
        %dma_wait3A_93 = arith.constant 0 : i32
        %dma_wait3A_94 = arith.constant 0 : i32
        %dma_wait3A_95 = tpu.memref_slice %arg8[%dma_wait3A_93, %dma_wait3A_94] : memref<60x256xi32, #tpu.memory_space<vmem>> -> memref<20x256xi32, #tpu.memory_space<vmem>>
        %dma_wait3A_96 = arith.constant 0 : i32
        %dma_wait3A_97 = arith.constant 0 : i32
        %dma_wait3A_98 = tpu.memref_slice %arg5[%arg1, %dma_wait3A_96, %dma_wait3A_97] : memref<16x20x256xi32, #tpu.memory_space<hbm>> -> memref<1x20x256xi32, #tpu.memory_space<hbm>>
        %dma_wait3A_99 = tpu.memref_squeeze %dma_wait3A_98 : memref<1x20x256xi32, #tpu.memory_space<hbm>> -> memref<20x256xi32, #tpu.memory_space<hbm>>
        %dma_wait3A_100 = arith.constant 0 : i32
        %dma_wait3A_101 = arith.constant 0 : i32
        %dma_wait3A_102 = tpu.memref_slice %arg8[%dma_wait3A_100, %dma_wait3A_101] : memref<60x256xi32, #tpu.memory_space<vmem>> -> memref<20x256xi32, #tpu.memory_space<vmem>>
        %dma_wait3A_103 = arith.constant 0 : i32
        %dma_wait3A_104 = arith.constant 0 : i32
        %dma_wait3A_105 = tpu.memref_slice %arg5[%arg1, %dma_wait3A_103, %dma_wait3A_104] : memref<16x20x256xi32, #tpu.memory_space<hbm>> -> memref<1x20x256xi32, #tpu.memory_space<hbm>>
        %dma_wait3A_106 = tpu.memref_squeeze %dma_wait3A_105 : memref<1x20x256xi32, #tpu.memory_space<hbm>> -> memref<20x256xi32, #tpu.memory_space<hbm>>
        tpu.wait_dma2 semaphore(%run_scoped3A : memref<!tpu.dma_semaphore, #tpu.memory_space<semaphore_mem>>) src(%dma_wait3A_106 : memref<20x256xi32, #tpu.memory_space<hbm>>) dst(%dma_wait3A_102 : memref<20x256xi32, #tpu.memory_space<vmem>>)
        tpu.yield
      }) : () -> ()
      %dma_start3A = arith.constant 0 : i32
      %dma_start3A_19 = arith.constant 0 : i32
      %dma_start3A_20 = tpu.memref_slice %arg8[%dma_start3A, %dma_start3A_19] : memref<60x256xi32, #tpu.memory_space<vmem>> -> memref<1x256xi32, #tpu.memory_space<vmem>>
      %dma_start3A_21 = tpu.memref_squeeze %dma_start3A_20 : memref<1x256xi32, #tpu.memory_space<vmem>> -> memref<256xi32, #tpu.memory_space<vmem>>
      %dma_start3A_22 = arith.constant 0 : i32
      %dma_start3A_23 = arith.constant 0 : i32
      %dma_start3A_24 = tpu.memref_slice %arg2[%dma_start3A_22, %dma_start3A_23] : memref<10000x64xf32, #tpu.memory_space<hbm>> -> memref<10000x64xf32, #tpu.memory_space<hbm>>
      tpu.enqueue_indirect_dma source(%dma_start3A_24 : memref<10000x64xf32, #tpu.memory_space<hbm>>) target(%arg11 : memref<256x64xf32, #tpu.memory_space<vmem>>) offsets(%dma_start3A_21 : memref<256xi32, #tpu.memory_space<vmem>>) semaphore(%arg14 : memref<!tpu.dma_semaphore, #tpu.memory_space<semaphore_mem>>)
      %dma_start3A_25 = arith.constant 0 : i32
      %dma_start3A_26 = arith.constant 0 : i32
      %dma_start3A_27 = tpu.memref_slice %arg6[%arg1, %dma_start3A_25, %dma_start3A_26] : memref<16x20x256xi32, #tpu.memory_space<hbm>> -> memref<1x1x256xi32, #tpu.memory_space<hbm>>
      %dma_start3A_28 = tpu.memref_squeeze %dma_start3A_27 : memref<1x1x256xi32, #tpu.memory_space<hbm>> -> memref<256xi32, #tpu.memory_space<hbm>>
      %dma_start3A_29 = arith.constant 0 : i32
      %dma_start3A_30 = tpu.memref_slice %arg6[%arg1, %dma_start3A_25, %dma_start3A_29] : memref<16x20x256xi32, #tpu.memory_space<hbm>> -> memref<1x1x256xi32, #tpu.memory_space<hbm>>
      %dma_start3A_31 = tpu.memref_squeeze %dma_start3A_30 : memref<1x1x256xi32, #tpu.memory_space<hbm>> -> memref<256xi32, #tpu.memory_space<hbm>>
      tpu.enqueue_dma source(%dma_start3A_31 : memref<256xi32, #tpu.memory_space<hbm>>) target(%arg9 : memref<256xi32, #tpu.memory_space<vmem>>) target_semaphore(%arg14 : memref<!tpu.dma_semaphore, #tpu.memory_space<semaphore_mem>>)
      %dma_start3A_32 = arith.constant 1 : i32
      %dma_start3A_33 = arith.constant 0 : i32
      %dma_start3A_34 = tpu.memref_slice %arg8[%dma_start3A_32, %dma_start3A_33] : memref<60x256xi32, #tpu.memory_space<vmem>> -> memref<1x256xi32, #tpu.memory_space<vmem>>
      %dma_start3A_35 = tpu.memref_squeeze %dma_start3A_34 : memref<1x256xi32, #tpu.memory_space<vmem>> -> memref<256xi32, #tpu.memory_space<vmem>>
      %dma_start3A_36 = arith.constant 0 : i32
      %dma_start3A_37 = arith.constant 0 : i32
      %dma_start3A_38 = tpu.memref_slice %arg2[%dma_start3A_36, %dma_start3A_37] : memref<10000x64xf32, #tpu.memory_space<hbm>> -> memref<10000x64xf32, #tpu.memory_space<hbm>>
      tpu.enqueue_indirect_dma source(%dma_start3A_38 : memref<10000x64xf32, #tpu.memory_space<hbm>>) target(%arg12 : memref<256x64xf32, #tpu.memory_space<vmem>>) offsets(%dma_start3A_35 : memref<256xi32, #tpu.memory_space<vmem>>) semaphore(%arg15 : memref<!tpu.dma_semaphore, #tpu.memory_space<semaphore_mem>>)
      %dma_start3A_39 = arith.constant 1 : i32
      %dma_start3A_40 = arith.constant 0 : i32
      %dma_start3A_41 = tpu.memref_slice %arg6[%arg1, %dma_start3A_39, %dma_start3A_40] : memref<16x20x256xi32, #tpu.memory_space<hbm>> -> memref<1x1x256xi32, #tpu.memory_space<hbm>>
      %dma_start3A_42 = tpu.memref_squeeze %dma_start3A_41 : memref<1x1x256xi32, #tpu.memory_space<hbm>> -> memref<256xi32, #tpu.memory_space<hbm>>
      %dma_start3A_43 = arith.constant 0 : i32
      %dma_start3A_44 = tpu.memref_slice %arg6[%arg1, %dma_start3A_39, %dma_start3A_43] : memref<16x20x256xi32, #tpu.memory_space<hbm>> -> memref<1x1x256xi32, #tpu.memory_space<hbm>>
      %dma_start3A_45 = tpu.memref_squeeze %dma_start3A_44 : memref<1x1x256xi32, #tpu.memory_space<hbm>> -> memref<256xi32, #tpu.memory_space<hbm>>
      tpu.enqueue_dma source(%dma_start3A_45 : memref<256xi32, #tpu.memory_space<hbm>>) target(%arg10 : memref<256xi32, #tpu.memory_space<vmem>>) target_semaphore(%arg15 : memref<!tpu.dma_semaphore, #tpu.memory_space<semaphore_mem>>)
      %scan3A_46 = arith.constant 0 : i32
      %scan3A_47 = arith.constant 0 : i32
      %scan3A_48 = arith.constant 10 : i32
      %scan3A_49 = arith.addi %scan3A_47, %scan3A_48 : i32
      %scan3A_50 = arith.constant 1 : i32
      scf.for %scan3A_79 = %scan3A_47 to %scan3A_49 step %scan3A_50  : i32 {
        %mul3A_80 = arith.constant 2 : i32
        %mul3A_81 = arith.muli %scan3A_79, %mul3A_80 : i32
        %add3A_82 = arith.constant 0 : i32
        %add3A_83 = arith.addi %mul3A_81, %add3A_82 : i32
        %dma_wait3A_84 = arith.constant 0 : i32
        %dma_wait3A_85 = arith.constant 0 : i32
        %dma_wait3A_86 = tpu.memref_slice %arg2[%dma_wait3A_84, %dma_wait3A_85] : memref<10000x64xf32, #tpu.memory_space<hbm>> -> memref<256x64xf32, #tpu.memory_space<hbm>>
        %dma_wait3A_87 = arith.constant 0 : i32
        %dma_wait3A_88 = arith.constant 0 : i32
        %dma_wait3A_89 = tpu.memref_slice %arg2[%dma_wait3A_87, %dma_wait3A_88] : memref<10000x64xf32, #tpu.memory_space<hbm>> -> memref<256x64xf32, #tpu.memory_space<hbm>>
        tpu.wait_dma2 semaphore(%arg14 : memref<!tpu.dma_semaphore, #tpu.memory_space<semaphore_mem>>) src(%dma_wait3A_89 : memref<256x64xf32, #tpu.memory_space<hbm>>) dst(%arg11 : memref<256x64xf32, #tpu.memory_space<vmem>>)
        %dma_wait3A_90 = arith.constant 0 : i32
        %dma_wait3A_91 = arith.constant 0 : i32
        %dma_wait3A_92 = arith.constant 0 : i32
        %dma_wait3A_93 = tpu.memref_slice %arg6[%dma_wait3A_90, %dma_wait3A_91, %dma_wait3A_92] : memref<16x20x256xi32, #tpu.memory_space<hbm>> -> memref<1x1x256xi32, #tpu.memory_space<hbm>>
        %dma_wait3A_94 = tpu.memref_squeeze %dma_wait3A_93 : memref<1x1x256xi32, #tpu.memory_space<hbm>> -> memref<256xi32, #tpu.memory_space<hbm>>
        %dma_wait3A_95 = arith.constant 0 : i32
        %dma_wait3A_96 = tpu.memref_slice %arg6[%dma_wait3A_90, %dma_wait3A_91, %dma_wait3A_95] : memref<16x20x256xi32, #tpu.memory_space<hbm>> -> memref<1x1x256xi32, #tpu.memory_space<hbm>>
        %dma_wait3A_97 = tpu.memref_squeeze %dma_wait3A_96 : memref<1x1x256xi32, #tpu.memory_space<hbm>> -> memref<256xi32, #tpu.memory_space<hbm>>
        tpu.wait_dma2 semaphore(%arg14 : memref<!tpu.dma_semaphore, #tpu.memory_space<semaphore_mem>>) src(%dma_wait3A_97 : memref<256xi32, #tpu.memory_space<hbm>>) dst(%arg9 : memref<256xi32, #tpu.memory_space<vmem>>)
        "tpu.region"() ({
          %run_scoped3A = tpu.sem_alloc : memref<!tpu.dma_semaphore, #tpu.memory_space<semaphore_mem>>
          %dma_start3A_147 = arith.constant 0 : i32
          %dma_start3A_148 = arith.constant 0 : i32
          %dma_start3A_149 = tpu.memref_slice %arg13[%dma_start3A_147, %dma_start3A_148] : memref<10112x64xf32, #tpu.memory_space<vmem_shared>> -> memref<10112x64xf32, #tpu.memory_space<vmem_shared>>
          tpu.enqueue_indirect_dma source(%arg11 : memref<256x64xf32, #tpu.memory_space<vmem>>) target(%dma_start3A_149 : memref<10112x64xf32, #tpu.memory_space<vmem_shared>>) offsets(%arg9 : memref<256xi32, #tpu.memory_space<vmem>>) semaphore(%run_scoped3A : memref<!tpu.dma_semaphore, #tpu.memory_space<semaphore_mem>>) {add = true}
          %dma_wait3A_150 = arith.constant 0 : i32
          %dma_wait3A_151 = arith.constant 0 : i32
          %dma_wait3A_152 = tpu.memref_slice %arg13[%dma_wait3A_150, %dma_wait3A_151] : memref<10112x64xf32, #tpu.memory_space<vmem_shared>> -> memref<10112x64xf32, #tpu.memory_space<vmem_shared>>
          tpu.wait_indirect_dma semaphore(%run_scoped3A : memref<!tpu.dma_semaphore, #tpu.memory_space<semaphore_mem>>) src(%arg11 : memref<256x64xf32, #tpu.memory_space<vmem>>) dst(%dma_wait3A_152 : memref<10112x64xf32, #tpu.memory_space<vmem_shared>>)
          tpu.yield
        }) : () -> ()
        %add3A_98 = arith.constant 2 : i32
        %add3A_99 = arith.addi %add3A_83, %add3A_98 : i32
        %min3A = arith.constant 19 : i32
        %min3A_100 = arith.minsi %add3A_99, %min3A : i32
        %dma_start3A_101 = arith.constant 0 : i32
        %dma_start3A_102 = tpu.memref_slice %arg8[%min3A_100, %dma_start3A_101] : memref<60x256xi32, #tpu.memory_space<vmem>> -> memref<1x256xi32, #tpu.memory_space<vmem>>
        %dma_start3A_103 = tpu.memref_squeeze %dma_start3A_102 : memref<1x256xi32, #tpu.memory_space<vmem>> -> memref<256xi32, #tpu.memory_space<vmem>>
        %dma_start3A_104 = arith.constant 0 : i32
        %dma_start3A_105 = arith.constant 0 : i32
        %dma_start3A_106 = tpu.memref_slice %arg2[%dma_start3A_104, %dma_start3A_105] : memref<10000x64xf32, #tpu.memory_space<hbm>> -> memref<10000x64xf32, #tpu.memory_space<hbm>>
        tpu.enqueue_indirect_dma source(%dma_start3A_106 : memref<10000x64xf32, #tpu.memory_space<hbm>>) target(%arg11 : memref<256x64xf32, #tpu.memory_space<vmem>>) offsets(%dma_start3A_103 : memref<256xi32, #tpu.memory_space<vmem>>) semaphore(%arg14 : memref<!tpu.dma_semaphore, #tpu.memory_space<semaphore_mem>>)
        %dma_start3A_107 = arith.constant 0 : i32
        %dma_start3A_108 = tpu.memref_slice %arg6[%arg1, %min3A_100, %dma_start3A_107] : memref<16x20x256xi32, #tpu.memory_space<hbm>> -> memref<1x1x256xi32, #tpu.memory_space<hbm>>
        %dma_start3A_109 = tpu.memref_squeeze %dma_start3A_108 : memref<1x1x256xi32, #tpu.memory_space<hbm>> -> memref<256xi32, #tpu.memory_space<hbm>>
        %dma_start3A_110 = arith.constant 0 : i32
        %dma_start3A_111 = tpu.memref_slice %arg6[%arg1, %min3A_100, %dma_start3A_110] : memref<16x20x256xi32, #tpu.memory_space<hbm>> -> memref<1x1x256xi32, #tpu.memory_space<hbm>>
        %dma_start3A_112 = tpu.memref_squeeze %dma_start3A_111 : memref<1x1x256xi32, #tpu.memory_space<hbm>> -> memref<256xi32, #tpu.memory_space<hbm>>
        tpu.enqueue_dma source(%dma_start3A_112 : memref<256xi32, #tpu.memory_space<hbm>>) target(%arg9 : memref<256xi32, #tpu.memory_space<vmem>>) target_semaphore(%arg14 : memref<!tpu.dma_semaphore, #tpu.memory_space<semaphore_mem>>)
        %mul3A_113 = arith.constant 2 : i32
        %mul3A_114 = arith.muli %scan3A_79, %mul3A_113 : i32
        %add3A_115 = arith.constant 1 : i32
        %add3A_116 = arith.addi %mul3A_114, %add3A_115 : i32
        %dma_wait3A_117 = arith.constant 0 : i32
        %dma_wait3A_118 = arith.constant 0 : i32
        %dma_wait3A_119 = tpu.memref_slice %arg2[%dma_wait3A_117, %dma_wait3A_118] : memref<10000x64xf32, #tpu.memory_space<hbm>> -> memref<256x64xf32, #tpu.memory_space<hbm>>
        %dma_wait3A_120 = arith.constant 0 : i32
        %dma_wait3A_121 = arith.constant 0 : i32
        %dma_wait3A_122 = tpu.memref_slice %arg2[%dma_wait3A_120, %dma_wait3A_121] : memref<10000x64xf32, #tpu.memory_space<hbm>> -> memref<256x64xf32, #tpu.memory_space<hbm>>
        tpu.wait_dma2 semaphore(%arg15 : memref<!tpu.dma_semaphore, #tpu.memory_space<semaphore_mem>>) src(%dma_wait3A_122 : memref<256x64xf32, #tpu.memory_space<hbm>>) dst(%arg12 : memref<256x64xf32, #tpu.memory_space<vmem>>)
        %dma_wait3A_123 = arith.constant 0 : i32
        %dma_wait3A_124 = arith.constant 0 : i32
        %dma_wait3A_125 = arith.constant 0 : i32
        %dma_wait3A_126 = tpu.memref_slice %arg6[%dma_wait3A_123, %dma_wait3A_124, %dma_wait3A_125] : memref<16x20x256xi32, #tpu.memory_space<hbm>> -> memref<1x1x256xi32, #tpu.memory_space<hbm>>
        %dma_wait3A_127 = tpu.memref_squeeze %dma_wait3A_126 : memref<1x1x256xi32, #tpu.memory_space<hbm>> -> memref<256xi32, #tpu.memory_space<hbm>>
        %dma_wait3A_128 = arith.constant 0 : i32
        %dma_wait3A_129 = tpu.memref_slice %arg6[%dma_wait3A_123, %dma_wait3A_124, %dma_wait3A_128] : memref<16x20x256xi32, #tpu.memory_space<hbm>> -> memref<1x1x256xi32, #tpu.memory_space<hbm>>
        %dma_wait3A_130 = tpu.memref_squeeze %dma_wait3A_129 : memref<1x1x256xi32, #tpu.memory_space<hbm>> -> memref<256xi32, #tpu.memory_space<hbm>>
        tpu.wait_dma2 semaphore(%arg15 : memref<!tpu.dma_semaphore, #tpu.memory_space<semaphore_mem>>) src(%dma_wait3A_130 : memref<256xi32, #tpu.memory_space<hbm>>) dst(%arg10 : memref<256xi32, #tpu.memory_space<vmem>>)
        "tpu.region"() ({
          %run_scoped3A = tpu.sem_alloc : memref<!tpu.dma_semaphore, #tpu.memory_space<semaphore_mem>>
          %dma_start3A_147 = arith.constant 0 : i32
          %dma_start3A_148 = arith.constant 0 : i32
          %dma_start3A_149 = tpu.memref_slice %arg13[%dma_start3A_147, %dma_start3A_148] : memref<10112x64xf32, #tpu.memory_space<vmem_shared>> -> memref<10112x64xf32, #tpu.memory_space<vmem_shared>>
          tpu.enqueue_indirect_dma source(%arg12 : memref<256x64xf32, #tpu.memory_space<vmem>>) target(%dma_start3A_149 : memref<10112x64xf32, #tpu.memory_space<vmem_shared>>) offsets(%arg10 : memref<256xi32, #tpu.memory_space<vmem>>) semaphore(%run_scoped3A : memref<!tpu.dma_semaphore, #tpu.memory_space<semaphore_mem>>) {add = true}
          %dma_wait3A_150 = arith.constant 0 : i32
          %dma_wait3A_151 = arith.constant 0 : i32
          %dma_wait3A_152 = tpu.memref_slice %arg13[%dma_wait3A_150, %dma_wait3A_151] : memref<10112x64xf32, #tpu.memory_space<vmem_shared>> -> memref<10112x64xf32, #tpu.memory_space<vmem_shared>>
          tpu.wait_indirect_dma semaphore(%run_scoped3A : memref<!tpu.dma_semaphore, #tpu.memory_space<semaphore_mem>>) src(%arg12 : memref<256x64xf32, #tpu.memory_space<vmem>>) dst(%dma_wait3A_152 : memref<10112x64xf32, #tpu.memory_space<vmem_shared>>)
          tpu.yield
        }) : () -> ()
        %add3A_131 = arith.constant 2 : i32
        %add3A_132 = arith.addi %add3A_116, %add3A_131 : i32
        %min3A_133 = arith.constant 19 : i32
        %min3A_134 = arith.minsi %add3A_132, %min3A_133 : i32
        %dma_start3A_135 = arith.constant 0 : i32
        %dma_start3A_136 = tpu.memref_slice %arg8[%min3A_134, %dma_start3A_135] : memref<60x256xi32, #tpu.memory_space<vmem>> -> memref<1x256xi32, #tpu.memory_space<vmem>>
        %dma_start3A_137 = tpu.memref_squeeze %dma_start3A_136 : memref<1x256xi32, #tpu.memory_space<vmem>> -> memref<256xi32, #tpu.memory_space<vmem>>
        %dma_start3A_138 = arith.constant 0 : i32
        %dma_start3A_139 = arith.constant 0 : i32
        %dma_start3A_140 = tpu.memref_slice %arg2[%dma_start3A_138, %dma_start3A_139] : memref<10000x64xf32, #tpu.memory_space<hbm>> -> memref<10000x64xf32, #tpu.memory_space<hbm>>
        tpu.enqueue_indirect_dma source(%dma_start3A_140 : memref<10000x64xf32, #tpu.memory_space<hbm>>) target(%arg12 : memref<256x64xf32, #tpu.memory_space<vmem>>) offsets(%dma_start3A_137 : memref<256xi32, #tpu.memory_space<vmem>>) semaphore(%arg15 : memref<!tpu.dma_semaphore, #tpu.memory_space<semaphore_mem>>)
        %dma_start3A_141 = arith.constant 0 : i32
        %dma_start3A_142 = tpu.memref_slice %arg6[%arg1, %min3A_134, %dma_start3A_141] : memref<16x20x256xi32, #tpu.memory_space<hbm>> -> memref<1x1x256xi32, #tpu.memory_space<hbm>>
        %dma_start3A_143 = tpu.memref_squeeze %dma_start3A_142 : memref<1x1x256xi32, #tpu.memory_space<hbm>> -> memref<256xi32, #tpu.memory_space<hbm>>
        %dma_start3A_144 = arith.constant 0 : i32
        %dma_start3A_145 = tpu.memref_slice %arg6[%arg1, %min3A_134, %dma_start3A_144] : memref<16x20x256xi32, #tpu.memory_space<hbm>> -> memref<1x1x256xi32, #tpu.memory_space<hbm>>
        %dma_start3A_146 = tpu.memref_squeeze %dma_start3A_145 : memref<1x1x256xi32, #tpu.memory_space<hbm>> -> memref<256xi32, #tpu.memory_space<hbm>>
        tpu.enqueue_dma source(%dma_start3A_146 : memref<256xi32, #tpu.memory_space<hbm>>) target(%arg10 : memref<256xi32, #tpu.memory_space<vmem>>) target_semaphore(%arg15 : memref<!tpu.dma_semaphore, #tpu.memory_space<semaphore_mem>>)
      }
      %scan3A_51 = arith.constant 10 : i32
      %dma_wait3A = arith.constant 0 : i32
      %dma_wait3A_52 = arith.constant 0 : i32
      %dma_wait3A_53 = tpu.memref_slice %arg2[%dma_wait3A, %dma_wait3A_52] : memref<10000x64xf32, #tpu.memory_space<hbm>> -> memref<256x64xf32, #tpu.memory_space<hbm>>
      %dma_wait3A_54 = arith.constant 0 : i32
      %dma_wait3A_55 = arith.constant 0 : i32
      %dma_wait3A_56 = tpu.memref_slice %arg2[%dma_wait3A_54, %dma_wait3A_55] : memref<10000x64xf32, #tpu.memory_space<hbm>> -> memref<256x64xf32, #tpu.memory_space<hbm>>
      tpu.wait_dma2 semaphore(%arg14 : memref<!tpu.dma_semaphore, #tpu.memory_space<semaphore_mem>>) src(%dma_wait3A_56 : memref<256x64xf32, #tpu.memory_space<hbm>>) dst(%arg11 : memref<256x64xf32, #tpu.memory_space<vmem>>)
      %dma_wait3A_57 = arith.constant 0 : i32
      %dma_wait3A_58 = arith.constant 0 : i32
      %dma_wait3A_59 = arith.constant 0 : i32
      %dma_wait3A_60 = tpu.memref_slice %arg6[%dma_wait3A_57, %dma_wait3A_58, %dma_wait3A_59] : memref<16x20x256xi32, #tpu.memory_space<hbm>> -> memref<1x1x256xi32, #tpu.memory_space<hbm>>
      %dma_wait3A_61 = tpu.memref_squeeze %dma_wait3A_60 : memref<1x1x256xi32, #tpu.memory_space<hbm>> -> memref<256xi32, #tpu.memory_space<hbm>>
      %dma_wait3A_62 = arith.constant 0 : i32
      %dma_wait3A_63 = tpu.memref_slice %arg6[%dma_wait3A_57, %dma_wait3A_58, %dma_wait3A_62] : memref<16x20x256xi32, #tpu.memory_space<hbm>> -> memref<1x1x256xi32, #tpu.memory_space<hbm>>
      %dma_wait3A_64 = tpu.memref_squeeze %dma_wait3A_63 : memref<1x1x256xi32, #tpu.memory_space<hbm>> -> memref<256xi32, #tpu.memory_space<hbm>>
      tpu.wait_dma2 semaphore(%arg14 : memref<!tpu.dma_semaphore, #tpu.memory_space<semaphore_mem>>) src(%dma_wait3A_64 : memref<256xi32, #tpu.memory_space<hbm>>) dst(%arg9 : memref<256xi32, #tpu.memory_space<vmem>>)
      %dma_wait3A_65 = arith.constant 0 : i32
      %dma_wait3A_66 = arith.constant 0 : i32
      %dma_wait3A_67 = tpu.memref_slice %arg2[%dma_wait3A_65, %dma_wait3A_66] : memref<10000x64xf32, #tpu.memory_space<hbm>> -> memref<256x64xf32, #tpu.memory_space<hbm>>
      %dma_wait3A_68 = arith.constant 0 : i32
      %dma_wait3A_69 = arith.constant 0 : i32
      %dma_wait3A_70 = tpu.memref_slice %arg2[%dma_wait3A_68, %dma_wait3A_69] : memref<10000x64xf32, #tpu.memory_space<hbm>> -> memref<256x64xf32, #tpu.memory_space<hbm>>
      tpu.wait_dma2 semaphore(%arg15 : memref<!tpu.dma_semaphore, #tpu.memory_space<semaphore_mem>>) src(%dma_wait3A_70 : memref<256x64xf32, #tpu.memory_space<hbm>>) dst(%arg12 : memref<256x64xf32, #tpu.memory_space<vmem>>)
      %dma_wait3A_71 = arith.constant 0 : i32
      %dma_wait3A_72 = arith.constant 0 : i32
      %dma_wait3A_73 = arith.constant 0 : i32
      %dma_wait3A_74 = tpu.memref_slice %arg6[%dma_wait3A_71, %dma_wait3A_72, %dma_wait3A_73] : memref<16x20x256xi32, #tpu.memory_space<hbm>> -> memref<1x1x256xi32, #tpu.memory_space<hbm>>
      %dma_wait3A_75 = tpu.memref_squeeze %dma_wait3A_74 : memref<1x1x256xi32, #tpu.memory_space<hbm>> -> memref<256xi32, #tpu.memory_space<hbm>>
      %dma_wait3A_76 = arith.constant 0 : i32
      %dma_wait3A_77 = tpu.memref_slice %arg6[%dma_wait3A_71, %dma_wait3A_72, %dma_wait3A_76] : memref<16x20x256xi32, #tpu.memory_space<hbm>> -> memref<1x1x256xi32, #tpu.memory_space<hbm>>
      %dma_wait3A_78 = tpu.memref_squeeze %dma_wait3A_77 : memref<1x1x256xi32, #tpu.memory_space<hbm>> -> memref<256xi32, #tpu.memory_space<hbm>>
      tpu.wait_dma2 semaphore(%arg15 : memref<!tpu.dma_semaphore, #tpu.memory_space<semaphore_mem>>) src(%dma_wait3A_78 : memref<256xi32, #tpu.memory_space<hbm>>) dst(%arg10 : memref<256xi32, #tpu.memory_space<vmem>>)
    } else {
    }
    %barrier3A_18 = arith.constant 0 : index
    tpu.barrier barrier_id(%barrier3A_18)
    "tpu.region"() ({
      %run_scoped3A = tpu.sem_alloc : memref<!tpu.dma_semaphore, #tpu.memory_space<semaphore_mem>>
      %dma_start3A = arith.constant 0 : i32
      %dma_start3A_19 = tpu.memref_slice %arg7[%arg0, %mul3A_0, %dma_start3A] : memref<2x10112x64xf32, #tpu.memory_space<hbm>> -> memref<1x632x64xf32, #tpu.memory_space<hbm>>
      %dma_start3A_20 = tpu.memref_squeeze %dma_start3A_19 : memref<1x632x64xf32, #tpu.memory_space<hbm>> -> memref<632x64xf32, #tpu.memory_space<hbm>>
      %dma_start3A_21 = arith.constant 0 : i32
      %dma_start3A_22 = tpu.memref_slice %arg13[%mul3A_0, %dma_start3A_21] : memref<10112x64xf32, #tpu.memory_space<vmem_shared>> -> memref<632x64xf32, #tpu.memory_space<vmem_shared>>
      tpu.enqueue_dma source(%dma_start3A_22 : memref<632x64xf32, #tpu.memory_space<vmem_shared>>) target(%dma_start3A_20 : memref<632x64xf32, #tpu.memory_space<hbm>>) target_semaphore(%run_scoped3A : memref<!tpu.dma_semaphore, #tpu.memory_space<semaphore_mem>>)
      %dma_wait3A = arith.constant 0 : i32
      %dma_wait3A_23 = tpu.memref_slice %arg7[%arg0, %mul3A_0, %dma_wait3A] : memref<2x10112x64xf32, #tpu.memory_space<hbm>> -> memref<1x632x64xf32, #tpu.memory_space<hbm>>
      %dma_wait3A_24 = tpu.memref_squeeze %dma_wait3A_23 : memref<1x632x64xf32, #tpu.memory_space<hbm>> -> memref<632x64xf32, #tpu.memory_space<hbm>>
      %dma_wait3A_25 = arith.constant 0 : i32
      %dma_wait3A_26 = tpu.memref_slice %arg13[%mul3A_0, %dma_wait3A_25] : memref<10112x64xf32, #tpu.memory_space<vmem_shared>> -> memref<632x64xf32, #tpu.memory_space<vmem_shared>>
      tpu.wait_dma2 semaphore(%run_scoped3A : memref<!tpu.dma_semaphore, #tpu.memory_space<semaphore_mem>>) src(%dma_wait3A_26 : memref<632x64xf32, #tpu.memory_space<vmem_shared>>) dst(%dma_wait3A_24 : memref<632x64xf32, #tpu.memory_space<hbm>>)
      tpu.yield
    }) : () -> ()
    return
  }
}

module attributes {stable_mosaic.version = 14 : i64} {
  func.func @_mm1_body(%arg0: memref<10000x128xf32, #tpu.memory_space<vmem>>, %arg1: memref<128x128xf32, #tpu.memory_space<vmem>>, %arg2: memref<128x128xf32, #tpu.memory_space<vmem>>, %arg3: memref<1x128xf32, #tpu.memory_space<vmem>>, %arg4: memref<10000x128xf32, #tpu.memory_space<vmem>>, %arg5: memref<10000x128xf32, #tpu.memory_space<vmem>>) attributes {dimension_semantics = [], scalar_prefetch = 0 : i64, scratch_operands = 0 : i64, tpu.core_type = #tpu.core_type<tc>} {
    %get3A = arith.constant 0 : index
    %get3A_0 = arith.constant 0 : index
    %get3A_1 = vector.load %arg0[%get3A, %get3A_0] : memref<10000x128xf32, #tpu.memory_space<vmem>>, vector<10000x128xf32>
    %get3A_2 = arith.constant 0 : index
    %get3A_3 = arith.constant 0 : index
    %get3A_4 = vector.load %arg1[%get3A_2, %get3A_3] : memref<128x128xf32, #tpu.memory_space<vmem>>, vector<128x128xf32>
    %dot_general3A = arith.constant dense<0.000000e+00> : vector<10000x128xf32>
    %dot_general3A_5 = tpu.matmul %get3A_1, %get3A_4, %dot_general3A {dimension_numbers = #tpu.dot_dimension_numbers<[1], [0], [0], [1], [0, 0, 1, 1], [], []>, transpose_lhs_hint = false} : vector<10000x128xf32>, vector<128x128xf32>, vector<10000x128xf32> -> vector<10000x128xf32>
    %swap3A = arith.constant 0 : index
    %swap3A_6 = arith.constant 0 : index
    %swap3A_7 = vector.load %arg4[%swap3A, %swap3A_6] : memref<10000x128xf32, #tpu.memory_space<vmem>>, vector<10000x128xf32>
    tpu.vector_store %arg4[%swap3A, %swap3A_6], %dot_general3A_5 {strides = array<i32>} : memref<10000x128xf32, #tpu.memory_space<vmem>>, vector<10000x128xf32>,
    %get3A_8 = arith.constant 0 : index
    %get3A_9 = arith.constant 0 : index
    %get3A_10 = vector.load %arg2[%get3A_8, %get3A_9] : memref<128x128xf32, #tpu.memory_space<vmem>>, vector<128x128xf32>
    %dot_general3A_11 = arith.constant dense<0.000000e+00> : vector<10000x128xf32>
    %dot_general3A_12 = tpu.matmul %get3A_1, %get3A_10, %dot_general3A_11 {dimension_numbers = #tpu.dot_dimension_numbers<[1], [0], [0], [1], [0, 0, 1, 1], [], []>, transpose_lhs_hint = false} : vector<10000x128xf32>, vector<128x128xf32>, vector<10000x128xf32> -> vector<10000x128xf32>
    %get3A_13 = arith.constant 0 : index
    %get3A_14 = arith.constant 0 : index
    %get3A_15 = vector.load %arg3[%get3A_13, %get3A_14] : memref<1x128xf32, #tpu.memory_space<vmem>>, vector<1x128xf32>
    %add3A = vector.broadcast %get3A_15 : vector<1x128xf32> to vector<10000x128xf32>
    %add3A_16 = arith.addf %dot_general3A_12, %add3A : vector<10000x128xf32>
    %swap3A_17 = arith.constant 0 : index
    %swap3A_18 = arith.constant 0 : index
    %swap3A_19 = vector.load %arg5[%swap3A_17, %swap3A_18] : memref<10000x128xf32, #tpu.memory_space<vmem>>, vector<10000x128xf32>
    tpu.vector_store %arg5[%swap3A_17, %swap3A_18], %add3A_16 {strides = array<i32>} : memref<10000x128xf32, #tpu.memory_space<vmem>>, vector<10000x128xf32>,
    return
  }
}

module attributes {stable_mosaic.version = 14 : i64} {
  func.func @_mid_body(%arg0: memref<2x10112x128xf32, #tpu.memory_space<vmem>>, %arg1: memref<2x10112xf32, #tpu.memory_space<vmem>>, %arg2: memref<10000x128xf32, #tpu.memory_space<vmem>>, %arg3: memref<128x64xf32, #tpu.memory_space<vmem>>, %arg4: memref<128x64xf32, #tpu.memory_space<vmem>>, %arg5: memref<1x64xf32, #tpu.memory_space<vmem>>, %arg6: memref<10000x64xf32, #tpu.memory_space<vmem>>, %arg7: memref<10000x64xf32, #tpu.memory_space<vmem>>) attributes {dimension_semantics = [], scalar_prefetch = 0 : i64, scratch_operands = 0 : i64, tpu.core_type = #tpu.core_type<tc>} {
    %get3A = arith.constant 0 : index
    %get3A_0 = arith.constant 0 : index
    %get3A_1 = arith.constant 0 : index
    %get3A_2 = vector.load %arg0[%get3A, %get3A_0, %get3A_1] : memref<2x10112x128xf32, #tpu.memory_space<vmem>>, vector<1x10000x128xf32>
    %get3A_3 = vector.shape_cast %get3A_2 : vector<1x10000x128xf32> to vector<10000x128xf32>
    %get3A_4 = arith.constant 1 : index
    %get3A_5 = arith.constant 0 : index
    %get3A_6 = arith.constant 0 : index
    %get3A_7 = vector.load %arg0[%get3A_4, %get3A_5, %get3A_6] : memref<2x10112x128xf32, #tpu.memory_space<vmem>>, vector<1x10000x128xf32>
    %get3A_8 = vector.shape_cast %get3A_7 : vector<1x10000x128xf32> to vector<10000x128xf32>
    %add3A = arith.addf %get3A_3, %get3A_8 : vector<10000x128xf32>
    %get3A_9 = arith.constant 0 : index
    %get3A_10 = arith.constant 0 : index
    %get3A_11 = vector.load %arg1[%get3A_9, %get3A_10] : memref<2x10112xf32, #tpu.memory_space<vmem>>, vector<2x10000xf32>
    %reduce_sum3A = arith.constant dense<0.000000e+00> : vector<10000xf32>
    %reduce_sum3A_12 = vector.multi_reduction <add>, %get3A_11, %reduce_sum3A [0] : vector<2x10000xf32> to vector<10000xf32>
    %broadcast_in_dim3A = vector.shape_cast %reduce_sum3A_12 : vector<10000xf32> to vector<10000x1xf32>
    %max3A = arith.constant 1.000000e+00 : f32
    %max3A_13 = vector.broadcast %max3A : f32 to vector<10000x1xf32>
    %max3A_14 = arith.maximumf %broadcast_in_dim3A, %max3A_13 : vector<10000x1xf32>
    %div3A = arith.constant 1.000000e+00 : f32
    %div3A_15 = vector.broadcast %div3A : f32 to vector<10000x1xf32>
    %div3A_16 = arith.divf %div3A_15, %max3A_14 : vector<10000x1xf32>
    %mul3A = vector.broadcast %div3A_16 : vector<10000x1xf32> to vector<10000x128xf32>
    %mul3A_17 = arith.mulf %add3A, %mul3A : vector<10000x128xf32>
    %get3A_18 = arith.constant 0 : index
    %get3A_19 = arith.constant 0 : index
    %get3A_20 = vector.load %arg2[%get3A_18, %get3A_19] : memref<10000x128xf32, #tpu.memory_space<vmem>>, vector<10000x128xf32>
    %add3A_21 = arith.addf %mul3A_17, %get3A_20 : vector<10000x128xf32>
    %max3A_22 = arith.constant 0.000000e+00 : f32
    %max3A_23 = vector.broadcast %max3A_22 : f32 to vector<10000x128xf32>
    %max3A_24 = arith.maximumf %add3A_21, %max3A_23 : vector<10000x128xf32>
    %get3A_25 = arith.constant 0 : index
    %get3A_26 = arith.constant 0 : index
    %get3A_27 = vector.load %arg3[%get3A_25, %get3A_26] : memref<128x64xf32, #tpu.memory_space<vmem>>, vector<128x64xf32>
    %dot_general3A = arith.constant dense<0.000000e+00> : vector<10000x64xf32>
    %dot_general3A_28 = tpu.matmul %max3A_24, %get3A_27, %dot_general3A {dimension_numbers = #tpu.dot_dimension_numbers<[1], [0], [0], [1], [0, 0, 1, 1], [], []>, transpose_lhs_hint = false} : vector<10000x128xf32>, vector<128x64xf32>, vector<10000x64xf32> -> vector<10000x64xf32>
    %swap3A = arith.constant 0 : index
    %swap3A_29 = arith.constant 0 : index
    %swap3A_30 = vector.load %arg6[%swap3A, %swap3A_29] : memref<10000x64xf32, #tpu.memory_space<vmem>>, vector<10000x64xf32>
    tpu.vector_store %arg6[%swap3A, %swap3A_29], %dot_general3A_28 {strides = array<i32>} : memref<10000x64xf32, #tpu.memory_space<vmem>>, vector<10000x64xf32>,
    %get3A_31 = arith.constant 0 : index
    %get3A_32 = arith.constant 0 : index
    %get3A_33 = vector.load %arg4[%get3A_31, %get3A_32] : memref<128x64xf32, #tpu.memory_space<vmem>>, vector<128x64xf32>
    %dot_general3A_34 = arith.constant dense<0.000000e+00> : vector<10000x64xf32>
    %dot_general3A_35 = tpu.matmul %max3A_24, %get3A_33, %dot_general3A_34 {dimension_numbers = #tpu.dot_dimension_numbers<[1], [0], [0], [1], [0, 0, 1, 1], [], []>, transpose_lhs_hint = false} : vector<10000x128xf32>, vector<128x64xf32>, vector<10000x64xf32> -> vector<10000x64xf32>
    %get3A_36 = arith.constant 0 : index
    %get3A_37 = arith.constant 0 : index
    %get3A_38 = vector.load %arg5[%get3A_36, %get3A_37] : memref<1x64xf32, #tpu.memory_space<vmem>>, vector<1x64xf32>
    %add3A_39 = vector.broadcast %get3A_38 : vector<1x64xf32> to vector<10000x64xf32>
    %add3A_40 = arith.addf %dot_general3A_35, %add3A_39 : vector<10000x64xf32>
    %swap3A_41 = arith.constant 0 : index
    %swap3A_42 = arith.constant 0 : index
    %swap3A_43 = vector.load %arg7[%swap3A_41, %swap3A_42] : memref<10000x64xf32, #tpu.memory_space<vmem>>, vector<10000x64xf32>
    tpu.vector_store %arg7[%swap3A_41, %swap3A_42], %add3A_40 {strides = array<i32>} : memref<10000x64xf32, #tpu.memory_space<vmem>>, vector<10000x64xf32>,
    return
  }
}

module attributes {stable_mosaic.version = 14 : i64} {
  func.func @_fin_body(%arg0: memref<2x10112x64xf32, #tpu.memory_space<vmem>>, %arg1: memref<2x10112xf32, #tpu.memory_space<vmem>>, %arg2: memref<10000x64xf32, #tpu.memory_space<vmem>>, %arg3: memref<10000x64xf32, #tpu.memory_space<vmem>>) attributes {dimension_semantics = [], scalar_prefetch = 0 : i64, scratch_operands = 0 : i64, tpu.core_type = #tpu.core_type<tc>} {
    %get3A = arith.constant 0 : index
    %get3A_0 = arith.constant 0 : index
    %get3A_1 = arith.constant 0 : index
    %get3A_2 = vector.load %arg0[%get3A, %get3A_0, %get3A_1] : memref<2x10112x64xf32, #tpu.memory_space<vmem>>, vector<1x10000x64xf32>
    %get3A_3 = vector.shape_cast %get3A_2 : vector<1x10000x64xf32> to vector<10000x64xf32>
    %get3A_4 = arith.constant 1 : index
    %get3A_5 = arith.constant 0 : index
    %get3A_6 = arith.constant 0 : index
    %get3A_7 = vector.load %arg0[%get3A_4, %get3A_5, %get3A_6] : memref<2x10112x64xf32, #tpu.memory_space<vmem>>, vector<1x10000x64xf32>
    %get3A_8 = vector.shape_cast %get3A_7 : vector<1x10000x64xf32> to vector<10000x64xf32>
    %add3A = arith.addf %get3A_3, %get3A_8 : vector<10000x64xf32>
    %get3A_9 = arith.constant 0 : index
    %get3A_10 = arith.constant 0 : index
    %get3A_11 = vector.load %arg1[%get3A_9, %get3A_10] : memref<2x10112xf32, #tpu.memory_space<vmem>>, vector<2x10000xf32>
    %reduce_sum3A = arith.constant dense<0.000000e+00> : vector<10000xf32>
    %reduce_sum3A_12 = vector.multi_reduction <add>, %get3A_11, %reduce_sum3A [0] : vector<2x10000xf32> to vector<10000xf32>
    %broadcast_in_dim3A = vector.shape_cast %reduce_sum3A_12 : vector<10000xf32> to vector<10000x1xf32>
    %max3A = arith.constant 1.000000e+00 : f32
    %max3A_13 = vector.broadcast %max3A : f32 to vector<10000x1xf32>
    %max3A_14 = arith.maximumf %broadcast_in_dim3A, %max3A_13 : vector<10000x1xf32>
    %div3A = arith.constant 1.000000e+00 : f32
    %div3A_15 = vector.broadcast %div3A : f32 to vector<10000x1xf32>
    %div3A_16 = arith.divf %div3A_15, %max3A_14 : vector<10000x1xf32>
    %mul3A = vector.broadcast %div3A_16 : vector<10000x1xf32> to vector<10000x64xf32>
    %mul3A_17 = arith.mulf %add3A, %mul3A : vector<10000x64xf32>
    %get3A_18 = arith.constant 0 : index
    %get3A_19 = arith.constant 0 : index
    %get3A_20 = vector.load %arg2[%get3A_18, %get3A_19] : memref<10000x64xf32, #tpu.memory_space<vmem>>, vector<10000x64xf32>
    %add3A_21 = arith.addf %mul3A_17, %get3A_20 : vector<10000x64xf32>
    %reduce_max3A = arith.constant dense<0xFF800000> : vector<10000xf32>
    %reduce_max3A_22 = vector.multi_reduction <maximumf>, %add3A_21, %reduce_max3A [1] : vector<10000x64xf32> to vector<10000xf32>
    %broadcast_in_dim3A_23 = vector.shape_cast %reduce_max3A_22 : vector<10000xf32> to vector<10000x1xf32>
    %sub3A = vector.broadcast %broadcast_in_dim3A_23 : vector<10000x1xf32> to vector<10000x64xf32>
    %sub3A_24 = arith.subf %add3A_21, %sub3A : vector<10000x64xf32>
    %sub3A_25 = vector.broadcast %broadcast_in_dim3A_23 : vector<10000x1xf32> to vector<10000x64xf32>
    %sub3A_26 = arith.subf %add3A_21, %sub3A_25 : vector<10000x64xf32>
    %exp3A = math.exp %sub3A_26 : vector<10000x64xf32>
    %reduce_sum3A_27 = arith.constant dense<0.000000e+00> : vector<10000xf32>
    %reduce_sum3A_28 = vector.multi_reduction <add>, %exp3A, %reduce_sum3A_27 [1] : vector<10000x64xf32> to vector<10000xf32>
    %broadcast_in_dim3A_29 = vector.shape_cast %reduce_sum3A_28 : vector<10000xf32> to vector<10000x1xf32>
    %log3A = math.log %broadcast_in_dim3A_29 : vector<10000x1xf32>
    %sub3A_30 = vector.broadcast %log3A : vector<10000x1xf32> to vector<10000x64xf32>
    %sub3A_31 = arith.subf %sub3A_24, %sub3A_30 : vector<10000x64xf32>
    %swap3A = arith.constant 0 : index
    %swap3A_32 = arith.constant 0 : index
    %swap3A_33 = vector.load %arg3[%swap3A, %swap3A_32] : memref<10000x64xf32, #tpu.memory_space<vmem>>, vector<10000x64xf32>
    tpu.vector_store %arg3[%swap3A, %swap3A_32], %sub3A_31 {strides = array<i32>} : memref<10000x64xf32, #tpu.memory_space<vmem>>, vector<10000x64xf32>,
    return
  }
}

</mosaic_0001>

<sc_bundles>
// kernel: kernel.10.cloned.1.call-start
scs
__scs_entry_jumppad:
0x0: {  	(pc) =	sbr.rel $0x88, $3  }
0x1: {  	(tag) =	ssettag $0x0;
	lr =	simm.s32 $0x1  }
0x2: {  	[smem:$0x3F99] =	sst lr;
	_ =	strace $0xD0000000  }
0x3: {  	_ = 	snop  }
0x4: {  	_ = 	snop  }
0x5: {  	_ = 	snop  }
0x6: {  	_ = 	snop  }
0x7: {  	_ = 	snop  }
__scs_overlays_trampoline_lowered:
0x8: {  	[smem:$0x3FA8] =	sst s0  }
0x9: {  	[smem:$0x3FA9] =	sst s1  }
0xa: {  	[smem:$0x3FAA] =	sst s2  }
0xb: {  	[smem:$0x3FAB] =	sst s3  }
0xc: {  	[smem:$0x3FAC] =	sst s4  }
0xd: {  	[smem:$0x3FAD] =	sst s5  }
0xe: {  	[smem:$0x3FAE] =	sst s6  }
0xf: {  	[smem:$0x3FAF] =	sst s7  }
0x10: {  	[smem:$0x3FB0] =	sst s8  }
0x11: {  	[smem:$0x3FB1] =	sst s9;
	s0 =	simm.s32 @!p0 $0x0  }
0x12: {  	s1 =	sld [smem:$0x3F97];
	s0 =	simm.s32 @p0 $0x1  }
0x13: {  	[smem:$0x3FB2] =	sst s0;
	s0 =	simm.s32 @!p1 $0x0  }
0x14: {  	s2 =	sld [smem:$0x3F96];
	s0 =	simm.s32 @p1 $0x1  }
0x15: {  	[smem:$0x3FB3] =	sst s0;
	s0 =	simm.s32 @!p2 $0x0  }
0x16: {  	s3 =	sld [smem:$0x3FDB];
	s0 =	simm.s32 @p2 $0x1  }
0x17: {  	s4 =	simm.s32 $0x1BF5;
	[smem:$0x3FB5] =	sst s0  }
0x18: {  	s0 =	sld [smem:$0x3F98];
	_ =	swait.ge [sflag:s4], $0x0  }
0x19: {  	s7 =	sld [smem:$0x3F99]  }
0x1a: {  	s8 =	sadd.s32 $0xFFFFE003, lr  }
0x1b: {  	s9 =	sadd.s32 $0xFFFFFEF7, lr;
	s5 =	simm.s32 $0xFFFFFFFF;
	p2 =	slt.u32 s8, $0xFFFFF086  }
0x1c: {  	p1 =	slt.u32 s9, $0xF7A;
	s5 =	simm.s32 @!p2 $0x0  }
0x1d: {  	s5 =	simm.s32 @p1 $0x1;
	p0 =	seq.s32 s7, s2  }
0x1e: {  	s7 =	smul.u32 @!p0 $0xF7A, s2;
	p2 =	seq.s32 @!p0 s5, $0x0  }
0x1f: {  	s9 =	smul.u32 $0xF7A, s1;
	s8 =	simm.s32 @!p0 $0x1BF5;
	p2 =	por !p2, p0  }
0x20: {  	[sflag:s8] =	ssyncset.s32 @!p0 $0xFFFFF086;
	s6 =	sadd.s32 @!p0 s3, s7;
	s7 =	simm.s32 @!p0 $0x108  }
0x21: {  	s3 =	sadd.s32 s3, s9;
	s6 =	sadd.s32 @!p0 $0x88, s6;
	s7 =	simm.s32 @p2 $0x1082  }
0x22: {  	[simem:s7], [sflag:s8] =	dma.local @!p0 [hbm:s6], $0xF7A  }
0x23: {  	s9 =	sor.u32 $0xD0000000, s2;
	s6 =	simm.s32 $0x108;
	_ =	swait.ge @!p0 [sflag:s8], $0x0  }
0x24: {  	s3 =	sadd.s32 $0x88, s3;
	s6 =	simm.s32 @!p1 $0x1082;
	[sflag:s4] =	ssyncset.s32 $0xFFFFF086  }
0x25: {  	[simem:s6], [sflag:s4] =	dma.local [hbm:s3], $0xF7A  }
0x26: {  	[smem:$0x3F99] =	sst s1;
	(tag) =	ssettag s2;
	_ =	strace s9  }
0x27: {  	s1 =	sld [smem:$0x3FA9]  }
0x28: {  	s2 =	sld [smem:$0x3FAA]  }
0x29: {  	s4 =	sld [smem:$0x3FAC]  }
0x2a: {  	p0 =	seq.s32 s5, $0x0;
	s5 =	sld [smem:$0x3FAD]  }
0x2b: {  	s6 =	sld [smem:$0x3FAE]  }
0x2c: {  	s7 =	sld [smem:$0x3FAF]  }
0x2d: {  	s3 =	simm.s32 $0x108;
	s8 =	sld [smem:$0x3FB0]  }
0x2e: {  	s3 =	simm.s32 @!p0 $0x1082;
	s9 =	sld [smem:$0x3FB1]  }
0x2f: {  	lr =	sadd.s32 s0, s3;
	s0 =	sld [smem:$0x3FA8]  }
0x30: {  	s3 =	sld [smem:$0x3FAB]  }
0x31: {  	[smem:$0x3FB4] =	sst s10  }
0x32: {  	s10 =	sld [smem:$0x3FB2];
	_ =	sdelay $0x3  }
0x33: {  	p0 =	seq.s32 s10, $0x1;
	s10 =	sld [smem:$0x3FB4];
	_ =	sdelay $0x3  }
0x34: {  	[smem:$0x3FB4] =	sst s10  }
0x35: {  	s10 =	sld [smem:$0x3FB3];
	_ =	sdelay $0x3  }
0x36: {  	p1 =	seq.s32 s10, $0x1;
	s10 =	sld [smem:$0x3FB4];
	_ =	sdelay $0x3  }
0x37: {  	[smem:$0x3FB4] =	sst s10  }
0x38: {  	s10 =	sld [smem:$0x3FB5]  }
0x39: {  	_ = 	snop;
	(pc) =	sbr.ind lr, $3  }
0x3a: {  	_ = 	snop  }
0x3b: {  	_ = 	snop  }
0x3c: {  	p2 =	seq.s32 s10, $0x1;
	s10 =	sld [smem:$0x3FB4]  }
0x3d: {  	_ =	shalt  }
0x3e: {  	_ =	shalt  }
0x3f: {  	_ =	shalt  }
0x40: {  	_ =	shalt  }
0x41: {  	_ =	shalt  }
0x42: {  	_ =	shalt  }
0x43: {  	_ =	shalt  }
0x44: {  	_ =	shalt  }
0x45: {  	_ =	shalt  }
0x46: {  	_ =	shalt  }
0x47: {  	_ =	shalt  }
0x48: {  	_ =	shalt  }
0x49: {  	_ =	shalt  }
0x4a: {  	_ =	shalt  }
0x4b: {  	_ =	shalt  }
0x4c: {  	_ =	shalt  }
0x4d: {  	_ =	shalt  }
0x4e: {  	_ =	shalt  }
0x4f: {  	_ =	shalt  }
0x50: {  	_ =	shalt  }
0x51: {  	_ =	shalt  }
0x52: {  	_ =	shalt  }
0x53: {  	_ =	shalt  }
0x54: {  	_ =	shalt  }
0x55: {  	_ =	shalt  }
0x56: {  	_ =	shalt  }
0x57: {  	_ =	shalt  }
0x58: {  	_ =	shalt  }
0x59: {  	_ =	shalt  }
0x5a: {  	_ =	shalt  }
0x5b: {  	_ =	shalt  }
0x5c: {  	_ =	shalt  }
0x5d: {  	_ =	shalt  }
0x5e: {  	_ =	shalt  }
0x5f: {  	_ =	shalt  }
0x60: {  	_ =	shalt  }
0x61: {  	_ =	shalt  }
0x62: {  	_ =	shalt  }
0x63: {  	_ =	shalt  }
0x64: {  	_ =	shalt  }
0x65: {  	_ =	shalt  }
0x66: {  	_ =	shalt  }
0x67: {  	_ =	shalt  }
0x68: {  	_ =	shalt  }
0x69: {  	_ =	shalt  }
0x6a: {  	_ =	shalt  }
0x6b: {  	_ =	shalt  }
0x6c: {  	_ =	shalt  }
0x6d: {  	_ =	shalt  }
0x6e: {  	_ =	shalt  }
0x6f: {  	_ =	shalt  }
0x70: {  	_ =	shalt  }
0x71: {  	_ =	shalt  }
0x72: {  	_ =	shalt  }
0x73: {  	_ =	shalt  }
0x74: {  	_ =	shalt  }
0x75: {  	_ =	shalt  }
0x76: {  	_ =	shalt  }
0x77: {  	_ =	shalt  }
0x78: {  	_ =	shalt  }
0x79: {  	_ =	shalt  }
0x7a: {  	_ =	shalt  }
0x7b: {  	_ =	shalt  }
0x7c: {  	_ =	shalt  }
0x7d: {  	_ =	shalt  }
0x7e: {  	_ =	shalt  }
0x7f: {  	_ =	shalt  }
0x80: {  	_ =	shalt  }
0x81: {  	_ =	shalt  }
0x82: {  	_ =	shalt  }
0x83: {  	_ =	shalt  }
0x84: {  	_ =	shalt  }
0x85: {  	_ =	shalt  }
0x86: {  	_ =	shalt  }
0x87: {  	_ =	shalt  }
.Lfunc_end0:
.L_simem_size_0:
called_computation.1_lowered:
.L_overlay_start_0:
0x88: {  	s2 =	sld [smem:$0x3FD9]  }
0x89: {  	s3 =	sld [smem:$0x3FFE];
	_ =	sdelay $0x1  }
0x8a: {  	s1 =	srdreg.scid  }
0x8b: {  	s0 =	sand.u32 $0x1, s1  }
0x8c: {  	s17 =	sshll.u32 s0, $0xA;
	s2 =	sadd.s32 s3, s2  }
0x8d: {  	s2 =	sadd.s32 s2, s17  }
0x8e: {  	[smem:$0x3FC0] =	sst s2  }
0x8f: {  	_ = 	snop  }
0x90: {  	s2 =	sld [smem:$0x3FD0];
	(tm) =	ssettm $0x1  }
0x91: {  	s18 =	sld [smem:$0x3FFB];
	_ =	sdelay $0x3  }
0x92: {  	_ =	strace s18  }
0x93: {  	s3 =	sld [smem:$0x3FFC];
	_ =	sdelay $0x3  }
0x94: {  	_ =	strace s3  }
0x95: {  	s3 =	sld [smem:$0x3FFD];
	_ =	sdelay $0x3  }
0x96: {  	_ =	strace s3  }
0x97: {  	_ =	strace $0x8FFFFFFF  }
0x98: {  	s19 =	sld [smem:$0x3FDB];
	_ =	sdelay $0x1  }
0x99: {  	s4 =	simm.s32 $_scs_section_size  }
0x9a: {  	s5 =	simm.s32 $_size__tile_overlayer_lowered;
	s6 =	simm.s32 $_tile_overlayer_lowered  }
0x9b: {  	s22 =	simm.s32 $0x1BFF;
	s21 =	sshll.u32 s6, $0x1;
	s3 =	sadd.s32 s4, s19  }
0x9c: {  	s7 =	simm.s32 $0x0;
	s20 =	sshll.u32 s5, $0x1;
	s5 =	sadd.s32 s21, s3  }
0x9d: {  	[timem:s7], [sflag:s22] =	dma.local [hbm:s5], s20  }
0x9e: {  	_ =	swait.ge [sflag:s22], s20  }
0x9f: {  	s4 =	ssub.s32 $0x0, s20;
	[sflag:s22] =	ssyncset.done $0x0  }
0xa0: {  	[sflag:s22] =	ssyncadd.s32 s4;
	_ =	sdelay $0x1  }
0xa1: {  	s23 =	simm.s32 $0x1B8B  }
0xa2: {  	_ =	swait.ge [sflag:s23], $0x1  }
0xa3: {  	[sflag:s23] =	ssyncset.done $0x0  }
0xa4: {  	s25 =	simm.s32 $0x1B8E;
	s24 =	sld [smem:$0x3FFE];
	[sflag:s23] =	ssyncadd.s32 $0xFFFFFFFF  }
0xa5: {  	s26 =	simm.s32 $execute0_lowered;
	[smem:$0x3FD2] =	sst s25  }
0xa6: {  	s5 =	sshll.u32 s26, $0x1;
	_ =	strace $0x80000049;
	[dreg:$0x1] =	wrdreg $0xFFFFFFFF  }
0xa7: {  	s28 =	simm.s32 $_size_execute0_lowered;
	s3 =	sadd.s32 s3, s5;
	[dreg:$0x0] =	wrdreg $0x0  }
0xa8: {  	s5 =	sshll.u32 s28, $0x1;
	[dreg:$0x2] =	wrdreg s3  }
0xa9: {  	[dreg:$0x3] =	wrdreg s5  }
0xaa: {  	[dreg:$0x4] =	wrdreg $0xC0  }
0xab: {  	_ =	task [dreg:s7], $0x5FFFF  }
0xac: {  	[dreg:$0x1] =	wrdreg $0xFFFFFFFF  }
0xad: {  	[dreg:$0x0] =	wrdreg $0x60  }
0xae: {  	[dreg:$0x2] =	wrdreg s2  }
0xaf: {  	[dreg:$0x3] =	wrdreg s24  }
0xb0: {  	[dreg:$0x4] =	wrdreg $0xBE000  }
0xb1: {  	[dreg:$0x5] =	wrdreg $0x9  }
0xb2: {  	_ =	task.clear_ibuf [dreg:s7], $0x6FFFF;
	_ =	strace $0x90000049  }
0xb3: {  	s29 =	simm.s32 $0x9;
	_ =	strace $0x8000004B  }
0xb4: {  	_ =	swait.ge [sflag:s29], $0x1  }
0xb5: {  	[sflag:s29] =	ssyncadd.s32 $0xFFFFFFFF  }
0xb6: {  	_ =	strace $0x9000004B  }
0xb7: {  	_ =	sfence  }
0xb8: {  	s30 =	sld [smem:$0x0];
	_ =	sdelay $0x2  }
0xb9: {  	s31 =	sshll.u32 s1, $0xD;
	s1 =	sshrl.u32 s1, $0x2  }
0xba: {  	s3 =	sand.u32 $0x4000, s31;
	s1 =	sadd.s32 s1, s30  }
0xbb: {  	s0 =	sor.u32 s3, s0;
	s1 =	sshll.u32 s1, $0x11  }
0xbc: {  	s0 =	sor.u32 s1, s0  }
0xbd: {  	s0 =	sadd.s32 $0x8F2B, s0  }
0xbe: {  	[sflag:s0] =	ssyncadd.remote.s32 $0x1  }
0xbf: {  	_ =	sfence.sel $0xFFFF  }
0xc0: {  	[dreg:$0x0] =	wrdreg $0xFFFFFFFF;
	(pc) =	sbr.abs _section_cstart, $3  }
0xc1: {  	[dreg:$0x1] =	wrdreg $0xFFFFFFFF  }
0xc2: {  	_ =	task.clear_ibuf [dreg:s7], $0x2FFFF;
	_ =	strace $0x9FFFFFFF  }
0xc3: {  	(tm) =	ssettm $0x7FFFFFFF  }
tec
execute0_lowered:
.L_overlay_start_1:
0x0: {  	(tag) =	ssettag $0x1  }
0x1: {  	s2 =	rddreg [dreg:$0x0];
	s1 =	stileid.u32  }
0x2: {  	s0 =	rddreg [dreg:$0x1];
	s5 =	smul.u32 $0x3C00, s1  }
0x3: {  	s3 =	rddreg [dreg:$0x2];
	s4 =	simm.s32 $0x0;
	s6 =	smul.u32 $0x1400, s1  }
0x4: {  	s7 =	srdreg.scid;
	s28 =	simm.s32 $0x3D00;
	s16 =	smul.u32 $0x9E00, s1  }
0x5: {  	s29 =	simm.s32 $0x1;
	s30 =	simm.s32 $0x2;
	s18 =	smul.u32 $0x27800, s1  }
0x6: {  	s31 =	simm.s32 $0x0;
	[smem:$0x7FF] =	sst s4;
	s25 =	smul.u32 $0x280, s1  }
0x7: {  	s9 =	sand.u32 $0x1, s7;
	s21 =	sadd.s32 $0x1C00, s0;
	s26 =	smul.u32 $0x780, s1  }
0x8: {  	s20 =	sadd.s32 $0x8C600, s0;
	_ =	strace $0x8000004A;
	s17 =	smul.u32 $0x9E000, s9  }
0x9: {  	s13 =	ssub.s32 $0x2, s9;
	p0 =	sne.s32 s9, $0x0;
	s10 =	sshrl.u32 s5, $0x3  }
0xa: {  	s8 =	sshrl.u32 s6, $0x3;
	s19 =	sshrl.u32 s13, $0x1;
	s6 =	sshrl.u32 s18, $0x2  }
0xb: {  	s12 =	sadd.s32 s10, s0;
	s11 =	sadd.s32 s8, s0;
	s5 =	sadd.s32 s16, s17  }
0xc: {  	s15 =	ssub.s32 s13, s19;
	s22 =	sadd.s32 s6, s3;
	s8 =	sadd.s32 s20, s8  }
0xd: {  	s20 =	sadd.s32 s25, s20;
	s25 =	simm.s32 $0x3C00;
	s5 =	sshrl.u32 s5, $0x3  }
0xe: {  	s6 =	sadd.s32 $0x4000, s22;
	s7 =	sadd.s32 $0x8000, s22;
	s11 =	sadd.s32 $0x89E00, s11  }
0xf: {  	s23 =	sadd.s32 $0x20, s8;
	s24 =	sadd.s32 $0x9400, s12;
	s15 =	smax.u32 s15, $0x1  }
0x10: {  	s18 =	sadd.s32 $0x240, s8;
	s22 =	simm.s32 $0x3E00;
	[dreg:$0x4] =	wrdreg s11  }
.Ltmp0:
0x11: {  	s0 =	sadd.s32 s5, s0;
	[dreg:$0x5] =	wrdreg s23;
	(pc) =	sbr.rel .LBB2_1-.Ltmp0, $4  }
0x12: {  	s5 =	sadd.s32 s16, s3;
	s11 =	sadd.s32 s21, s10;
	[dreg:$0x6] =	wrdreg s24  }
0x13: {  	s16 =	sadd.s32 $0x260, s8;
	s21 =	sadd.s32 s26, s21;
	s23 =	simm.s32 $0x3  }
0x14: {  	s24 =	simm.s32 $0x100;
	s26 =	simm.s32 $0x7E00;
	s13 =	sadd.s32 $0x20, s11  }
0x15: {  	v0 =	vimm.f32 $0.0e+00;
	s14 =	sadd.s32 $0x10C00, s0;
	s17 =	sadd.s32 $0x760, s11;
	s19 =	sadd.s32 $0x740, s11  }
.LBB2_9:
0x16: {  	[tilespmem:s28], [sflag:$0x2] =	stream.linear.gather [hbm4b:s10+s4], $0x100, $0x38;
	[tilespmem:$0x15C00] =	vst v63  }
0x17: {  	_ =	swait.ge [sflag:s29], $0x4000  }
0x18: {  	[sflag:s29] =	ssyncset.done $0x0  }
0x19: {  	[sflag:s29] =	ssyncadd.s32 $0xFFFFC000  }
0x1a: {  	_ =	swait.ge [sflag:s29], $0x100  }
0x1b: {  	[sflag:s29] =	ssyncset.done $0x0  }
0x1c: {  	[sflag:s29] =	ssyncadd.s32 $0xFFFFFF00  }
0x1d: {  	[spmem:s3] =	stream.indirect.scatter.add.f32 [tilespmem:s22], [sflag:$0x3], $0x40, s25, s24, $0xb8;
	[tilespmem:$0x15C00] =	vst v63  }
0x1e: {  	_ =	swait.ge [sflag:s23], $0x4000  }
0x1f: {  	[sflag:s23] =	ssyncset.done $0x0  }
0x20: {  	s0 =	simm.s32 $0x1200;
	[sflag:s23] =	ssyncadd.s32 $0xFFFFC000  }
0x21: {  	[tilespmem:s22], [sflag:$0x1] =	stream.indirect.gather [hbm4b:s2+s24], $0x40, s0, s24, $0xb8;
	[tilespmem:$0x15C00] =	vst v63  }
0x22: {  	_ = 	snop  }
0x23: {  	[tilespmem:s25], [sflag:$0x1] =	stream.linear.gather [hbm4b:s18+s4], $0x100, $0x38;
	[tilespmem:$0x15C00] =	vst v63  }
0x24: {  	_ =	swait.ge [sflag:s30], $0x4000  }
0x25: {  	[sflag:s30] =	ssyncset.done $0x0  }
0x26: {  	[sflag:s30] =	ssyncadd.s32 $0xFFFFC000  }
0x27: {  	_ =	swait.ge [sflag:s30], $0x100  }
0x28: {  	[sflag:s30] =	ssyncset.done $0x0  }
0x29: {  	[sflag:s30] =	ssyncadd.s32 $0xFFFFFF00  }
0x2a: {  	[spmem:s3] =	stream.indirect.scatter.add.f32 [tilespmem:s26], [sflag:$0x3], $0x40, s28, s24, $0xb8;
	[tilespmem:$0x15C00] =	vst v63  }
0x2b: {  	_ =	swait.ge [sflag:s23], $0x4000  }
0x2c: {  	[sflag:s23] =	ssyncset.done $0x0  }
0x2d: {  	s0 =	simm.s32 $0x1300;
	[sflag:s23] =	ssyncadd.s32 $0xFFFFC000  }
0x2e: {  	[tilespmem:s26], [sflag:$0x2] =	stream.indirect.gather [hbm4b:s2+s24], $0x40, s0, s24, $0xb8;
	[tilespmem:$0x15C00] =	vst v63  }
0x2f: {  	s9 =	smov.u32 s16  }
0x30: {  	[tilespmem:s28], [sflag:$0x2] =	stream.linear.gather [hbm4b:s16+s4], $0x100, $0x38;
	[tilespmem:$0x15C00] =	vst v63  }
.LBB2_10:
0x31: {  	_ =	swait.ge [sflag:s29], $0x4000  }
0x32: {  	[sflag:s29] =	ssyncset.done $0x0  }
0x33: {  	[sflag:s29] =	ssyncadd.s32 $0xFFFFC000  }
0x34: {  	_ =	swait.ge [sflag:s29], $0x100  }
0x35: {  	[sflag:s29] =	ssyncset.done $0x0  }
0x36: {  	[sflag:s29] =	ssyncadd.s32 $0xFFFFFF00  }
0x37: {  	[spmem:s3] =	stream.indirect.scatter.add.f32 [tilespmem:s22], [sflag:$0x3], $0x40, s25, s24, $0xb8;
	[tilespmem:$0x15C00] =	vst v63  }
0x38: {  	_ =	swait.ge [sflag:s23], $0x4000  }
0x39: {  	[sflag:s23] =	ssyncset.done $0x0  }
0x3a: {  	[sflag:s23] =	ssyncadd.s32 $0xFFFFC000  }
0x3b: {  	[tilespmem:s22], [sflag:$0x1] =	stream.indirect.gather [hbm4b:s2+s24], $0x40, s0, s24, $0xb8;
	[tilespmem:$0x15C00] =	vst v63  }
0x3c: {  	_ = 	snop  }
0x3d: {  	[tilespmem:s25], [sflag:$0x1] =	stream.linear.gather [hbm4b:s9+s4], $0x100, $0x38;
	[tilespmem:$0x15C00] =	vst v63  }
0x3e: {  	_ =	swait.ge [sflag:s30], $0x4000  }
0x3f: {  	[sflag:s30] =	ssyncset.done $0x0  }
0x40: {  	[sflag:s30] =	ssyncadd.s32 $0xFFFFC000  }
0x41: {  	_ =	swait.ge [sflag:s30], $0x100  }
0x42: {  	[sflag:s30] =	ssyncset.done $0x0  }
0x43: {  	[sflag:s30] =	ssyncadd.s32 $0xFFFFFF00  }
0x44: {  	[spmem:s3] =	stream.indirect.scatter.add.f32 [tilespmem:s26], [sflag:$0x3], $0x40, s28, s24, $0xb8;
	[tilespmem:$0x15C00] =	vst v63  }
0x45: {  	_ =	swait.ge [sflag:s23], $0x4000  }
0x46: {  	[sflag:s23] =	ssyncset.done $0x0  }
0x47: {  	[sflag:s23] =	ssyncadd.s32 $0xFFFFC000  }
0x48: {  	[tilespmem:s26], [sflag:$0x2] =	stream.indirect.gather [hbm4b:s2+s24], $0x40, s0, s24, $0xb8;
	[tilespmem:$0x15C00] =	vst v63  }
0x49: {  	_ = 	snop  }
0x4a: {  	[tilespmem:s28], [sflag:$0x2] =	stream.linear.gather [hbm4b:s9+s4], $0x100, $0x38;
	[tilespmem:$0x15C00] =	vst v63  }
0x4b: {  	_ =	swait.ge [sflag:s29], $0x4000  }
0x4c: {  	[sflag:s29] =	ssyncset.done $0x0  }
0x4d: {  	[sflag:s29] =	ssyncadd.s32 $0xFFFFC000  }
0x4e: {  	_ =	swait.ge [sflag:s29], $0x100  }
0x4f: {  	[sflag:s29] =	ssyncset.done $0x0  }
0x50: {  	[sflag:s29] =	ssyncadd.s32 $0xFFFFFF00  }
0x51: {  	_ =	swait.ge [sflag:s30], $0x4000  }
0x52: {  	[sflag:s30] =	ssyncset.done $0x0  }
0x53: {  	[sflag:s30] =	ssyncadd.s32 $0xFFFFC000  }
0x54: {  	_ =	swait.ge [sflag:s30], $0x100  }
0x55: {  	s10 =	sshll.u32 s1, $0x6;
	s31 =	sadd.s32 $0x1, s31;
	[sflag:s30] =	ssyncset.done $0x0  }
0x56: {  	s12 =	sshrl.u32 s5, $0x3;
	p1 =	sne.s32 s31, s15;
	[sflag:s30] =	ssyncadd.s32 $0xFFFFFF00  }
.Ltmp1:
0x57: {  	s0 =	sor.u32 $0x1C03, s10;
	[bflag:$0x0] =	sbarrier.arrive $0xFFFF;
	(pc) =	sbr.rel @!p1 .LBB2_11-.Ltmp1, $4  }
0x58: {  	[hbm:s14], [sflag:s0] =	dma.local [spmem:s12], $0x13C0  }
0x59: {  	_ =	swait.ge [sflag:s23], $0x13C0  }
0x5a: {  	[sflag:s23] =	ssyncset.done $0x0  }
0x5b: {  	[sflag:s23] =	ssyncadd.s32 $0xFFFFEC40  }
.LBB2_1:
0x5c: {  	s9 =	simm.s32 $0x100;
	s0 =	simm.s32 $0x0  }
.LBB2_2:
0x5d: {  	p1 =	sne.s32 s9, $0xFF00;
	[tilespmem:s0+$0x3E30] =	vst v0;
	s10 =	smov.u32 s9;
	s9 =	sadd.s32 $0x100, s9  }
.Ltmp2:
0x5e: {  	[tilespmem:s0+$0x3E20] =	vst v0;
	(pc) =	sbr.rel @p1 .LBB2_2-.Ltmp2, $3  }
0x5f: {  	[tilespmem:s0+$0x3E00] =	vst v0  }
0x60: {  	[tilespmem:s0+$0x3E10] =	vst v0;
	_ =	sdelay $0x1  }
0x61: {  	s0 =	sshra.s32 s10, $0x2  }
0x62: {  	[tilespmem:s0+$0x3E30] =	vst v0  }
0x63: {  	[tilespmem:s0+$0x3E20] =	vst v0  }
0x64: {  	[tilespmem:s0+$0x3E00] =	vst v0  }
0x65: {  	[tilespmem:s0+$0x3E10] =	vst v0  }
0x66: {  	[spmem:s5] =	stream.linear.scatter [tilespmem:s22], [sflag:$0x3], $0x4000, $0x38;
	[tilespmem:$0x15C00] =	vst v63  }
0x67: {  	_ =	swait.ge [sflag:s23], $0x4000  }
0x68: {  	[sflag:s23] =	ssyncset.done $0x0  }
0x69: {  	[sflag:s23] =	ssyncadd.s32 $0xFFFFC000  }
0x6a: {  	[spmem:s6] =	stream.linear.scatter [tilespmem:s22], [sflag:$0x3], $0x4000, $0x38;
	[tilespmem:$0x15C00] =	vst v63  }
0x6b: {  	_ =	swait.ge [sflag:s23], $0x4000  }
0x6c: {  	[sflag:s23] =	ssyncset.done $0x0  }
0x6d: {  	[sflag:s23] =	ssyncadd.s32 $0xFFFFC000  }
0x6e: {  	[spmem:s7] =	stream.linear.scatter [tilespmem:s22], [sflag:$0x3], $0x1E00, $0x38;
	[tilespmem:$0x15C00] =	vst v63  }
.Ltmp3:
0x6f: {  	_ =	swait.ge [sflag:s23], $0x1E00;
	(pc) =	sbr.rel @p0 .LBB2_7-.Ltmp3, $3  }
0x70: {  	[sflag:s23] =	ssyncset.done $0x0  }
0x71: {  	[sflag:s23] =	ssyncadd.s32 $0xFFFFE200  }
0x72: {  	[bflag:$0x0] =	sbarrier.arrive $0xFFFF;
	_ =	sdelay $0x1  }
0x73: {  	s0 =	rddreg [dreg:$0x6]  }
0x74: {  	[tilespmem:s4], [sflag:$0x3] =	stream.linear.gather [hbm4b:s0+s4], $0x3C00, $0x38;
	[tilespmem:$0x15C00] =	vst v63  }
0x75: {  	_ =	swait.ge [sflag:s23], $0x3C00  }
0x76: {  	[sflag:s23] =	ssyncset.done $0x0  }
0x77: {  	[sflag:s23] =	ssyncadd.s32 $0xFFFFC400  }
0x78: {  	[tilespmem:s22], [sflag:$0x1] =	stream.indirect.gather [hbm4b:s2+s24], $0x40, s4, s24, $0xb8;
	[tilespmem:$0x15C00] =	vst v63  }
0x79: {  	_ = 	snop  }
0x7a: {  	[tilespmem:s25], [sflag:$0x1] =	stream.linear.gather [hbm4b:s11+s4], $0x100, $0x38;
	[tilespmem:$0x15C00] =	vst v63  }
0x7b: {  	_ = 	snop  }
0x7c: {  	[tilespmem:s26], [sflag:$0x2] =	stream.indirect.gather [hbm4b:s2+s24], $0x40, s24, s24, $0xb8;
	[tilespmem:$0x15C00] =	vst v63  }
0x7d: {  	_ = 	snop  }
0x7e: {  	[tilespmem:s28], [sflag:$0x2] =	stream.linear.gather [hbm4b:s13+s4], $0x100, $0x38;
	[tilespmem:$0x15C00] =	vst v63  }
0x7f: {  	_ =	swait.ge [sflag:s29], $0x4000  }
0x80: {  	[sflag:s29] =	ssyncset.done $0x0  }
0x81: {  	[sflag:s29] =	ssyncadd.s32 $0xFFFFC000  }
0x82: {  	_ =	swait.ge [sflag:s29], $0x100  }
0x83: {  	[sflag:s29] =	ssyncset.done $0x0  }
0x84: {  	[sflag:s29] =	ssyncadd.s32 $0xFFFFFF00  }
0x85: {  	[spmem:s3] =	stream.indirect.scatter.add.f32 [tilespmem:s22], [sflag:$0x3], $0x40, s25, s24, $0xb8;
	[tilespmem:$0x15C00] =	vst v63  }
0x86: {  	_ =	swait.ge [sflag:s23], $0x4000  }
0x87: {  	[sflag:s23] =	ssyncset.done $0x0  }
0x88: {  	s12 =	simm.s32 $0x200;
	s9 =	sadd.s32 $0xFFFFF900, s21;
	[sflag:s23] =	ssyncadd.s32 $0xFFFFC000  }
0x89: {  	[tilespmem:s22], [sflag:$0x1] =	stream.indirect.gather [hbm4b:s2+s24], $0x40, s12, s24, $0xb8;
	[tilespmem:$0x15C00] =	vst v63  }
0x8a: {  	s10 =	sadd.s32 $0x740, s9  }
0x8b: {  	[tilespmem:s25], [sflag:$0x1] =	stream.linear.gather [hbm4b:s10+s4], $0x100, $0x38;
	[tilespmem:$0x15C00] =	vst v63  }
0x8c: {  	_ =	swait.ge [sflag:s30], $0x4000  }
0x8d: {  	[sflag:s30] =	ssyncset.done $0x0  }
0x8e: {  	[sflag:s30] =	ssyncadd.s32 $0xFFFFC000  }
0x8f: {  	_ =	swait.ge [sflag:s30], $0x100  }
0x90: {  	[sflag:s30] =	ssyncset.done $0x0  }
0x91: {  	[sflag:s30] =	ssyncadd.s32 $0xFFFFFF00  }
0x92: {  	[spmem:s3] =	stream.indirect.scatter.add.f32 [tilespmem:s26], [sflag:$0x3], $0x40, s28, s24, $0xb8;
	[tilespmem:$0x15C00] =	vst v63  }
0x93: {  	_ =	swait.ge [sflag:s23], $0x4000  }
0x94: {  	s0 =	simm.s32 $0xFFFFF940;
	s12 =	simm.s32 $0x300;
	[sflag:s23] =	ssyncset.done $0x0  }
0x95: {  	s10 =	sadd.s32 $0x760, s9;
	s9 =	simm.s32 $0x400;
	[sflag:s23] =	ssyncadd.s32 $0xFFFFC000  }
0x96: {  	[tilespmem:s26], [sflag:$0x2] =	stream.indirect.gather [hbm4b:s2+s24], $0x40, s12, s24, $0xb8;
	[tilespmem:$0x15C00] =	vst v63  }
.LBB2_5:
0x97: {  	[tilespmem:s28], [sflag:$0x2] =	stream.linear.gather [hbm4b:s10+s4], $0x100, $0x38;
	[tilespmem:$0x15C00] =	vst v63  }
0x98: {  	s10 =	smov.u32 s0  }
0x99: {  	p1 =	seq.s32 s0, $0xFFFFFFC0;
	s0 =	sadd.s32 $0x40, s0;
	_ =	swait.ge [sflag:s29], $0x4000  }
0x9a: {  	[sflag:s29] =	ssyncset.done $0x0  }
0x9b: {  	[sflag:s29] =	ssyncadd.s32 $0xFFFFC000  }
0x9c: {  	_ =	swait.ge [sflag:s29], $0x100  }
0x9d: {  	[sflag:s29] =	ssyncset.done $0x0  }
0x9e: {  	[sflag:s29] =	ssyncadd.s32 $0xFFFFFF00  }
0x9f: {  	[spmem:s3] =	stream.indirect.scatter.add.f32 [tilespmem:s22], [sflag:$0x3], $0x40, s25, s24, $0xb8;
	[tilespmem:$0x15C00] =	vst v63  }
0xa0: {  	_ =	swait.ge [sflag:s23], $0x4000  }
0xa1: {  	[sflag:s23] =	ssyncset.done $0x0  }
0xa2: {  	s10 =	sadd.s32 s10, s21;
	[sflag:s23] =	ssyncadd.s32 $0xFFFFC000  }
0xa3: {  	[tilespmem:s22], [sflag:$0x1] =	stream.indirect.gather [hbm4b:s2+s24], $0x40, s9, s24, $0xb8;
	[tilespmem:$0x15C00] =	vst v63  }
0xa4: {  	s12 =	sadd.s32 $0x740, s10  }
0xa5: {  	[tilespmem:s25], [sflag:$0x1] =	stream.linear.gather [hbm4b:s12+s4], $0x100, $0x38;
	[tilespmem:$0x15C00] =	vst v63  }
0xa6: {  	_ =	swait.ge [sflag:s30], $0x4000  }
0xa7: {  	[sflag:s30] =	ssyncset.done $0x0  }
0xa8: {  	[sflag:s30] =	ssyncadd.s32 $0xFFFFC000  }
0xa9: {  	_ =	swait.ge [sflag:s30], $0x100  }
0xaa: {  	[sflag:s30] =	ssyncset.done $0x0  }
0xab: {  	[sflag:s30] =	ssyncadd.s32 $0xFFFFFF00  }
0xac: {  	[spmem:s3] =	stream.indirect.scatter.add.f32 [tilespmem:s26], [sflag:$0x3], $0x40, s28, s24, $0xb8;
	[tilespmem:$0x15C00] =	vst v63  }
.Ltmp4:
0xad: {  	_ =	swait.ge [sflag:s23], $0x4000;
	(pc) =	sbr.rel @!p1 .LBB2_5-.Ltmp4, $4  }
0xae: {  	[sflag:s23] =	ssyncset.done $0x0  }
0xaf: {  	s12 =	sadd.s32 $0x100, s9;
	[sflag:s23] =	ssyncadd.s32 $0xFFFFC000  }
0xb0: {  	[tilespmem:s26], [sflag:$0x2] =	stream.indirect.gather [hbm4b:s2+s24], $0x40, s12, s24, $0xb8;
	[tilespmem:$0x15C00] =	vst v63  }
0xb1: {  	s10 =	sadd.s32 $0x760, s10;
	s9 =	sadd.s32 $0x200, s9  }
0xb2: {  	[tilespmem:s28], [sflag:$0x2] =	stream.linear.gather [hbm4b:s10+s4], $0x100, $0x38;
	[tilespmem:$0x15C00] =	vst v63  }
0xb3: {  	_ =	swait.ge [sflag:s29], $0x4000  }
0xb4: {  	[sflag:s29] =	ssyncset.done $0x0  }
0xb5: {  	[sflag:s29] =	ssyncadd.s32 $0xFFFFC000  }
0xb6: {  	_ =	swait.ge [sflag:s29], $0x100  }
0xb7: {  	[sflag:s29] =	ssyncset.done $0x0  }
0xb8: {  	[sflag:s29] =	ssyncadd.s32 $0xFFFFFF00  }
0xb9: {  	[spmem:s3] =	stream.indirect.scatter.add.f32 [tilespmem:s22], [sflag:$0x3], $0x40, s25, s24, $0xb8;
	[tilespmem:$0x15C00] =	vst v63  }
0xba: {  	_ =	swait.ge [sflag:s23], $0x4000  }
0xbb: {  	[sflag:s23] =	ssyncset.done $0x0  }
0xbc: {  	s0 =	simm.s32 $0x3A00;
	[sflag:s23] =	ssyncadd.s32 $0xFFFFC000  }
0xbd: {  	[tilespmem:s22], [sflag:$0x1] =	stream.indirect.gather [hbm4b:s2+s24], $0x40, s0, s24, $0xb8;
	[tilespmem:$0x15C00] =	vst v63  }
0xbe: {  	_ = 	snop  }
0xbf: {  	[tilespmem:s25], [sflag:$0x1] =	stream.linear.gather [hbm4b:s19+s4], $0x100, $0x38;
	[tilespmem:$0x15C00] =	vst v63  }
0xc0: {  	_ =	swait.ge [sflag:s30], $0x4000  }
0xc1: {  	[sflag:s30] =	ssyncset.done $0x0  }
0xc2: {  	[sflag:s30] =	ssyncadd.s32 $0xFFFFC000  }
0xc3: {  	_ =	swait.ge [sflag:s30], $0x100  }
0xc4: {  	[sflag:s30] =	ssyncset.done $0x0  }
0xc5: {  	[sflag:s30] =	ssyncadd.s32 $0xFFFFFF00  }
0xc6: {  	[spmem:s3] =	stream.indirect.scatter.add.f32 [tilespmem:s26], [sflag:$0x3], $0x40, s28, s24, $0xb8;
	[tilespmem:$0x15C00] =	vst v63  }
0xc7: {  	_ =	swait.ge [sflag:s23], $0x4000  }
.Ltmp5:
0xc8: {  	[sflag:s23] =	ssyncset.done $0x0;
	(pc) =	sbr.rel .LBB2_10-.Ltmp5, $4  }
0xc9: {  	s0 =	simm.s32 $0x3B00;
	[sflag:s23] =	ssyncadd.s32 $0xFFFFC000  }
0xca: {  	[tilespmem:s26], [sflag:$0x2] =	stream.indirect.gather [hbm4b:s2+s24], $0x40, s0, s24, $0xb8;
	[tilespmem:$0x15C00] =	vst v63  }
0xcb: {  	s9 =	smov.u32 s17  }
0xcc: {  	[tilespmem:s28], [sflag:$0x2] =	stream.linear.gather [hbm4b:s17+s4], $0x100, $0x38;
	[tilespmem:$0x15C00] =	vst v63  }
.LBB2_7:
0xcd: {  	s0 =	rddreg [dreg:$0x4]  }
0xce: {  	[tilespmem:s4], [sflag:$0x3] =	stream.linear.gather [hbm4b:s0+s4], $0x1400, $0x38;
	[tilespmem:$0x15C00] =	vst v63  }
0xcf: {  	_ =	swait.ge [sflag:s23], $0x1400  }
0xd0: {  	[sflag:s23] =	ssyncset.done $0x0  }
0xd1: {  	[sflag:s23] =	ssyncadd.s32 $0xFFFFEC00  }
0xd2: {  	[tilespmem:s22], [sflag:$0x1] =	stream.indirect.gather [hbm4b:s2+s24], $0x40, s4, s24, $0xb8;
	[tilespmem:$0x15C00] =	vst v63  }
0xd3: {  	_ = 	snop  }
0xd4: {  	[tilespmem:s25], [sflag:$0x1] =	stream.linear.gather [hbm4b:s8+s4], $0x100, $0x38;
	[tilespmem:$0x15C00] =	vst v63  }
0xd5: {  	_ = 	snop  }
0xd6: {  	[tilespmem:s26], [sflag:$0x2] =	stream.indirect.gather [hbm4b:s2+s24], $0x40, s24, s24, $0xb8;
	[tilespmem:$0x15C00] =	vst v63  }
0xd7: {  	s10 =	rddreg [dreg:$0x5]  }
0xd8: {  	[tilespmem:s28], [sflag:$0x2] =	stream.linear.gather [hbm4b:s10+s4], $0x100, $0x38;
	[tilespmem:$0x15C00] =	vst v63  }
0xd9: {  	_ =	swait.ge [sflag:s29], $0x4000  }
0xda: {  	[sflag:s29] =	ssyncset.done $0x0  }
0xdb: {  	[sflag:s29] =	ssyncadd.s32 $0xFFFFC000  }
0xdc: {  	_ =	swait.ge [sflag:s29], $0x100  }
0xdd: {  	[sflag:s29] =	ssyncset.done $0x0  }
0xde: {  	[sflag:s29] =	ssyncadd.s32 $0xFFFFFF00  }
0xdf: {  	[spmem:s3] =	stream.indirect.scatter.add.f32 [tilespmem:s22], [sflag:$0x3], $0x40, s25, s24, $0xb8;
	[tilespmem:$0x15C00] =	vst v63  }
0xe0: {  	_ =	swait.ge [sflag:s23], $0x4000  }
0xe1: {  	[sflag:s23] =	ssyncset.done $0x0  }
0xe2: {  	s12 =	simm.s32 $0x200;
	s9 =	sadd.s32 $0xFFFFFE00, s20;
	[sflag:s23] =	ssyncadd.s32 $0xFFFFC000  }
0xe3: {  	[tilespmem:s22], [sflag:$0x1] =	stream.indirect.gather [hbm4b:s2+s24], $0x40, s12, s24, $0xb8;
	[tilespmem:$0x15C00] =	vst v63  }
0xe4: {  	s10 =	sadd.s32 $0x240, s9  }
0xe5: {  	[tilespmem:s25], [sflag:$0x1] =	stream.linear.gather [hbm4b:s10+s4], $0x100, $0x38;
	[tilespmem:$0x15C00] =	vst v63  }
0xe6: {  	_ =	swait.ge [sflag:s30], $0x4000  }
0xe7: {  	[sflag:s30] =	ssyncset.done $0x0  }
0xe8: {  	[sflag:s30] =	ssyncadd.s32 $0xFFFFC000  }
0xe9: {  	_ =	swait.ge [sflag:s30], $0x100  }
0xea: {  	[sflag:s30] =	ssyncset.done $0x0  }
0xeb: {  	[sflag:s30] =	ssyncadd.s32 $0xFFFFFF00  }
0xec: {  	[spmem:s3] =	stream.indirect.scatter.add.f32 [tilespmem:s26], [sflag:$0x3], $0x40, s28, s24, $0xb8;
	[tilespmem:$0x15C00] =	vst v63  }
0xed: {  	_ =	swait.ge [sflag:s23], $0x4000  }
0xee: {  	s0 =	simm.s32 $0xFFFFFE40;
	s12 =	simm.s32 $0x300;
	[sflag:s23] =	ssyncset.done $0x0  }
0xef: {  	s10 =	sadd.s32 $0x260, s9;
	s9 =	simm.s32 $0x400;
	[sflag:s23] =	ssyncadd.s32 $0xFFFFC000  }
0xf0: {  	[tilespmem:s26], [sflag:$0x2] =	stream.indirect.gather [hbm4b:s2+s24], $0x40, s12, s24, $0xb8;
	[tilespmem:$0x15C00] =	vst v63  }
.LBB2_8:
0xf1: {  	[tilespmem:s28], [sflag:$0x2] =	stream.linear.gather [hbm4b:s10+s4], $0x100, $0x38;
	[tilespmem:$0x15C00] =	vst v63  }
0xf2: {  	s10 =	smov.u32 s0  }
0xf3: {  	p1 =	seq.s32 s0, $0xFFFFFFC0;
	s0 =	sadd.s32 $0x40, s0;
	_ =	swait.ge [sflag:s29], $0x4000  }
0xf4: {  	[sflag:s29] =	ssyncset.done $0x0  }
0xf5: {  	[sflag:s29] =	ssyncadd.s32 $0xFFFFC000  }
0xf6: {  	_ =	swait.ge [sflag:s29], $0x100  }
0xf7: {  	[sflag:s29] =	ssyncset.done $0x0  }
0xf8: {  	[sflag:s29] =	ssyncadd.s32 $0xFFFFFF00  }
0xf9: {  	[spmem:s3] =	stream.indirect.scatter.add.f32 [tilespmem:s22], [sflag:$0x3], $0x40, s25, s24, $0xb8;
	[tilespmem:$0x15C00] =	vst v63  }
0xfa: {  	_ =	swait.ge [sflag:s23], $0x4000  }
0xfb: {  	[sflag:s23] =	ssyncset.done $0x0  }
0xfc: {  	s10 =	sadd.s32 s10, s20;
	[sflag:s23] =	ssyncadd.s32 $0xFFFFC000  }
0xfd: {  	[tilespmem:s22], [sflag:$0x1] =	stream.indirect.gather [hbm4b:s2+s24], $0x40, s9, s24, $0xb8;
	[tilespmem:$0x15C00] =	vst v63  }
0xfe: {  	s12 =	sadd.s32 $0x240, s10  }
0xff: {  	[tilespmem:s25], [sflag:$0x1] =	stream.linear.gather [hbm4b:s12+s4], $0x100, $0x38;
	[tilespmem:$0x15C00] =	vst v63  }
0x100: {  	_ =	swait.ge [sflag:s30], $0x4000  }
0x101: {  	[sflag:s30] =	ssyncset.done $0x0  }
0x102: {  	[sflag:s30] =	ssyncadd.s32 $0xFFFFC000  }
0x103: {  	_ =	swait.ge [sflag:s30], $0x100  }
0x104: {  	[sflag:s30] =	ssyncset.done $0x0  }
0x105: {  	[sflag:s30] =	ssyncadd.s32 $0xFFFFFF00  }
0x106: {  	[spmem:s3] =	stream.indirect.scatter.add.f32 [tilespmem:s26], [sflag:$0x3], $0x40, s28, s24, $0xb8;
	[tilespmem:$0x15C00] =	vst v63  }
.Ltmp6:
0x107: {  	_ =	swait.ge [sflag:s23], $0x4000;
	(pc) =	sbr.rel @!p1 .LBB2_8-.Ltmp6, $4  }
0x108: {  	[sflag:s23] =	ssyncset.done $0x0  }
0x109: {  	s12 =	sadd.s32 $0x100, s9;
	[sflag:s23] =	ssyncadd.s32 $0xFFFFC000  }
0x10a: {  	[tilespmem:s26], [sflag:$0x2] =	stream.indirect.gather [hbm4b:s2+s24], $0x40, s12, s24, $0xb8;
	[tilespmem:$0x15C00] =	vst v63  }
0x10b: {  	s10 =	sadd.s32 $0x260, s10;
	s9 =	sadd.s32 $0x200, s9  }
.Ltmp7:
0x10c: {  	_ = 	snop;
	(pc) =	sbr.rel .LBB2_9-.Ltmp7, $1  }
0x10d: {  	_ =	sdelay $0x3  }
.LBB2_11:
0x10e: {  	_ =	sfence.sel $0x180000  }
0x10f: {  	[bflag:$0x0] =	sbarrier.arrive $0xFFFF  }
0x110: {  	_ =	strace $0x9000004A  }
0x111: {  	[bflag:$0x2] =	sbarrier.arrive $0xFFFF  }
0x112: {  	p0 =	sne.s32 s1, $0x0;
	s0 =	rddreg [dreg:$0x3]  }
0x113: {  	s0 =	sadd.s32 @!p0 $0x100000, s0  }
0x114: {  	[sflag:s0] =	ssyncadd.tile.s32 @!p0 $0x1;
	_ =	shalt  }
.Lfunc_end2:
_tile_overlayer_lowered:
.L_overlay_start_2:
0x115: {  	(tag) =	ssettag $0x2  }
0x116: {  	s0 =	rddreg [dreg:$0x0];
	s2 =	stileid.u32  }
0x117: {  	s1 =	rddreg [dreg:$0x1];
	p0 =	sne.s32 s2, $0x0  }
0x118: {  	s3 =	rddreg [dreg:$0x2];
	[bflag:$0x3] =	sbarrier.arrive $0xFFFF;
	s2 =	simm.s32 @!p0 $0x1C03  }
0x119: {  	[timem:s3], [sflag:s2] =	dma.local @!p0 [hbm:s0], s1  }
0x11a: {  	s0 =	simm.s32 @!p0 $0x3  }
0x11b: {  	_ =	swait.ge @!p0 [sflag:s0], s1  }
0x11c: {  	s1 =	ssub.s32 @!p0 $0x0, s1;
	[sflag:s0] =	ssyncset.done @!p0 $0x0  }
0x11d: {  	[sflag:s0] =	ssyncadd.s32 @!p0 s1  }
0x11e: {  	[bflag:$0x3] =	sbarrier.arrive $0xFFFF  }
0x11f: {  	_ =	shalt  }

// kernel: kernel.7.cloned.1.call-start
scs
__scs_entry_jumppad:
0x0: {  	(pc) =	sbr.rel $0x88, $3  }
0x1: {  	(tag) =	ssettag $0x0;
	lr =	simm.s32 $0x1  }
0x2: {  	[smem:$0x3F99] =	sst lr;
	_ =	strace $0xD0000000  }
0x3: {  	_ = 	snop  }
0x4: {  	_ = 	snop  }
0x5: {  	_ = 	snop  }
0x6: {  	_ = 	snop  }
0x7: {  	_ = 	snop  }
__scs_overlays_trampoline_lowered:
0x8: {  	[smem:$0x3FA8] =	sst s0  }
0x9: {  	[smem:$0x3FA9] =	sst s1  }
0xa: {  	[smem:$0x3FAA] =	sst s2  }
0xb: {  	[smem:$0x3FAB] =	sst s3  }
0xc: {  	[smem:$0x3FAC] =	sst s4  }
0xd: {  	[smem:$0x3FAD] =	sst s5  }
0xe: {  	[smem:$0x3FAE] =	sst s6  }
0xf: {  	[smem:$0x3FAF] =	sst s7  }
0x10: {  	[smem:$0x3FB0] =	sst s8  }
0x11: {  	[smem:$0x3FB1] =	sst s9;
	s0 =	simm.s32 @!p0 $0x0  }
0x12: {  	s1 =	sld [smem:$0x3F97];
	s0 =	simm.s32 @p0 $0x1  }
0x13: {  	[smem:$0x3FB2] =	sst s0;
	s0 =	simm.s32 @!p1 $0x0  }
0x14: {  	s2 =	sld [smem:$0x3F96];
	s0 =	simm.s32 @p1 $0x1  }
0x15: {  	[smem:$0x3FB3] =	sst s0;
	s0 =	simm.s32 @!p2 $0x0  }
0x16: {  	s3 =	sld [smem:$0x3FDB];
	s0 =	simm.s32 @p2 $0x1  }
0x17: {  	s4 =	simm.s32 $0x1BF5;
	[smem:$0x3FB5] =	sst s0  }
0x18: {  	s0 =	sld [smem:$0x3F98];
	_ =	swait.ge [sflag:s4], $0x0  }
0x19: {  	s7 =	sld [smem:$0x3F99]  }
0x1a: {  	s8 =	sadd.s32 $0xFFFFE003, lr  }
0x1b: {  	s9 =	sadd.s32 $0xFFFFFEF7, lr;
	s5 =	simm.s32 $0xFFFFFFFF;
	p2 =	slt.u32 s8, $0xFFFFF086  }
0x1c: {  	p1 =	slt.u32 s9, $0xF7A;
	s5 =	simm.s32 @!p2 $0x0  }
0x1d: {  	s5 =	simm.s32 @p1 $0x1;
	p0 =	seq.s32 s7, s2  }
0x1e: {  	s7 =	smul.u32 @!p0 $0xF7A, s2;
	p2 =	seq.s32 @!p0 s5, $0x0  }
0x1f: {  	s9 =	smul.u32 $0xF7A, s1;
	s8 =	simm.s32 @!p0 $0x1BF5;
	p2 =	por !p2, p0  }
0x20: {  	[sflag:s8] =	ssyncset.s32 @!p0 $0xFFFFF086;
	s6 =	sadd.s32 @!p0 s3, s7;
	s7 =	simm.s32 @!p0 $0x108  }
0x21: {  	s3 =	sadd.s32 s3, s9;
	s6 =	sadd.s32 @!p0 $0x88, s6;
	s7 =	simm.s32 @p2 $0x1082  }
0x22: {  	[simem:s7], [sflag:s8] =	dma.local @!p0 [hbm:s6], $0xF7A  }
0x23: {  	s9 =	sor.u32 $0xD0000000, s2;
	s6 =	simm.s32 $0x108;
	_ =	swait.ge @!p0 [sflag:s8], $0x0  }
0x24: {  	s3 =	sadd.s32 $0x88, s3;
	s6 =	simm.s32 @!p1 $0x1082;
	[sflag:s4] =	ssyncset.s32 $0xFFFFF086  }
0x25: {  	[simem:s6], [sflag:s4] =	dma.local [hbm:s3], $0xF7A  }
0x26: {  	[smem:$0x3F99] =	sst s1;
	(tag) =	ssettag s2;
	_ =	strace s9  }
0x27: {  	s1 =	sld [smem:$0x3FA9]  }
0x28: {  	s2 =	sld [smem:$0x3FAA]  }
0x29: {  	s4 =	sld [smem:$0x3FAC]  }
0x2a: {  	p0 =	seq.s32 s5, $0x0;
	s5 =	sld [smem:$0x3FAD]  }
0x2b: {  	s6 =	sld [smem:$0x3FAE]  }
0x2c: {  	s7 =	sld [smem:$0x3FAF]  }
0x2d: {  	s3 =	simm.s32 $0x108;
	s8 =	sld [smem:$0x3FB0]  }
0x2e: {  	s3 =	simm.s32 @!p0 $0x1082;
	s9 =	sld [smem:$0x3FB1]  }
0x2f: {  	lr =	sadd.s32 s0, s3;
	s0 =	sld [smem:$0x3FA8]  }
0x30: {  	s3 =	sld [smem:$0x3FAB]  }
0x31: {  	[smem:$0x3FB4] =	sst s10  }
0x32: {  	s10 =	sld [smem:$0x3FB2];
	_ =	sdelay $0x3  }
0x33: {  	p0 =	seq.s32 s10, $0x1;
	s10 =	sld [smem:$0x3FB4];
	_ =	sdelay $0x3  }
0x34: {  	[smem:$0x3FB4] =	sst s10  }
0x35: {  	s10 =	sld [smem:$0x3FB3];
	_ =	sdelay $0x3  }
0x36: {  	p1 =	seq.s32 s10, $0x1;
	s10 =	sld [smem:$0x3FB4];
	_ =	sdelay $0x3  }
0x37: {  	[smem:$0x3FB4] =	sst s10  }
0x38: {  	s10 =	sld [smem:$0x3FB5]  }
0x39: {  	_ = 	snop;
	(pc) =	sbr.ind lr, $3  }
0x3a: {  	_ = 	snop  }
0x3b: {  	_ = 	snop  }
0x3c: {  	p2 =	seq.s32 s10, $0x1;
	s10 =	sld [smem:$0x3FB4]  }
0x3d: {  	_ =	shalt  }
0x3e: {  	_ =	shalt  }
0x3f: {  	_ =	shalt  }
0x40: {  	_ =	shalt  }
0x41: {  	_ =	shalt  }
0x42: {  	_ =	shalt  }
0x43: {  	_ =	shalt  }
0x44: {  	_ =	shalt  }
0x45: {  	_ =	shalt  }
0x46: {  	_ =	shalt  }
0x47: {  	_ =	shalt  }
0x48: {  	_ =	shalt  }
0x49: {  	_ =	shalt  }
0x4a: {  	_ =	shalt  }
0x4b: {  	_ =	shalt  }
0x4c: {  	_ =	shalt  }
0x4d: {  	_ =	shalt  }
0x4e: {  	_ =	shalt  }
0x4f: {  	_ =	shalt  }
0x50: {  	_ =	shalt  }
0x51: {  	_ =	shalt  }
0x52: {  	_ =	shalt  }
0x53: {  	_ =	shalt  }
0x54: {  	_ =	shalt  }
0x55: {  	_ =	shalt  }
0x56: {  	_ =	shalt  }
0x57: {  	_ =	shalt  }
0x58: {  	_ =	shalt  }
0x59: {  	_ =	shalt  }
0x5a: {  	_ =	shalt  }
0x5b: {  	_ =	shalt  }
0x5c: {  	_ =	shalt  }
0x5d: {  	_ =	shalt  }
0x5e: {  	_ =	shalt  }
0x5f: {  	_ =	shalt  }
0x60: {  	_ =	shalt  }
0x61: {  	_ =	shalt  }
0x62: {  	_ =	shalt  }
0x63: {  	_ =	shalt  }
0x64: {  	_ =	shalt  }
0x65: {  	_ =	shalt  }
0x66: {  	_ =	shalt  }
0x67: {  	_ =	shalt  }
0x68: {  	_ =	shalt  }
0x69: {  	_ =	shalt  }
0x6a: {  	_ =	shalt  }
0x6b: {  	_ =	shalt  }
0x6c: {  	_ =	shalt  }
0x6d: {  	_ =	shalt  }
0x6e: {  	_ =	shalt  }
0x6f: {  	_ =	shalt  }
0x70: {  	_ =	shalt  }
0x71: {  	_ =	shalt  }
0x72: {  	_ =	shalt  }
0x73: {  	_ =	shalt  }
0x74: {  	_ =	shalt  }
0x75: {  	_ =	shalt  }
0x76: {  	_ =	shalt  }
0x77: {  	_ =	shalt  }
0x78: {  	_ =	shalt  }
0x79: {  	_ =	shalt  }
0x7a: {  	_ =	shalt  }
0x7b: {  	_ =	shalt  }
0x7c: {  	_ =	shalt  }
0x7d: {  	_ =	shalt  }
0x7e: {  	_ =	shalt  }
0x7f: {  	_ =	shalt  }
0x80: {  	_ =	shalt  }
0x81: {  	_ =	shalt  }
0x82: {  	_ =	shalt  }
0x83: {  	_ =	shalt  }
0x84: {  	_ =	shalt  }
0x85: {  	_ =	shalt  }
0x86: {  	_ =	shalt  }
0x87: {  	_ =	shalt  }
.Lfunc_end0:
.L_simem_size_0:
called_computation_lowered:
.L_overlay_start_0:
0x88: {  	s2 =	sld [smem:$0x3FD9]  }
0x89: {  	s3 =	sld [smem:$0x3FFE];
	_ =	sdelay $0x1  }
0x8a: {  	s1 =	srdreg.scid  }
0x8b: {  	s0 =	sand.u32 $0x1, s1  }
0x8c: {  	s17 =	sshll.u32 s0, $0xA;
	s2 =	sadd.s32 s3, s2  }
0x8d: {  	s2 =	sadd.s32 s2, s17  }
0x8e: {  	[smem:$0x3FC0] =	sst s2  }
0x8f: {  	_ = 	snop  }
0x90: {  	s2 =	sld [smem:$0x3FD0];
	(tm) =	ssettm $0x1  }
0x91: {  	s18 =	sld [smem:$0x3FFB];
	_ =	sdelay $0x3  }
0x92: {  	_ =	strace s18  }
0x93: {  	s3 =	sld [smem:$0x3FFC];
	_ =	sdelay $0x3  }
0x94: {  	_ =	strace s3  }
0x95: {  	s3 =	sld [smem:$0x3FFD];
	_ =	sdelay $0x3  }
0x96: {  	_ =	strace s3  }
0x97: {  	_ =	strace $0x8FFFFFFF  }
0x98: {  	s19 =	sld [smem:$0x3FDB];
	_ =	sdelay $0x1  }
0x99: {  	s4 =	simm.s32 $_scs_section_size  }
0x9a: {  	s5 =	simm.s32 $_size__tile_overlayer_lowered;
	s6 =	simm.s32 $_tile_overlayer_lowered  }
0x9b: {  	s22 =	simm.s32 $0x1BFF;
	s21 =	sshll.u32 s6, $0x1;
	s3 =	sadd.s32 s4, s19  }
0x9c: {  	s7 =	simm.s32 $0x0;
	s20 =	sshll.u32 s5, $0x1;
	s5 =	sadd.s32 s21, s3  }
0x9d: {  	[timem:s7], [sflag:s22] =	dma.local [hbm:s5], s20  }
0x9e: {  	_ =	swait.ge [sflag:s22], s20  }
0x9f: {  	s4 =	ssub.s32 $0x0, s20;
	[sflag:s22] =	ssyncset.done $0x0  }
0xa0: {  	[sflag:s22] =	ssyncadd.s32 s4;
	_ =	sdelay $0x1  }
0xa1: {  	s23 =	simm.s32 $0x1B8B  }
0xa2: {  	_ =	swait.ge [sflag:s23], $0x1  }
0xa3: {  	[sflag:s23] =	ssyncset.done $0x0  }
0xa4: {  	s25 =	simm.s32 $0x1B8E;
	s24 =	sld [smem:$0x3FFE];
	[sflag:s23] =	ssyncadd.s32 $0xFFFFFFFF  }
0xa5: {  	s26 =	simm.s32 $execute0_lowered;
	[smem:$0x3FD2] =	sst s25  }
0xa6: {  	s5 =	sshll.u32 s26, $0x1;
	_ =	strace $0x80000046;
	[dreg:$0x1] =	wrdreg $0xFFFFFFFF  }
0xa7: {  	s28 =	simm.s32 $_size_execute0_lowered;
	s3 =	sadd.s32 s3, s5;
	[dreg:$0x0] =	wrdreg $0x0  }
0xa8: {  	s5 =	sshll.u32 s28, $0x1;
	[dreg:$0x2] =	wrdreg s3  }
0xa9: {  	[dreg:$0x3] =	wrdreg s5  }
0xaa: {  	[dreg:$0x4] =	wrdreg $0xC0  }
0xab: {  	_ =	task [dreg:s7], $0x5FFFF  }
0xac: {  	[dreg:$0x1] =	wrdreg $0xFFFFFFFF  }
0xad: {  	[dreg:$0x0] =	wrdreg $0x60  }
0xae: {  	[dreg:$0x2] =	wrdreg s24  }
0xaf: {  	[dreg:$0x3] =	wrdreg s2  }
0xb0: {  	[dreg:$0x4] =	wrdreg $0x1F9000  }
0xb1: {  	[dreg:$0x5] =	wrdreg $0xBD000  }
0xb2: {  	[dreg:$0x6] =	wrdreg $0x9  }
0xb3: {  	_ =	task.clear_ibuf [dreg:s7], $0x7FFFF;
	_ =	strace $0x90000046  }
0xb4: {  	s29 =	simm.s32 $0x9;
	_ =	strace $0x80000048  }
0xb5: {  	_ =	swait.ge [sflag:s29], $0x1  }
0xb6: {  	[sflag:s29] =	ssyncadd.s32 $0xFFFFFFFF  }
0xb7: {  	_ =	strace $0x90000048  }
0xb8: {  	_ =	sfence  }
0xb9: {  	s30 =	sld [smem:$0x0];
	_ =	sdelay $0x2  }
0xba: {  	s31 =	sshll.u32 s1, $0xD;
	s1 =	sshrl.u32 s1, $0x2  }
0xbb: {  	s3 =	sand.u32 $0x4000, s31;
	s1 =	sadd.s32 s1, s30  }
0xbc: {  	s0 =	sor.u32 s3, s0;
	s1 =	sshll.u32 s1, $0x11  }
0xbd: {  	s0 =	sor.u32 s1, s0  }
0xbe: {  	s0 =	sadd.s32 $0x8F2B, s0  }
0xbf: {  	[sflag:s0] =	ssyncadd.remote.s32 $0x1  }
0xc0: {  	_ =	sfence.sel $0xFFFF  }
0xc1: {  	[dreg:$0x0] =	wrdreg $0xFFFFFFFF;
	(pc) =	sbr.abs _section_cstart, $3  }
0xc2: {  	[dreg:$0x1] =	wrdreg $0xFFFFFFFF  }
0xc3: {  	_ =	task.clear_ibuf [dreg:s7], $0x2FFFF;
	_ =	strace $0x9FFFFFFF  }
0xc4: {  	(tm) =	ssettm $0x7FFFFFFF  }
0xc5: {  	_ =	shalt  }
tec
execute0_lowered:
.L_overlay_start_1:
0x0: {  	(tag) =	ssettag $0x1  }
0x1: {  	s0 =	rddreg [dreg:$0x0]  }
0x2: {  	s1 =	rddreg [dreg:$0x1]  }
0x3: {  	s2 =	rddreg [dreg:$0x2]  }
0x4: {  	s3 =	rddreg [dreg:$0x3];
	s21 =	stileid.u32  }
0x5: {  	s5 =	srdreg.scid;
	s4 =	simm.s32 $0x0;
	s6 =	smul.u32 $0x3C00, s21  }
0x6: {  	s29 =	simm.s32 $0x3;
	s30 =	simm.s32 $0x3D00;
	s7 =	smul.u32 $0x13C00, s21  }
0x7: {  	s31 =	simm.s32 $0x80;
	s28 =	simm.s32 $0x3C80;
	s9 =	smul.u32 $0x278, s21  }
0x8: {  	s12 =	sand.u32 $0x1, s5;
	[smem:$0x7FF] =	sst s4;
	s11 =	smul.u32 $0x4F000, s21  }
0x9: {  	s5 =	sadd.s32 $0x13200, s0;
	s16 =	sadd.s32 $0x1C00, s0;
	s26 =	smul.u32 $0x1300, s21  }
0xa: {  	s17 =	sadd.s32 $0x10C00, s0;
	s8 =	smul.u32 $0x13C000, s12;
	_ =	strace $0x80000047  }
0xb: {  	s23 =	smul.u32 $0x2780, s12;
	s10 =	ssub.s32 $0x2, s12;
	p0 =	sne.s32 s12, $0x0  }
0xc: {  	s13 =	sshrl.u32 s6, $0x3;
	s24 =	sshrl.u32 s10, $0x1;
	s25 =	sshrl.u32 s11, $0x2  }
0xd: {  	s15 =	sshrl.u32 s26, $0x3;
	s14 =	sadd.s32 s13, s0;
	s8 =	sadd.s32 s7, s8  }
0xe: {  	s6 =	sadd.s32 s9, s23;
	s20 =	ssub.s32 s10, s24;
	s7 =	sadd.s32 s7, s3  }
0xf: {  	s11 =	sadd.s32 s25, s3;
	s25 =	sadd.s32 s17, s15;
	s23 =	smul.u32 $0x260, s21  }
0x10: {  	s1 =	sadd.s32 s1, s15;
	s13 =	sadd.s32 s16, s13;
	s24 =	smul.u32 $0x780, s21  }
0x11: {  	s8 =	sshrl.u32 s8, $0x3;
	s6 =	sshrl.u32 s6, $0x3;
	s10 =	sadd.s32 $0xC000, s11  }
0x12: {  	[dreg:$0x6] =	wrdreg s1;
	s15 =	sadd.s32 $0x10, s25;
	s19 =	sadd.s32 $0x9400, s14  }
0x13: {  	s22 =	sadd.s32 $0x10, s13;
	s20 =	smax.u32 s20, $0x1;
	[dreg:$0x5] =	wrdreg s25  }
0x14: {  	[dreg:$0x8] =	wrdreg s13;
	s26 =	sadd.s32 $0x760, s13;
	s14 =	simm.s32 $0x1  }
0x15: {  	s18 =	sadd.s32 s8, s0;
	s0 =	sadd.s32 s6, s0;
	[dreg:$0x7] =	wrdreg s15  }
0x16: {  	s6 =	sadd.s32 s9, s2;
	s8 =	sadd.s32 $0x4000, s11;
	[dreg:$0x9] =	wrdreg s19  }
0x17: {  	s9 =	sadd.s32 $0x8000, s11;
	s11 =	sadd.s32 $0x10000, s11;
	[dreg:$0xa] =	wrdreg s22  }
.Ltmp0:
0x18: {  	s21 =	sadd.s32 s23, s17;
	s22 =	sadd.s32 $0x250, s25;
	(pc) =	sbr.rel .LBB2_1-.Ltmp0, $4  }
0x19: {  	s23 =	sadd.s32 s24, s16;
	s24 =	sadd.s32 $0x770, s13;
	s25 =	sadd.s32 $0x240, s25  }
0x1a: {  	[dreg:$0xc] =	wrdreg s26;
	s13 =	simm.s32 $0x7D00;
	s16 =	simm.s32 $0x1FDF8  }
0x1b: {  	s17 =	simm.s32 $0x2;
	s18 =	sadd.s32 $0x3AE00, s18;
	s19 =	sadd.s32 $0x3A400, s0  }
0x1c: {  	v0 =	vimm.f32 $0.0e+00;
	v1 =	vimm.f32 $1.000000000e+00;
	[dreg:$0xb] =	wrdreg s25;
	s0 =	simm.s32 $0x3C00;
	s25 =	simm.s32 $0x0  }
.LBB2_9:
0x1d: {  	[tilespmem:s28], [sflag:$0x2] =	stream.linear.gather [hbm4b:s12+s4], $0x80, $0x38;
	[tilespmem:$0x1FE78] =	vst v63  }
0x1e: {  	_ =	swait.ge [sflag:s14], $0x4000  }
0x1f: {  	[sflag:s14] =	ssyncset.done $0x0  }
0x20: {  	[sflag:s14] =	ssyncadd.s32 $0xFFFFC000  }
0x21: {  	_ =	swait.ge [sflag:s14], $0x80  }
0x22: {  	[sflag:s14] =	ssyncset.done $0x0  }
0x23: {  	[sflag:s14] =	ssyncadd.s32 $0xFFFFFF80  }
0x24: {  	[spmem:s3] =	stream.indirect.scatter.add.f32 [tilespmem:s30], [sflag:$0x3], $0x80, s0, s31, $0xb8;
	[tilespmem:$0x1FE78] =	vst v63  }
0x25: {  	_ =	swait.ge [sflag:s29], $0x4000  }
0x26: {  	[sflag:s29] =	ssyncset.done $0x0  }
0x27: {  	[sflag:s29] =	ssyncadd.s32 $0xFFFFC000  }
0x28: {  	[spmem:s2] =	stream.indirect.scatter.add.f32 [tilespmem:s16], [sflag:$0x3], $0x1, s0, s31, $0xb8;
	[tilespmem:$0x1FE78] =	vst v63  }
0x29: {  	_ =	swait.ge [sflag:s29], $0x80  }
0x2a: {  	[sflag:s29] =	ssyncset.done $0x0  }
0x2b: {  	s1 =	simm.s32 $0x1200;
	[sflag:s29] =	ssyncadd.s32 $0xFFFFFF80  }
0x2c: {  	[tilespmem:s30], [sflag:$0x1] =	stream.indirect.gather [hbm4b:s5+s31], $0x80, s1, s31, $0xb8;
	[tilespmem:$0x1FE78] =	vst v63  }
0x2d: {  	s26 =	rddreg [dreg:$0xb]  }
0x2e: {  	[tilespmem:s0], [sflag:$0x1] =	stream.linear.gather [hbm4b:s26+s4], $0x80, $0x38;
	[tilespmem:$0x1FE78] =	vst v63  }
0x2f: {  	_ =	swait.ge [sflag:s17], $0x4000  }
0x30: {  	[sflag:s17] =	ssyncset.done $0x0  }
0x31: {  	[sflag:s17] =	ssyncadd.s32 $0xFFFFC000  }
0x32: {  	_ =	swait.ge [sflag:s17], $0x80  }
0x33: {  	[sflag:s17] =	ssyncset.done $0x0  }
0x34: {  	[sflag:s17] =	ssyncadd.s32 $0xFFFFFF80  }
0x35: {  	[spmem:s3] =	stream.indirect.scatter.add.f32 [tilespmem:s13], [sflag:$0x3], $0x80, s28, s31, $0xb8;
	[tilespmem:$0x1FE78] =	vst v63  }
0x36: {  	_ =	swait.ge [sflag:s29], $0x4000  }
0x37: {  	[sflag:s29] =	ssyncset.done $0x0  }
0x38: {  	[sflag:s29] =	ssyncadd.s32 $0xFFFFC000  }
0x39: {  	[spmem:s2] =	stream.indirect.scatter.add.f32 [tilespmem:s16], [sflag:$0x3], $0x1, s28, s31, $0xb8;
	[tilespmem:$0x1FE78] =	vst v63  }
0x3a: {  	_ =	swait.ge [sflag:s29], $0x80  }
0x3b: {  	[sflag:s29] =	ssyncset.done $0x0  }
0x3c: {  	s1 =	simm.s32 $0x1280;
	[sflag:s29] =	ssyncadd.s32 $0xFFFFFF80  }
0x3d: {  	[tilespmem:s13], [sflag:$0x2] =	stream.indirect.gather [hbm4b:s5+s31], $0x80, s1, s31, $0xb8;
	[tilespmem:$0x1FE78] =	vst v63  }
0x3e: {  	s26 =	smov.u32 s22  }
0x3f: {  	[tilespmem:s28], [sflag:$0x2] =	stream.linear.gather [hbm4b:s22+s4], $0x80, $0x38;
	[tilespmem:$0x1FE78] =	vst v63  }
.LBB2_10:
0x40: {  	_ =	swait.ge [sflag:s14], $0x4000  }
0x41: {  	[sflag:s14] =	ssyncset.done $0x0  }
0x42: {  	[sflag:s14] =	ssyncadd.s32 $0xFFFFC000  }
0x43: {  	_ =	swait.ge [sflag:s14], $0x80  }
0x44: {  	[sflag:s14] =	ssyncset.done $0x0  }
0x45: {  	[sflag:s14] =	ssyncadd.s32 $0xFFFFFF80  }
0x46: {  	[spmem:s3] =	stream.indirect.scatter.add.f32 [tilespmem:s30], [sflag:$0x3], $0x80, s0, s31, $0xb8;
	[tilespmem:$0x1FE78] =	vst v63  }
0x47: {  	_ =	swait.ge [sflag:s29], $0x4000  }
0x48: {  	[sflag:s29] =	ssyncset.done $0x0  }
0x49: {  	[sflag:s29] =	ssyncadd.s32 $0xFFFFC000  }
0x4a: {  	[spmem:s2] =	stream.indirect.scatter.add.f32 [tilespmem:s16], [sflag:$0x3], $0x1, s0, s31, $0xb8;
	[tilespmem:$0x1FE78] =	vst v63  }
0x4b: {  	_ =	swait.ge [sflag:s29], $0x80  }
0x4c: {  	[sflag:s29] =	ssyncset.done $0x0  }
0x4d: {  	[sflag:s29] =	ssyncadd.s32 $0xFFFFFF80  }
0x4e: {  	[tilespmem:s30], [sflag:$0x1] =	stream.indirect.gather [hbm4b:s5+s31], $0x80, s1, s31, $0xb8;
	[tilespmem:$0x1FE78] =	vst v63  }
0x4f: {  	_ = 	snop  }
0x50: {  	[tilespmem:s0], [sflag:$0x1] =	stream.linear.gather [hbm4b:s26+s4], $0x80, $0x38;
	[tilespmem:$0x1FE78] =	vst v63  }
0x51: {  	_ =	swait.ge [sflag:s17], $0x4000  }
0x52: {  	[sflag:s17] =	ssyncset.done $0x0  }
0x53: {  	[sflag:s17] =	ssyncadd.s32 $0xFFFFC000  }
0x54: {  	_ =	swait.ge [sflag:s17], $0x80  }
0x55: {  	[sflag:s17] =	ssyncset.done $0x0  }
0x56: {  	[sflag:s17] =	ssyncadd.s32 $0xFFFFFF80  }
0x57: {  	[spmem:s3] =	stream.indirect.scatter.add.f32 [tilespmem:s13], [sflag:$0x3], $0x80, s28, s31, $0xb8;
	[tilespmem:$0x1FE78] =	vst v63  }
0x58: {  	_ =	swait.ge [sflag:s29], $0x4000  }
0x59: {  	[sflag:s29] =	ssyncset.done $0x0  }
0x5a: {  	[sflag:s29] =	ssyncadd.s32 $0xFFFFC000  }
0x5b: {  	[spmem:s2] =	stream.indirect.scatter.add.f32 [tilespmem:s16], [sflag:$0x3], $0x1, s28, s31, $0xb8;
	[tilespmem:$0x1FE78] =	vst v63  }
0x5c: {  	_ =	swait.ge [sflag:s29], $0x80  }
0x5d: {  	[sflag:s29] =	ssyncset.done $0x0  }
0x5e: {  	[sflag:s29] =	ssyncadd.s32 $0xFFFFFF80  }
0x5f: {  	[tilespmem:s13], [sflag:$0x2] =	stream.indirect.gather [hbm4b:s5+s31], $0x80, s1, s31, $0xb8;
	[tilespmem:$0x1FE78] =	vst v63  }
0x60: {  	_ = 	snop  }
0x61: {  	[tilespmem:s28], [sflag:$0x2] =	stream.linear.gather [hbm4b:s26+s4], $0x80, $0x38;
	[tilespmem:$0x1FE78] =	vst v63  }
0x62: {  	_ =	swait.ge [sflag:s14], $0x4000  }
0x63: {  	[sflag:s14] =	ssyncset.done $0x0  }
0x64: {  	[sflag:s14] =	ssyncadd.s32 $0xFFFFC000  }
0x65: {  	_ =	swait.ge [sflag:s14], $0x80  }
0x66: {  	[sflag:s14] =	ssyncset.done $0x0  }
0x67: {  	[sflag:s14] =	ssyncadd.s32 $0xFFFFFF80  }
0x68: {  	_ =	swait.ge [sflag:s17], $0x4000  }
0x69: {  	[sflag:s17] =	ssyncset.done $0x0  }
0x6a: {  	[sflag:s17] =	ssyncadd.s32 $0xFFFFC000  }
0x6b: {  	_ =	swait.ge [sflag:s17], $0x80  }
0x6c: {  	s15 =	stileid.u32;
	[sflag:s17] =	ssyncset.done $0x0  }
0x6d: {  	s1 =	sshll.u32 s15, $0x6;
	[sflag:s17] =	ssyncadd.s32 $0xFFFFFF80  }
0x6e: {  	s12 =	sshrl.u32 s7, $0x3;
	s1 =	sor.u32 $0x1C03, s1;
	[bflag:$0x0] =	sbarrier.arrive $0xFFFF  }
0x6f: {  	[hbm:s18], [sflag:s1] =	dma.local [spmem:s12], $0x2780  }
0x70: {  	s25 =	sadd.s32 $0x1, s25;
	_ =	swait.ge [sflag:s29], $0x2780  }
0x71: {  	p1 =	sne.s32 s25, s20;
	[sflag:s29] =	ssyncset.done $0x0  }
.Ltmp1:
0x72: {  	s26 =	sshrl.u32 s6, $0x3;
	[sflag:s29] =	ssyncadd.s32 $0xFFFFD880;
	(pc) =	sbr.rel @!p1 .LBB2_11-.Ltmp1, $4  }
0x73: {  	[hbm:s19], [sflag:s1] =	dma.local [spmem:s26], $0x4F  }
0x74: {  	_ =	swait.ge [sflag:s29], $0x4F  }
0x75: {  	[sflag:s29] =	ssyncset.done $0x0  }
0x76: {  	[sflag:s29] =	ssyncadd.s32 $0xFFFFFFB1  }
.LBB2_1:
0x77: {  	s1 =	simm.s32 $0x0;
	s26 =	simm.s32 $0x200  }
.LBB2_2:
0x78: {  	p1 =	sne.s32 s26, $0xFE00;
	[tilespmem:s1+$0x3D70] =	vst v0  }
0x79: {  	[tilespmem:s1+$0x3D00] =	vst v0  }
0x7a: {  	[tilespmem:s1+$0x3D10] =	vst v0  }
.Ltmp2:
0x7b: {  	[tilespmem:s1+$0x3D20] =	vst v0;
	(pc) =	sbr.rel @p1 .LBB2_2-.Ltmp2, $4  }
0x7c: {  	[tilespmem:s1+$0x3D30] =	vst v0  }
0x7d: {  	[tilespmem:s1+$0x3D40] =	vst v0  }
0x7e: {  	[tilespmem:s1+$0x3D50] =	vst v0  }
0x7f: {  	[tilespmem:s1+$0x3D60] =	vst v0;
	s1 =	sshra.s32 s26, $0x2;
	s26 =	sadd.s32 $0x200, s26  }
0x80: {  	[tilespmem:s1+$0x3D70] =	vst v0  }
0x81: {  	[tilespmem:s1+$0x3D00] =	vst v0  }
0x82: {  	[tilespmem:s1+$0x3D10] =	vst v0  }
0x83: {  	[tilespmem:s1+$0x3D20] =	vst v0  }
0x84: {  	[tilespmem:s1+$0x3D30] =	vst v0  }
0x85: {  	[tilespmem:s1+$0x3D40] =	vst v0  }
0x86: {  	[tilespmem:s1+$0x3D50] =	vst v0  }
0x87: {  	[tilespmem:s1+$0x3D60] =	vst v0  }
0x88: {  	[tilespmem:$0x1FB78] =	vst v0  }
0x89: {  	[tilespmem:$0x1FB88] =	vst v0  }
0x8a: {  	[tilespmem:$0x1FB98] =	vst v0  }
0x8b: {  	[tilespmem:$0x1FBA8] =	vst v0  }
0x8c: {  	[tilespmem:$0x1FBB8] =	vst v0  }
0x8d: {  	[tilespmem:$0x1FBC8] =	vst v0  }
0x8e: {  	[tilespmem:$0x1FBD8] =	vst v0  }
0x8f: {  	[tilespmem:$0x1FBE8] =	vst v0  }
0x90: {  	[tilespmem:$0x1FBF8] =	vst v0  }
0x91: {  	[tilespmem:$0x1FC08] =	vst v0  }
0x92: {  	[tilespmem:$0x1FC18] =	vst v0  }
0x93: {  	[tilespmem:$0x1FC28] =	vst v0  }
0x94: {  	[tilespmem:$0x1FC38] =	vst v0  }
0x95: {  	[tilespmem:$0x1FC48] =	vst v0  }
0x96: {  	[tilespmem:$0x1FC58] =	vst v0  }
0x97: {  	[tilespmem:$0x1FC68] =	vst v0  }
0x98: {  	[tilespmem:$0x1FC78] =	vst v0  }
0x99: {  	[tilespmem:$0x1FC88] =	vst v0  }
0x9a: {  	[tilespmem:$0x1FC98] =	vst v0  }
0x9b: {  	[tilespmem:$0x1FCA8] =	vst v0  }
0x9c: {  	[tilespmem:$0x1FCB8] =	vst v0  }
0x9d: {  	[tilespmem:$0x1FCC8] =	vst v0  }
0x9e: {  	[tilespmem:$0x1FCD8] =	vst v0  }
0x9f: {  	[tilespmem:$0x1FCE8] =	vst v0  }
0xa0: {  	[tilespmem:$0x1FCF8] =	vst v0  }
0xa1: {  	[tilespmem:$0x1FD08] =	vst v0  }
0xa2: {  	[tilespmem:$0x1FD18] =	vst v0  }
0xa3: {  	[tilespmem:$0x1FD28] =	vst v0  }
0xa4: {  	[tilespmem:$0x1FD38] =	vst v0  }
0xa5: {  	[tilespmem:$0x1FD48] =	vst v0  }
0xa6: {  	[tilespmem:$0x1FD58] =	vst v0  }
0xa7: {  	[tilespmem:$0x1FD68] =	vst v0  }
0xa8: {  	[tilespmem:$0x1FD78] =	vst v0  }
0xa9: {  	[tilespmem:$0x1FD88] =	vst v0  }
0xaa: {  	[tilespmem:$0x1FD98] =	vst v0  }
0xab: {  	[tilespmem:$0x1FDA8] =	vst v0  }
0xac: {  	[tilespmem:$0x1FDB8] =	vst v0  }
0xad: {  	[tilespmem:$0x1FDC8] =	vst v0  }
0xae: {  	[tilespmem:$0x1FDD8] =	vst v0  }
0xaf: {  	[tilespmem:$0x1FDE8] =	vst v0  }
0xb0: {  	[tilespmem:$0x1FDF8] =	vst v1  }
0xb1: {  	[tilespmem:$0x1FE08] =	vst v1  }
0xb2: {  	[tilespmem:$0x1FE18] =	vst v1  }
0xb3: {  	[tilespmem:$0x1FE28] =	vst v1  }
0xb4: {  	[tilespmem:$0x1FE38] =	vst v1  }
0xb5: {  	[tilespmem:$0x1FE48] =	vst v1  }
0xb6: {  	[tilespmem:$0x1FE58] =	vst v1  }
0xb7: {  	s26 =	simm.s32 $0x1FB78;
	[tilespmem:$0x1FE68] =	vst v1  }
0xb8: {  	[spmem:s6] =	stream.linear.scatter [tilespmem:s26], [sflag:$0x3], $0x278, $0x38;
	[tilespmem:$0x1FE78] =	vst v63  }
0xb9: {  	_ =	swait.ge [sflag:s29], $0x278  }
0xba: {  	[sflag:s29] =	ssyncset.done $0x0  }
0xbb: {  	[sflag:s29] =	ssyncadd.s32 $0xFFFFFD88  }
0xbc: {  	[spmem:s7] =	stream.linear.scatter [tilespmem:s30], [sflag:$0x3], $0x4000, $0x38;
	[tilespmem:$0x1FE78] =	vst v63  }
0xbd: {  	_ =	swait.ge [sflag:s29], $0x4000  }
0xbe: {  	[sflag:s29] =	ssyncset.done $0x0  }
0xbf: {  	[sflag:s29] =	ssyncadd.s32 $0xFFFFC000  }
0xc0: {  	[spmem:s8] =	stream.linear.scatter [tilespmem:s30], [sflag:$0x3], $0x4000, $0x38;
	[tilespmem:$0x1FE78] =	vst v63  }
0xc1: {  	_ =	swait.ge [sflag:s29], $0x4000  }
0xc2: {  	[sflag:s29] =	ssyncset.done $0x0  }
0xc3: {  	[sflag:s29] =	ssyncadd.s32 $0xFFFFC000  }
0xc4: {  	[spmem:s9] =	stream.linear.scatter [tilespmem:s30], [sflag:$0x3], $0x4000, $0x38;
	[tilespmem:$0x1FE78] =	vst v63  }
0xc5: {  	_ =	swait.ge [sflag:s29], $0x4000  }
0xc6: {  	[sflag:s29] =	ssyncset.done $0x0  }
0xc7: {  	[sflag:s29] =	ssyncadd.s32 $0xFFFFC000  }
0xc8: {  	[spmem:s10] =	stream.linear.scatter [tilespmem:s30], [sflag:$0x3], $0x4000, $0x38;
	[tilespmem:$0x1FE78] =	vst v63  }
0xc9: {  	_ =	swait.ge [sflag:s29], $0x4000  }
0xca: {  	[sflag:s29] =	ssyncset.done $0x0  }
0xcb: {  	[sflag:s29] =	ssyncadd.s32 $0xFFFFC000  }
0xcc: {  	[spmem:s11] =	stream.linear.scatter [tilespmem:s30], [sflag:$0x3], $0x3C00, $0x38;
	[tilespmem:$0x1FE78] =	vst v63  }
.Ltmp3:
0xcd: {  	_ =	swait.ge [sflag:s29], $0x3C00;
	(pc) =	sbr.rel @p0 .LBB2_7-.Ltmp3, $3  }
0xce: {  	[sflag:s29] =	ssyncset.done $0x0  }
0xcf: {  	[sflag:s29] =	ssyncadd.s32 $0xFFFFC400  }
0xd0: {  	[bflag:$0x0] =	sbarrier.arrive $0xFFFF;
	_ =	sdelay $0x1  }
0xd1: {  	s1 =	rddreg [dreg:$0x9]  }
0xd2: {  	[tilespmem:s4], [sflag:$0x3] =	stream.linear.gather [hbm4b:s1+s4], $0x3C00, $0x38;
	[tilespmem:$0x1FE78] =	vst v63  }
0xd3: {  	_ =	swait.ge [sflag:s29], $0x3C00  }
0xd4: {  	[sflag:s29] =	ssyncset.done $0x0  }
0xd5: {  	[sflag:s29] =	ssyncadd.s32 $0xFFFFC400  }
0xd6: {  	[tilespmem:s30], [sflag:$0x1] =	stream.indirect.gather [hbm4b:s5+s31], $0x80, s4, s31, $0xb8;
	[tilespmem:$0x1FE78] =	vst v63  }
0xd7: {  	s12 =	rddreg [dreg:$0x8]  }
0xd8: {  	[tilespmem:s0], [sflag:$0x1] =	stream.linear.gather [hbm4b:s12+s4], $0x80, $0x38;
	[tilespmem:$0x1FE78] =	vst v63  }
0xd9: {  	_ = 	snop  }
0xda: {  	[tilespmem:s13], [sflag:$0x2] =	stream.indirect.gather [hbm4b:s5+s31], $0x80, s31, s31, $0xb8;
	[tilespmem:$0x1FE78] =	vst v63  }
0xdb: {  	s15 =	rddreg [dreg:$0xa]  }
0xdc: {  	[tilespmem:s28], [sflag:$0x2] =	stream.linear.gather [hbm4b:s15+s4], $0x80, $0x38;
	[tilespmem:$0x1FE78] =	vst v63  }
0xdd: {  	_ =	swait.ge [sflag:s14], $0x4000  }
0xde: {  	[sflag:s14] =	ssyncset.done $0x0  }
0xdf: {  	[sflag:s14] =	ssyncadd.s32 $0xFFFFC000  }
0xe0: {  	_ =	swait.ge [sflag:s14], $0x80  }
0xe1: {  	[sflag:s14] =	ssyncset.done $0x0  }
0xe2: {  	[sflag:s14] =	ssyncadd.s32 $0xFFFFFF80  }
0xe3: {  	[spmem:s3] =	stream.indirect.scatter.add.f32 [tilespmem:s30], [sflag:$0x3], $0x80, s0, s31, $0xb8;
	[tilespmem:$0x1FE78] =	vst v63  }
0xe4: {  	_ =	swait.ge [sflag:s29], $0x4000  }
0xe5: {  	[sflag:s29] =	ssyncset.done $0x0  }
0xe6: {  	[sflag:s29] =	ssyncadd.s32 $0xFFFFC000  }
0xe7: {  	[spmem:s2] =	stream.indirect.scatter.add.f32 [tilespmem:s16], [sflag:$0x3], $0x1, s0, s31, $0xb8;
	[tilespmem:$0x1FE78] =	vst v63  }
0xe8: {  	_ =	swait.ge [sflag:s29], $0x80  }
0xe9: {  	[sflag:s29] =	ssyncset.done $0x0  }
0xea: {  	s26 =	simm.s32 $0x100;
	s12 =	sadd.s32 $0xFFFFF8C0, s23;
	[sflag:s29] =	ssyncadd.s32 $0xFFFFFF80  }
0xeb: {  	[tilespmem:s30], [sflag:$0x1] =	stream.indirect.gather [hbm4b:s5+s31], $0x80, s26, s31, $0xb8;
	[tilespmem:$0x1FE78] =	vst v63  }
0xec: {  	s15 =	sadd.s32 $0x760, s12  }
0xed: {  	[tilespmem:s0], [sflag:$0x1] =	stream.linear.gather [hbm4b:s15+s4], $0x80, $0x38;
	[tilespmem:$0x1FE78] =	vst v63  }
0xee: {  	_ =	swait.ge [sflag:s17], $0x4000  }
0xef: {  	[sflag:s17] =	ssyncset.done $0x0  }
0xf0: {  	[sflag:s17] =	ssyncadd.s32 $0xFFFFC000  }
0xf1: {  	_ =	swait.ge [sflag:s17], $0x80  }
0xf2: {  	[sflag:s17] =	ssyncset.done $0x0  }
0xf3: {  	[sflag:s17] =	ssyncadd.s32 $0xFFFFFF80  }
0xf4: {  	[spmem:s3] =	stream.indirect.scatter.add.f32 [tilespmem:s13], [sflag:$0x3], $0x80, s28, s31, $0xb8;
	[tilespmem:$0x1FE78] =	vst v63  }
0xf5: {  	_ =	swait.ge [sflag:s29], $0x4000  }
0xf6: {  	[sflag:s29] =	ssyncset.done $0x0  }
0xf7: {  	[sflag:s29] =	ssyncadd.s32 $0xFFFFC000  }
0xf8: {  	[spmem:s2] =	stream.indirect.scatter.add.f32 [tilespmem:s16], [sflag:$0x3], $0x1, s28, s31, $0xb8;
	[tilespmem:$0x1FE78] =	vst v63  }
0xf9: {  	_ =	swait.ge [sflag:s29], $0x80  }
0xfa: {  	[sflag:s29] =	ssyncset.done $0x0  }
0xfb: {  	s26 =	simm.s32 $0x180;
	[sflag:s29] =	ssyncadd.s32 $0xFFFFFF80  }
0xfc: {  	[tilespmem:s13], [sflag:$0x2] =	stream.indirect.gather [hbm4b:s5+s31], $0x80, s26, s31, $0xb8;
	[tilespmem:$0x1FE78] =	vst v63  }
0xfd: {  	s1 =	simm.s32 $0x200;
	s12 =	sadd.s32 $0x770, s12;
	s26 =	simm.s32 $0xFFFFF8E0  }
.LBB2_5:
0xfe: {  	[tilespmem:s28], [sflag:$0x2] =	stream.linear.gather [hbm4b:s12+s4], $0x80, $0x38;
	[tilespmem:$0x1FE78] =	vst v63  }
0xff: {  	s12 =	smov.u32 s26  }
0x100: {  	p1 =	seq.s32 s26, $0xFFFFFFE0;
	s26 =	sadd.s32 $0x20, s26;
	_ =	swait.ge [sflag:s14], $0x4000  }
0x101: {  	[sflag:s14] =	ssyncset.done $0x0  }
0x102: {  	[sflag:s14] =	ssyncadd.s32 $0xFFFFC000  }
0x103: {  	_ =	swait.ge [sflag:s14], $0x80  }
0x104: {  	[sflag:s14] =	ssyncset.done $0x0  }
0x105: {  	[sflag:s14] =	ssyncadd.s32 $0xFFFFFF80  }
0x106: {  	[spmem:s3] =	stream.indirect.scatter.add.f32 [tilespmem:s30], [sflag:$0x3], $0x80, s0, s31, $0xb8;
	[tilespmem:$0x1FE78] =	vst v63  }
0x107: {  	_ =	swait.ge [sflag:s29], $0x4000  }
0x108: {  	[sflag:s29] =	ssyncset.done $0x0  }
0x109: {  	[sflag:s29] =	ssyncadd.s32 $0xFFFFC000  }
0x10a: {  	[spmem:s2] =	stream.indirect.scatter.add.f32 [tilespmem:s16], [sflag:$0x3], $0x1, s0, s31, $0xb8;
	[tilespmem:$0x1FE78] =	vst v63  }
0x10b: {  	_ =	swait.ge [sflag:s29], $0x80  }
0x10c: {  	[sflag:s29] =	ssyncset.done $0x0  }
0x10d: {  	s12 =	sadd.s32 s12, s23;
	[sflag:s29] =	ssyncadd.s32 $0xFFFFFF80  }
0x10e: {  	[tilespmem:s30], [sflag:$0x1] =	stream.indirect.gather [hbm4b:s5+s31], $0x80, s1, s31, $0xb8;
	[tilespmem:$0x1FE78] =	vst v63  }
0x10f: {  	s15 =	sadd.s32 $0x760, s12  }
0x110: {  	[tilespmem:s0], [sflag:$0x1] =	stream.linear.gather [hbm4b:s15+s4], $0x80, $0x38;
	[tilespmem:$0x1FE78] =	vst v63  }
0x111: {  	_ =	swait.ge [sflag:s17], $0x4000  }
0x112: {  	[sflag:s17] =	ssyncset.done $0x0  }
0x113: {  	[sflag:s17] =	ssyncadd.s32 $0xFFFFC000  }
0x114: {  	_ =	swait.ge [sflag:s17], $0x80  }
0x115: {  	[sflag:s17] =	ssyncset.done $0x0  }
0x116: {  	[sflag:s17] =	ssyncadd.s32 $0xFFFFFF80  }
0x117: {  	[spmem:s3] =	stream.indirect.scatter.add.f32 [tilespmem:s13], [sflag:$0x3], $0x80, s28, s31, $0xb8;
	[tilespmem:$0x1FE78] =	vst v63  }
0x118: {  	_ =	swait.ge [sflag:s29], $0x4000  }
0x119: {  	[sflag:s29] =	ssyncset.done $0x0  }
0x11a: {  	[sflag:s29] =	ssyncadd.s32 $0xFFFFC000  }
0x11b: {  	[spmem:s2] =	stream.indirect.scatter.add.f32 [tilespmem:s16], [sflag:$0x3], $0x1, s28, s31, $0xb8;
	[tilespmem:$0x1FE78] =	vst v63  }
.Ltmp4:
0x11c: {  	_ =	swait.ge [sflag:s29], $0x80;
	(pc) =	sbr.rel @!p1 .LBB2_5-.Ltmp4, $4  }
0x11d: {  	[sflag:s29] =	ssyncset.done $0x0  }
0x11e: {  	s15 =	sadd.s32 $0x80, s1;
	[sflag:s29] =	ssyncadd.s32 $0xFFFFFF80  }
0x11f: {  	[tilespmem:s13], [sflag:$0x2] =	stream.indirect.gather [hbm4b:s5+s31], $0x80, s15, s31, $0xb8;
	[tilespmem:$0x1FE78] =	vst v63  }
0x120: {  	s12 =	sadd.s32 $0x770, s12;
	s1 =	sadd.s32 $0x100, s1  }
0x121: {  	[tilespmem:s28], [sflag:$0x2] =	stream.linear.gather [hbm4b:s12+s4], $0x80, $0x38;
	[tilespmem:$0x1FE78] =	vst v63  }
0x122: {  	_ =	swait.ge [sflag:s14], $0x4000  }
0x123: {  	[sflag:s14] =	ssyncset.done $0x0  }
0x124: {  	[sflag:s14] =	ssyncadd.s32 $0xFFFFC000  }
0x125: {  	_ =	swait.ge [sflag:s14], $0x80  }
0x126: {  	[sflag:s14] =	ssyncset.done $0x0  }
0x127: {  	[sflag:s14] =	ssyncadd.s32 $0xFFFFFF80  }
0x128: {  	[spmem:s3] =	stream.indirect.scatter.add.f32 [tilespmem:s30], [sflag:$0x3], $0x80, s0, s31, $0xb8;
	[tilespmem:$0x1FE78] =	vst v63  }
0x129: {  	_ =	swait.ge [sflag:s29], $0x4000  }
0x12a: {  	[sflag:s29] =	ssyncset.done $0x0  }
0x12b: {  	[sflag:s29] =	ssyncadd.s32 $0xFFFFC000  }
0x12c: {  	[spmem:s2] =	stream.indirect.scatter.add.f32 [tilespmem:s16], [sflag:$0x3], $0x1, s0, s31, $0xb8;
	[tilespmem:$0x1FE78] =	vst v63  }
0x12d: {  	_ =	swait.ge [sflag:s29], $0x80  }
0x12e: {  	[sflag:s29] =	ssyncset.done $0x0  }
0x12f: {  	s1 =	simm.s32 $0x3B00;
	[sflag:s29] =	ssyncadd.s32 $0xFFFFFF80  }
0x130: {  	[tilespmem:s30], [sflag:$0x1] =	stream.indirect.gather [hbm4b:s5+s31], $0x80, s1, s31, $0xb8;
	[tilespmem:$0x1FE78] =	vst v63  }
0x131: {  	s26 =	rddreg [dreg:$0xc]  }
0x132: {  	[tilespmem:s0], [sflag:$0x1] =	stream.linear.gather [hbm4b:s26+s4], $0x80, $0x38;
	[tilespmem:$0x1FE78] =	vst v63  }
0x133: {  	_ =	swait.ge [sflag:s17], $0x4000  }
0x134: {  	[sflag:s17] =	ssyncset.done $0x0  }
0x135: {  	[sflag:s17] =	ssyncadd.s32 $0xFFFFC000  }
0x136: {  	_ =	swait.ge [sflag:s17], $0x80  }
0x137: {  	[sflag:s17] =	ssyncset.done $0x0  }
0x138: {  	[sflag:s17] =	ssyncadd.s32 $0xFFFFFF80  }
0x139: {  	[spmem:s3] =	stream.indirect.scatter.add.f32 [tilespmem:s13], [sflag:$0x3], $0x80, s28, s31, $0xb8;
	[tilespmem:$0x1FE78] =	vst v63  }
0x13a: {  	_ =	swait.ge [sflag:s29], $0x4000  }
0x13b: {  	[sflag:s29] =	ssyncset.done $0x0  }
0x13c: {  	[sflag:s29] =	ssyncadd.s32 $0xFFFFC000  }
0x13d: {  	[spmem:s2] =	stream.indirect.scatter.add.f32 [tilespmem:s16], [sflag:$0x3], $0x1, s28, s31, $0xb8;
	[tilespmem:$0x1FE78] =	vst v63  }
0x13e: {  	_ =	swait.ge [sflag:s29], $0x80  }
.Ltmp5:
0x13f: {  	[sflag:s29] =	ssyncset.done $0x0;
	(pc) =	sbr.rel .LBB2_10-.Ltmp5, $4  }
0x140: {  	s1 =	simm.s32 $0x3B80;
	[sflag:s29] =	ssyncadd.s32 $0xFFFFFF80  }
0x141: {  	[tilespmem:s13], [sflag:$0x2] =	stream.indirect.gather [hbm4b:s5+s31], $0x80, s1, s31, $0xb8;
	[tilespmem:$0x1FE78] =	vst v63  }
0x142: {  	s26 =	smov.u32 s24  }
0x143: {  	[tilespmem:s28], [sflag:$0x2] =	stream.linear.gather [hbm4b:s24+s4], $0x80, $0x38;
	[tilespmem:$0x1FE78] =	vst v63  }
.LBB2_7:
0x144: {  	s1 =	rddreg [dreg:$0x6]  }
0x145: {  	[tilespmem:s4], [sflag:$0x3] =	stream.linear.gather [hbm4b:s1+s4], $0x1300, $0x38;
	[tilespmem:$0x1FE78] =	vst v63  }
0x146: {  	_ =	swait.ge [sflag:s29], $0x1300  }
0x147: {  	[sflag:s29] =	ssyncset.done $0x0  }
0x148: {  	[sflag:s29] =	ssyncadd.s32 $0xFFFFED00  }
0x149: {  	[tilespmem:s30], [sflag:$0x1] =	stream.indirect.gather [hbm4b:s5+s31], $0x80, s4, s31, $0xb8;
	[tilespmem:$0x1FE78] =	vst v63  }
0x14a: {  	s12 =	rddreg [dreg:$0x5]  }
0x14b: {  	[tilespmem:s0], [sflag:$0x1] =	stream.linear.gather [hbm4b:s12+s4], $0x80, $0x38;
	[tilespmem:$0x1FE78] =	vst v63  }
0x14c: {  	_ = 	snop  }
0x14d: {  	[tilespmem:s13], [sflag:$0x2] =	stream.indirect.gather [hbm4b:s5+s31], $0x80, s31, s31, $0xb8;
	[tilespmem:$0x1FE78] =	vst v63  }
0x14e: {  	s15 =	rddreg [dreg:$0x7]  }
0x14f: {  	[tilespmem:s28], [sflag:$0x2] =	stream.linear.gather [hbm4b:s15+s4], $0x80, $0x38;
	[tilespmem:$0x1FE78] =	vst v63  }
0x150: {  	_ =	swait.ge [sflag:s14], $0x4000  }
0x151: {  	[sflag:s14] =	ssyncset.done $0x0  }
0x152: {  	[sflag:s14] =	ssyncadd.s32 $0xFFFFC000  }
0x153: {  	_ =	swait.ge [sflag:s14], $0x80  }
0x154: {  	[sflag:s14] =	ssyncset.done $0x0  }
0x155: {  	[sflag:s14] =	ssyncadd.s32 $0xFFFFFF80  }
0x156: {  	[spmem:s3] =	stream.indirect.scatter.add.f32 [tilespmem:s30], [sflag:$0x3], $0x80, s0, s31, $0xb8;
	[tilespmem:$0x1FE78] =	vst v63  }
0x157: {  	_ =	swait.ge [sflag:s29], $0x4000  }
0x158: {  	[sflag:s29] =	ssyncset.done $0x0  }
0x159: {  	[sflag:s29] =	ssyncadd.s32 $0xFFFFC000  }
0x15a: {  	[spmem:s2] =	stream.indirect.scatter.add.f32 [tilespmem:s16], [sflag:$0x3], $0x1, s0, s31, $0xb8;
	[tilespmem:$0x1FE78] =	vst v63  }
0x15b: {  	_ =	swait.ge [sflag:s29], $0x80  }
0x15c: {  	[sflag:s29] =	ssyncset.done $0x0  }
0x15d: {  	s26 =	simm.s32 $0x100;
	s12 =	sadd.s32 $0xFFFFFDE0, s21;
	[sflag:s29] =	ssyncadd.s32 $0xFFFFFF80  }
0x15e: {  	[tilespmem:s30], [sflag:$0x1] =	stream.indirect.gather [hbm4b:s5+s31], $0x80, s26, s31, $0xb8;
	[tilespmem:$0x1FE78] =	vst v63  }
0x15f: {  	s15 =	sadd.s32 $0x240, s12  }
0x160: {  	[tilespmem:s0], [sflag:$0x1] =	stream.linear.gather [hbm4b:s15+s4], $0x80, $0x38;
	[tilespmem:$0x1FE78] =	vst v63  }
0x161: {  	_ =	swait.ge [sflag:s17], $0x4000  }
0x162: {  	[sflag:s17] =	ssyncset.done $0x0  }
0x163: {  	[sflag:s17] =	ssyncadd.s32 $0xFFFFC000  }
0x164: {  	_ =	swait.ge [sflag:s17], $0x80  }
0x165: {  	[sflag:s17] =	ssyncset.done $0x0  }
0x166: {  	[sflag:s17] =	ssyncadd.s32 $0xFFFFFF80  }
0x167: {  	[spmem:s3] =	stream.indirect.scatter.add.f32 [tilespmem:s13], [sflag:$0x3], $0x80, s28, s31, $0xb8;
	[tilespmem:$0x1FE78] =	vst v63  }
0x168: {  	_ =	swait.ge [sflag:s29], $0x4000  }
0x169: {  	[sflag:s29] =	ssyncset.done $0x0  }
0x16a: {  	[sflag:s29] =	ssyncadd.s32 $0xFFFFC000  }
0x16b: {  	[spmem:s2] =	stream.indirect.scatter.add.f32 [tilespmem:s16], [sflag:$0x3], $0x1, s28, s31, $0xb8;
	[tilespmem:$0x1FE78] =	vst v63  }
0x16c: {  	_ =	swait.ge [sflag:s29], $0x80  }
0x16d: {  	[sflag:s29] =	ssyncset.done $0x0  }
0x16e: {  	s26 =	simm.s32 $0x180;
	[sflag:s29] =	ssyncadd.s32 $0xFFFFFF80  }
0x16f: {  	[tilespmem:s13], [sflag:$0x2] =	stream.indirect.gather [hbm4b:s5+s31], $0x80, s26, s31, $0xb8;
	[tilespmem:$0x1FE78] =	vst v63  }
0x170: {  	s1 =	simm.s32 $0x200;
	s12 =	sadd.s32 $0x250, s12;
	s26 =	simm.s32 $0xFFFFFE00  }
.LBB2_8:
0x171: {  	[tilespmem:s28], [sflag:$0x2] =	stream.linear.gather [hbm4b:s12+s4], $0x80, $0x38;
	[tilespmem:$0x1FE78] =	vst v63  }
0x172: {  	s12 =	smov.u32 s26  }
0x173: {  	p1 =	seq.s32 s26, $0xFFFFFFE0;
	s26 =	sadd.s32 $0x20, s26;
	_ =	swait.ge [sflag:s14], $0x4000  }
0x174: {  	[sflag:s14] =	ssyncset.done $0x0  }
0x175: {  	[sflag:s14] =	ssyncadd.s32 $0xFFFFC000  }
0x176: {  	_ =	swait.ge [sflag:s14], $0x80  }
0x177: {  	[sflag:s14] =	ssyncset.done $0x0  }
0x178: {  	[sflag:s14] =	ssyncadd.s32 $0xFFFFFF80  }
0x179: {  	[spmem:s3] =	stream.indirect.scatter.add.f32 [tilespmem:s30], [sflag:$0x3], $0x80, s0, s31, $0xb8;
	[tilespmem:$0x1FE78] =	vst v63  }
0x17a: {  	_ =	swait.ge [sflag:s29], $0x4000  }
0x17b: {  	[sflag:s29] =	ssyncset.done $0x0  }
0x17c: {  	[sflag:s29] =	ssyncadd.s32 $0xFFFFC000  }
0x17d: {  	[spmem:s2] =	stream.indirect.scatter.add.f32 [tilespmem:s16], [sflag:$0x3], $0x1, s0, s31, $0xb8;
	[tilespmem:$0x1FE78] =	vst v63  }
0x17e: {  	_ =	swait.ge [sflag:s29], $0x80  }
0x17f: {  	[sflag:s29] =	ssyncset.done $0x0  }
0x180: {  	s12 =	sadd.s32 s12, s21;
	[sflag:s29] =	ssyncadd.s32 $0xFFFFFF80  }
0x181: {  	[tilespmem:s30], [sflag:$0x1] =	stream.indirect.gather [hbm4b:s5+s31], $0x80, s1, s31, $0xb8;
	[tilespmem:$0x1FE78] =	vst v63  }
0x182: {  	s15 =	sadd.s32 $0x240, s12  }
0x183: {  	[tilespmem:s0], [sflag:$0x1] =	stream.linear.gather [hbm4b:s15+s4], $0x80, $0x38;
	[tilespmem:$0x1FE78] =	vst v63  }
0x184: {  	_ =	swait.ge [sflag:s17], $0x4000  }
0x185: {  	[sflag:s17] =	ssyncset.done $0x0  }
0x186: {  	[sflag:s17] =	ssyncadd.s32 $0xFFFFC000  }
0x187: {  	_ =	swait.ge [sflag:s17], $0x80  }
0x188: {  	[sflag:s17] =	ssyncset.done $0x0  }
0x189: {  	[sflag:s17] =	ssyncadd.s32 $0xFFFFFF80  }
0x18a: {  	[spmem:s3] =	stream.indirect.scatter.add.f32 [tilespmem:s13], [sflag:$0x3], $0x80, s28, s31, $0xb8;
	[tilespmem:$0x1FE78] =	vst v63  }
0x18b: {  	_ =	swait.ge [sflag:s29], $0x4000  }
0x18c: {  	[sflag:s29] =	ssyncset.done $0x0  }
0x18d: {  	[sflag:s29] =	ssyncadd.s32 $0xFFFFC000  }
0x18e: {  	[spmem:s2] =	stream.indirect.scatter.add.f32 [tilespmem:s16], [sflag:$0x3], $0x1, s28, s31, $0xb8;
	[tilespmem:$0x1FE78] =	vst v63  }
.Ltmp6:
0x18f: {  	_ =	swait.ge [sflag:s29], $0x80;
	(pc) =	sbr.rel @!p1 .LBB2_8-.Ltmp6, $4  }
0x190: {  	[sflag:s29] =	ssyncset.done $0x0  }
0x191: {  	s15 =	sadd.s32 $0x80, s1;
	[sflag:s29] =	ssyncadd.s32 $0xFFFFFF80  }
0x192: {  	[tilespmem:s13], [sflag:$0x2] =	stream.indirect.gather [hbm4b:s5+s31], $0x80, s15, s31, $0xb8;
	[tilespmem:$0x1FE78] =	vst v63  }
0x193: {  	s12 =	sadd.s32 $0x250, s12;
	s1 =	sadd.s32 $0x100, s1  }
.Ltmp7:
0x194: {  	_ = 	snop;
	(pc) =	sbr.rel .LBB2_9-.Ltmp7, $1  }
0x195: {  	_ =	sdelay $0x3  }
.LBB2_11:
0x196: {  	_ =	sfence.sel $0x180000  }
0x197: {  	[bflag:$0x0] =	sbarrier.arrive $0xFFFF  }
0x198: {  	_ =	strace $0x90000047  }
0x199: {  	s0 =	stileid.u32;
	[bflag:$0x2] =	sbarrier.arrive $0xFFFF  }
0x19a: {  	p0 =	sne.s32 s0, $0x0;
	s0 =	rddreg [dreg:$0x4]  }
0x19b: {  	s0 =	sadd.s32 @!p0 $0x100000, s0  }
0x19c: {  	[sflag:s0] =	ssyncadd.tile.s32 @!p0 $0x1;
	_ =	shalt  }
.Lfunc_end2:
_tile_overlayer_lowered:
.L_overlay_start_2:
0x19d: {  	(tag) =	ssettag $0x2  }
0x19e: {  	s0 =	rddreg [dreg:$0x0];
	s2 =	stileid.u32  }
0x19f: {  	s1 =	rddreg [dreg:$0x1];
	p0 =	sne.s32 s2, $0x0  }
0x1a0: {  	s3 =	rddreg [dreg:$0x2];
	[bflag:$0x3] =	sbarrier.arrive $0xFFFF;
	s2 =	simm.s32 @!p0 $0x1C03  }
0x1a1: {  	[timem:s3], [sflag:s2] =	dma.local @!p0 [hbm:s0], s1  }
0x1a2: {  	s0 =	simm.s32 @!p0 $0x3  }
0x1a3: {  	_ =	swait.ge @!p0 [sflag:s0], s1  }
0x1a4: {  	s1 =	ssub.s32 @!p0 $0x0, s1;
	[sflag:s0] =	ssyncset.done @!p0 $0x0  }
0x1a5: {  	[sflag:s0] =	ssyncadd.s32 @!p0 s1  }
0x1a6: {  	[bflag:$0x3] =	sbarrier.arrive $0xFFFF  }
0x1a7: {  	_ =	shalt  }

</sc_bundles>
